<compile_context>
chip_gen: v7x
topology: tpu7x:2x2x1
jax: 0.10.2.dev20260603
libtpu: 0.0.44.dev20260713+nightly
codegen_flags: <defaults>
</compile_context>

<pallas_src>
import functools

import jax
import jax.numpy as jnp
from jax import lax
from jax.experimental import pallas as pl
from jax.experimental.pallas import tpu as pltpu
from jax.experimental.pallas import tpu_sc as plsc

B, T, D = 1024, 200, 64
N = B * T
NC, NS, L = 2, 16, 16
NW = NC * NS
PER_W = N // NW
CH = 400
G = PER_W // CH
NBUF = 4
LOOK = 2

_mesh = plsc.VectorSubcoreMesh(core_axis_name="c", subcore_axis_name="s")


@functools.partial(
    pl.kernel,
    mesh=_mesh,
    out_type=jax.ShapeDtypeStruct((N, D), jnp.float32),
    scratch_types=[
        pltpu.VMEM((1, G, CH), jnp.int32),
        pltpu.VMEM((1, G, CH), jnp.int32),
        pltpu.VMEM((NBUF, CH, D), jnp.float32),
        [pltpu.SemaphoreType.DMA] * NBUF,
        [pltpu.SemaphoreType.DMA] * NBUF,
        [pltpu.SemaphoreType.DMA] * NBUF,
    ],
    compiler_params=pltpu.CompilerParams(use_tc_tiling_on_sc=False),
)
def _sc_embed(idx0_hbm, idx1_hbm, tab_hbm, out_hbm,
              idx0_v, idx1_v, buf, ga, gb, gc):
    wid = lax.axis_index("s") * NC + lax.axis_index("c")
    gbase = wid * G
    pltpu.sync_copy(idx0_hbm.at[pl.ds(wid, 1)], idx0_v)
    pltpu.sync_copy(idx1_hbm.at[pl.ds(wid, 1)], idx1_v)

    def gather(j, idx_v, sem, add):
        b = j % NBUF
        pltpu.async_copy(tab_hbm.at[idx_v.at[0, j]], buf.at[b], sem[b],
                         add=add)

    def wait_gather(j, idx_v, sem):
        b = j % NBUF
        pltpu.make_async_copy(tab_hbm.at[idx_v.at[0, j]], buf.at[b],
                              sem[b]).wait()

    def scatter(j):
        b = j % NBUF
        pltpu.async_copy(buf.at[b], out_hbm.at[pl.ds((gbase + j) * CH, CH)],
                         gc[b])

    def wait_scatter(j):
        b = j % NBUF
        pltpu.make_async_copy(buf.at[b], out_hbm.at[pl.ds((gbase + j) * CH, CH)],
                              gc[b]).wait()

    for j in range(LOOK):
        gather(j, idx0_v, ga, False)
    for j in range(G):
        if j + LOOK < G:
            if j >= NBUF - LOOK:
                wait_scatter(j - (NBUF - LOOK))
            gather(j + LOOK, idx0_v, ga, False)
        wait_gather(j, idx0_v, ga)
        gather(j, idx1_v, gb, True)
        wait_gather(j, idx1_v, gb)
        scatter(j)
    for j in range(G - NBUF, G):
        wait_scatter(j)


def kernel(X, w_embed):
    Xf = X.reshape(N, 2).astype(jnp.int32)
    idx0 = Xf[:, 0].reshape(NW, G, CH)
    idx1 = Xf[:, 1].reshape(NW, G, CH)
    h = _sc_embed(idx0, idx1, w_embed)
    return h.reshape(B, T, D), w_embed

# --- scband reference (transcript-rebuilt; emitter-appended) ---
"""Pipeline reference for scband-embedding-26087631356393 (READ-ONLY COPY).

The authoritative reference and input builder live on the scoring server;
editing this copy changes nothing except your own understanding.
"""

import jax, jax.numpy as jnp
import numpy as np

N_VOCAB = 100000
N_SPECIAL = 3
N_CTX = 200
N_EMBD = 64
TOTAL_ROWS = N_VOCAB + N_SPECIAL + N_CTX  # 100203
BATCH = 1024


def setup_inputs(seed: int = 0) -> dict:
    key = jax.random.key(seed)
    k1, k2 = jax.random.split(key)
    # X: [batch, n_ctx, 2] -> (token_id, position_id) pairs, GPT-1 style
    X = jax.random.randint(k1, (BATCH, N_CTX, 2), 0, TOTAL_ROWS, dtype=jnp.int64 if jax.config.jax_enable_x64 else jnp.int32)
    # single fused embedding table: vocab + special + positional rows
    w_embed = jax.random.normal(k2, (TOTAL_ROWS, N_EMBD), dtype=jnp.float32) * 0.02
    return {"X": X, "w_embed": w_embed}


def reference(X, w_embed):
    # pdrop=0.0 so dropout is the identity; freeze_emb=False path
    e = jnp.take(w_embed, X, axis=0)        # gather -> [B, T, 2, n_embd]
    h = jnp.sum(e, axis=2)                   # sum token + position embeddings -> [B, T, n_embd]
    return (h, w_embed)

if __name__ == "__main__":
    import jax
    _d = setup_inputs()
    print(jax.jit(kernel)(*tuple(_d.values())))

</pallas_src>

<mosaic_0001>
#map = affine_map<(d0, d1) -> (0, 0, 0)>
#map1 = affine_map<(d0, d1) -> (0, 0)>
module attributes {stable_mosaic.version = 14 : i64} {
  func.func @_sc_embed(%arg0: i32, %arg1: i32, %arg2: memref<32x16x400xi32, #tpu.memory_space<hbm>>, %arg3: memref<32x16x400xi32, #tpu.memory_space<hbm>>, %arg4: memref<100203x64xf32, #tpu.memory_space<hbm>>, %arg5: memref<204800x64xf32, #tpu.memory_space<hbm>>, %arg6: memref<1x16x400xi32, #tpu.memory_space<vmem>>, %arg7: memref<1x16x400xi32, #tpu.memory_space<vmem>>, %arg8: memref<4x400x64xf32, #tpu.memory_space<vmem>>, %arg9: memref<!tpu.dma_semaphore, #tpu.memory_space<semaphore_mem>>, %arg10: memref<!tpu.dma_semaphore, #tpu.memory_space<semaphore_mem>>, %arg11: memref<!tpu.dma_semaphore, #tpu.memory_space<semaphore_mem>>, %arg12: memref<!tpu.dma_semaphore, #tpu.memory_space<semaphore_mem>>, %arg13: memref<!tpu.dma_semaphore, #tpu.memory_space<semaphore_mem>>, %arg14: memref<!tpu.dma_semaphore, #tpu.memory_space<semaphore_mem>>, %arg15: memref<!tpu.dma_semaphore, #tpu.memory_space<semaphore_mem>>, %arg16: memref<!tpu.dma_semaphore, #tpu.memory_space<semaphore_mem>>, %arg17: memref<!tpu.dma_semaphore, #tpu.memory_space<semaphore_mem>>, %arg18: memref<!tpu.dma_semaphore, #tpu.memory_space<semaphore_mem>>, %arg19: memref<!tpu.dma_semaphore, #tpu.memory_space<semaphore_mem>>, %arg20: memref<!tpu.dma_semaphore, #tpu.memory_space<semaphore_mem>>) attributes {dimension_semantics = [#tpu.dimension_semantics<core_parallel>, #tpu.dimension_semantics<subcore_parallel>], iteration_bounds = array<i64: 2, 16>, scalar_prefetch = 0 : i64, scratch_operands = 15 : i64, tpu.core_type = #tpu.core_type<sc_vector_subcore>, window_params = [{transform_indices = #map}, {transform_indices = #map}, {transform_indices = #map1}, {transform_indices = #map1}]} {
    %mul3A = arith.constant 2 : i32
    %mul3A_0 = arith.muli %arg1, %mul3A : i32
    %add3A = arith.addi %mul3A_0, %arg0 : i32
    %mul3A_1 = arith.constant 16 : i32
    %mul3A_2 = arith.muli %add3A, %mul3A_1 : i32
    "tpu.region"() ({
      %run_scoped3A = tpu.sem_alloc : memref<!tpu.dma_semaphore, #tpu.memory_space<semaphore_mem>>
      %dma_start3A_1377 = arith.constant 0 : i32
      %dma_start3A_1378 = arith.constant 0 : i32
      %dma_start3A_1379 = tpu.memref_slice %arg2[%add3A, %dma_start3A_1377, %dma_start3A_1378] : memref<32x16x400xi32, #tpu.memory_space<hbm>> -> memref<1x16x400xi32, #tpu.memory_space<hbm>>
      %dma_start3A_1380 = arith.constant 0 : i32
      %dma_start3A_1381 = arith.constant 0 : i32
      %dma_start3A_1382 = tpu.memref_slice %arg2[%add3A, %dma_start3A_1380, %dma_start3A_1381] : memref<32x16x400xi32, #tpu.memory_space<hbm>> -> memref<1x16x400xi32, #tpu.memory_space<hbm>>
      tpu.enqueue_dma source(%dma_start3A_1382 : memref<1x16x400xi32, #tpu.memory_space<hbm>>) target(%arg6 : memref<1x16x400xi32, #tpu.memory_space<vmem>>) target_semaphore(%run_scoped3A : memref<!tpu.dma_semaphore, #tpu.memory_space<semaphore_mem>>)
      %dma_wait3A_1383 = arith.constant 0 : i32
      %dma_wait3A_1384 = arith.constant 0 : i32
      %dma_wait3A_1385 = tpu.memref_slice %arg2[%add3A, %dma_wait3A_1383, %dma_wait3A_1384] : memref<32x16x400xi32, #tpu.memory_space<hbm>> -> memref<1x16x400xi32, #tpu.memory_space<hbm>>
      %dma_wait3A_1386 = arith.constant 0 : i32
      %dma_wait3A_1387 = arith.constant 0 : i32
      %dma_wait3A_1388 = tpu.memref_slice %arg2[%add3A, %dma_wait3A_1386, %dma_wait3A_1387] : memref<32x16x400xi32, #tpu.memory_space<hbm>> -> memref<1x16x400xi32, #tpu.memory_space<hbm>>
      tpu.wait_dma2 semaphore(%run_scoped3A : memref<!tpu.dma_semaphore, #tpu.memory_space<semaphore_mem>>) src(%dma_wait3A_1388 : memref<1x16x400xi32, #tpu.memory_space<hbm>>) dst(%arg6 : memref<1x16x400xi32, #tpu.memory_space<vmem>>)
      tpu.yield
    }) : () -> ()
    "tpu.region"() ({
      %run_scoped3A = tpu.sem_alloc : memref<!tpu.dma_semaphore, #tpu.memory_space<semaphore_mem>>
      %dma_start3A_1377 = arith.constant 0 : i32
      %dma_start3A_1378 = arith.constant 0 : i32
      %dma_start3A_1379 = tpu.memref_slice %arg3[%add3A, %dma_start3A_1377, %dma_start3A_1378] : memref<32x16x400xi32, #tpu.memory_space<hbm>> -> memref<1x16x400xi32, #tpu.memory_space<hbm>>
      %dma_start3A_1380 = arith.constant 0 : i32
      %dma_start3A_1381 = arith.constant 0 : i32
      %dma_start3A_1382 = tpu.memref_slice %arg3[%add3A, %dma_start3A_1380, %dma_start3A_1381] : memref<32x16x400xi32, #tpu.memory_space<hbm>> -> memref<1x16x400xi32, #tpu.memory_space<hbm>>
      tpu.enqueue_dma source(%dma_start3A_1382 : memref<1x16x400xi32, #tpu.memory_space<hbm>>) target(%arg7 : memref<1x16x400xi32, #tpu.memory_space<vmem>>) target_semaphore(%run_scoped3A : memref<!tpu.dma_semaphore, #tpu.memory_space<semaphore_mem>>)
      %dma_wait3A_1383 = arith.constant 0 : i32
      %dma_wait3A_1384 = arith.constant 0 : i32
      %dma_wait3A_1385 = tpu.memref_slice %arg3[%add3A, %dma_wait3A_1383, %dma_wait3A_1384] : memref<32x16x400xi32, #tpu.memory_space<hbm>> -> memref<1x16x400xi32, #tpu.memory_space<hbm>>
      %dma_wait3A_1386 = arith.constant 0 : i32
      %dma_wait3A_1387 = arith.constant 0 : i32
      %dma_wait3A_1388 = tpu.memref_slice %arg3[%add3A, %dma_wait3A_1386, %dma_wait3A_1387] : memref<32x16x400xi32, #tpu.memory_space<hbm>> -> memref<1x16x400xi32, #tpu.memory_space<hbm>>
      tpu.wait_dma2 semaphore(%run_scoped3A : memref<!tpu.dma_semaphore, #tpu.memory_space<semaphore_mem>>) src(%dma_wait3A_1388 : memref<1x16x400xi32, #tpu.memory_space<hbm>>) dst(%arg7 : memref<1x16x400xi32, #tpu.memory_space<vmem>>)
      tpu.yield
    }) : () -> ()
    %dma_start3A = arith.constant 0 : i32
    %dma_start3A_3 = arith.constant 0 : i32
    %dma_start3A_4 = arith.constant 0 : i32
    %dma_start3A_5 = arith.constant 0 : i32
    %dma_start3A_6 = arith.constant 0 : i32
    %dma_start3A_7 = tpu.memref_slice %arg8[%dma_start3A_4, %dma_start3A_5, %dma_start3A_6] : memref<4x400x64xf32, #tpu.memory_space<vmem>> -> memref<1x400x64xf32, #tpu.memory_space<vmem>>
    %dma_start3A_8 = tpu.memref_squeeze %dma_start3A_7 : memref<1x400x64xf32, #tpu.memory_space<vmem>> -> memref<400x64xf32, #tpu.memory_space<vmem>>
    %dma_start3A_9 = arith.constant 0 : i32
    %dma_start3A_10 = tpu.memref_slice %arg6[%dma_start3A, %dma_start3A_3, %dma_start3A_9] : memref<1x16x400xi32, #tpu.memory_space<vmem>> -> memref<1x1x400xi32, #tpu.memory_space<vmem>>
    %dma_start3A_11 = tpu.memref_squeeze %dma_start3A_10 : memref<1x1x400xi32, #tpu.memory_space<vmem>> -> memref<400xi32, #tpu.memory_space<vmem>>
    %dma_start3A_12 = arith.constant 0 : i32
    %dma_start3A_13 = arith.constant 0 : i32
    %dma_start3A_14 = tpu.memref_slice %arg4[%dma_start3A_12, %dma_start3A_13] : memref<100203x64xf32, #tpu.memory_space<hbm>> -> memref<100203x64xf32, #tpu.memory_space<hbm>>
    tpu.enqueue_indirect_dma source(%dma_start3A_14 : memref<100203x64xf32, #tpu.memory_space<hbm>>) target(%dma_start3A_8 : memref<400x64xf32, #tpu.memory_space<vmem>>) offsets(%dma_start3A_11 : memref<400xi32, #tpu.memory_space<vmem>>) semaphore(%arg9 : memref<!tpu.dma_semaphore, #tpu.memory_space<semaphore_mem>>)
    %dma_start3A_15 = arith.constant 0 : i32
    %dma_start3A_16 = arith.constant 1 : i32
    %dma_start3A_17 = arith.constant 1 : i32
    %dma_start3A_18 = arith.constant 0 : i32
    %dma_start3A_19 = arith.constant 0 : i32
    %dma_start3A_20 = tpu.memref_slice %arg8[%dma_start3A_17, %dma_start3A_18, %dma_start3A_19] : memref<4x400x64xf32, #tpu.memory_space<vmem>> -> memref<1x400x64xf32, #tpu.memory_space<vmem>>
    %dma_start3A_21 = tpu.memref_squeeze %dma_start3A_20 : memref<1x400x64xf32, #tpu.memory_space<vmem>> -> memref<400x64xf32, #tpu.memory_space<vmem>>
    %dma_start3A_22 = arith.constant 0 : i32
    %dma_start3A_23 = tpu.memref_slice %arg6[%dma_start3A_15, %dma_start3A_16, %dma_start3A_22] : memref<1x16x400xi32, #tpu.memory_space<vmem>> -> memref<1x1x400xi32, #tpu.memory_space<vmem>>
    %dma_start3A_24 = tpu.memref_squeeze %dma_start3A_23 : memref<1x1x400xi32, #tpu.memory_space<vmem>> -> memref<400xi32, #tpu.memory_space<vmem>>
    %dma_start3A_25 = arith.constant 0 : i32
    %dma_start3A_26 = arith.constant 0 : i32
    %dma_start3A_27 = tpu.memref_slice %arg4[%dma_start3A_25, %dma_start3A_26] : memref<100203x64xf32, #tpu.memory_space<hbm>> -> memref<100203x64xf32, #tpu.memory_space<hbm>>
    tpu.enqueue_indirect_dma source(%dma_start3A_27 : memref<100203x64xf32, #tpu.memory_space<hbm>>) target(%dma_start3A_21 : memref<400x64xf32, #tpu.memory_space<vmem>>) offsets(%dma_start3A_24 : memref<400xi32, #tpu.memory_space<vmem>>) semaphore(%arg10 : memref<!tpu.dma_semaphore, #tpu.memory_space<semaphore_mem>>)
    %dma_start3A_28 = arith.constant 0 : i32
    %dma_start3A_29 = arith.constant 2 : i32
    %dma_start3A_30 = arith.constant 2 : i32
    %dma_start3A_31 = arith.constant 0 : i32
    %dma_start3A_32 = arith.constant 0 : i32
    %dma_start3A_33 = tpu.memref_slice %arg8[%dma_start3A_30, %dma_start3A_31, %dma_start3A_32] : memref<4x400x64xf32, #tpu.memory_space<vmem>> -> memref<1x400x64xf32, #tpu.memory_space<vmem>>
    %dma_start3A_34 = tpu.memref_squeeze %dma_start3A_33 : memref<1x400x64xf32, #tpu.memory_space<vmem>> -> memref<400x64xf32, #tpu.memory_space<vmem>>
    %dma_start3A_35 = arith.constant 0 : i32
    %dma_start3A_36 = tpu.memref_slice %arg6[%dma_start3A_28, %dma_start3A_29, %dma_start3A_35] : memref<1x16x400xi32, #tpu.memory_space<vmem>> -> memref<1x1x400xi32, #tpu.memory_space<vmem>>
    %dma_start3A_37 = tpu.memref_squeeze %dma_start3A_36 : memref<1x1x400xi32, #tpu.memory_space<vmem>> -> memref<400xi32, #tpu.memory_space<vmem>>
    %dma_start3A_38 = arith.constant 0 : i32
    %dma_start3A_39 = arith.constant 0 : i32
    %dma_start3A_40 = tpu.memref_slice %arg4[%dma_start3A_38, %dma_start3A_39] : memref<100203x64xf32, #tpu.memory_space<hbm>> -> memref<100203x64xf32, #tpu.memory_space<hbm>>
    tpu.enqueue_indirect_dma source(%dma_start3A_40 : memref<100203x64xf32, #tpu.memory_space<hbm>>) target(%dma_start3A_34 : memref<400x64xf32, #tpu.memory_space<vmem>>) offsets(%dma_start3A_37 : memref<400xi32, #tpu.memory_space<vmem>>) semaphore(%arg11 : memref<!tpu.dma_semaphore, #tpu.memory_space<semaphore_mem>>)
    %dma_wait3A = arith.constant 0 : i32
    %dma_wait3A_41 = arith.constant 0 : i32
    %dma_wait3A_42 = arith.constant 0 : i32
    %dma_wait3A_43 = arith.constant 0 : i32
    %dma_wait3A_44 = arith.constant 0 : i32
    %dma_wait3A_45 = tpu.memref_slice %arg8[%dma_wait3A_42, %dma_wait3A_43, %dma_wait3A_44] : memref<4x400x64xf32, #tpu.memory_space<vmem>> -> memref<1x400x64xf32, #tpu.memory_space<vmem>>
    %dma_wait3A_46 = tpu.memref_squeeze %dma_wait3A_45 : memref<1x400x64xf32, #tpu.memory_space<vmem>> -> memref<400x64xf32, #tpu.memory_space<vmem>>
    %dma_wait3A_47 = arith.constant 0 : i32
    %dma_wait3A_48 = tpu.memref_slice %arg6[%dma_wait3A, %dma_wait3A_41, %dma_wait3A_47] : memref<1x16x400xi32, #tpu.memory_space<vmem>> -> memref<1x1x400xi32, #tpu.memory_space<vmem>>
    %dma_wait3A_49 = tpu.memref_squeeze %dma_wait3A_48 : memref<1x1x400xi32, #tpu.memory_space<vmem>> -> memref<400xi32, #tpu.memory_space<vmem>>
    %dma_wait3A_50 = arith.constant 0 : i32
    %dma_wait3A_51 = arith.constant 0 : i32
    %dma_wait3A_52 = tpu.memref_slice %arg4[%dma_wait3A_50, %dma_wait3A_51] : memref<100203x64xf32, #tpu.memory_space<hbm>> -> memref<100203x64xf32, #tpu.memory_space<hbm>>
    tpu.wait_indirect_dma semaphore(%arg9 : memref<!tpu.dma_semaphore, #tpu.memory_space<semaphore_mem>>) src(%dma_wait3A_52 : memref<100203x64xf32, #tpu.memory_space<hbm>>) dst(%dma_wait3A_46 : memref<400x64xf32, #tpu.memory_space<vmem>>)
    %dma_start3A_53 = arith.constant 0 : i32
    %dma_start3A_54 = arith.constant 0 : i32
    %dma_start3A_55 = arith.constant 0 : i32
    %dma_start3A_56 = arith.constant 0 : i32
    %dma_start3A_57 = arith.constant 0 : i32
    %dma_start3A_58 = tpu.memref_slice %arg8[%dma_start3A_55, %dma_start3A_56, %dma_start3A_57] : memref<4x400x64xf32, #tpu.memory_space<vmem>> -> memref<1x400x64xf32, #tpu.memory_space<vmem>>
    %dma_start3A_59 = tpu.memref_squeeze %dma_start3A_58 : memref<1x400x64xf32, #tpu.memory_space<vmem>> -> memref<400x64xf32, #tpu.memory_space<vmem>>
    %dma_start3A_60 = arith.constant 0 : i32
    %dma_start3A_61 = tpu.memref_slice %arg7[%dma_start3A_53, %dma_start3A_54, %dma_start3A_60] : memref<1x16x400xi32, #tpu.memory_space<vmem>> -> memref<1x1x400xi32, #tpu.memory_space<vmem>>
    %dma_start3A_62 = tpu.memref_squeeze %dma_start3A_61 : memref<1x1x400xi32, #tpu.memory_space<vmem>> -> memref<400xi32, #tpu.memory_space<vmem>>
    %dma_start3A_63 = arith.constant 0 : i32
    %dma_start3A_64 = arith.constant 0 : i32
    %dma_start3A_65 = tpu.memref_slice %arg4[%dma_start3A_63, %dma_start3A_64] : memref<100203x64xf32, #tpu.memory_space<hbm>> -> memref<100203x64xf32, #tpu.memory_space<hbm>>
    tpu.enqueue_indirect_dma source(%dma_start3A_65 : memref<100203x64xf32, #tpu.memory_space<hbm>>) target(%dma_start3A_59 : memref<400x64xf32, #tpu.memory_space<vmem>>) offsets(%dma_start3A_62 : memref<400xi32, #tpu.memory_space<vmem>>) semaphore(%arg13 : memref<!tpu.dma_semaphore, #tpu.memory_space<semaphore_mem>>) {add = true}
    %dma_wait3A_66 = arith.constant 0 : i32
    %dma_wait3A_67 = arith.constant 0 : i32
    %dma_wait3A_68 = arith.constant 0 : i32
    %dma_wait3A_69 = arith.constant 0 : i32
    %dma_wait3A_70 = arith.constant 0 : i32
    %dma_wait3A_71 = tpu.memref_slice %arg8[%dma_wait3A_68, %dma_wait3A_69, %dma_wait3A_70] : memref<4x400x64xf32, #tpu.memory_space<vmem>> -> memref<1x400x64xf32, #tpu.memory_space<vmem>>
    %dma_wait3A_72 = tpu.memref_squeeze %dma_wait3A_71 : memref<1x400x64xf32, #tpu.memory_space<vmem>> -> memref<400x64xf32, #tpu.memory_space<vmem>>
    %dma_wait3A_73 = arith.constant 0 : i32
    %dma_wait3A_74 = tpu.memref_slice %arg7[%dma_wait3A_66, %dma_wait3A_67, %dma_wait3A_73] : memref<1x16x400xi32, #tpu.memory_space<vmem>> -> memref<1x1x400xi32, #tpu.memory_space<vmem>>
    %dma_wait3A_75 = tpu.memref_squeeze %dma_wait3A_74 : memref<1x1x400xi32, #tpu.memory_space<vmem>> -> memref<400xi32, #tpu.memory_space<vmem>>
    %dma_wait3A_76 = arith.constant 0 : i32
    %dma_wait3A_77 = arith.constant 0 : i32
    %dma_wait3A_78 = tpu.memref_slice %arg4[%dma_wait3A_76, %dma_wait3A_77] : memref<100203x64xf32, #tpu.memory_space<hbm>> -> memref<100203x64xf32, #tpu.memory_space<hbm>>
    tpu.wait_indirect_dma semaphore(%arg13 : memref<!tpu.dma_semaphore, #tpu.memory_space<semaphore_mem>>) src(%dma_wait3A_78 : memref<100203x64xf32, #tpu.memory_space<hbm>>) dst(%dma_wait3A_72 : memref<400x64xf32, #tpu.memory_space<vmem>>)
    %add3A_79 = arith.constant 0 : i32
    %add3A_80 = arith.addi %mul3A_2, %add3A_79 : i32
    %mul3A_81 = arith.constant 400 : i32
    %mul3A_82 = arith.muli %add3A_80, %mul3A_81 : i32
    %dma_start3A_83 = arith.constant 0 : i32
    %dma_start3A_84 = arith.constant 0 : i32
    %dma_start3A_85 = arith.constant 0 : i32
    %dma_start3A_86 = tpu.memref_slice %arg8[%dma_start3A_83, %dma_start3A_84, %dma_start3A_85] : memref<4x400x64xf32, #tpu.memory_space<vmem>> -> memref<1x400x64xf32, #tpu.memory_space<vmem>>
    %dma_start3A_87 = tpu.memref_squeeze %dma_start3A_86 : memref<1x400x64xf32, #tpu.memory_space<vmem>> -> memref<400x64xf32, #tpu.memory_space<vmem>>
    %dma_start3A_88 = arith.constant 0 : i32
    %dma_start3A_89 = tpu.memref_slice %arg5[%mul3A_82, %dma_start3A_88] : memref<204800x64xf32, #tpu.memory_space<hbm>> -> memref<400x64xf32, #tpu.memory_space<hbm>>
    %dma_start3A_90 = arith.constant 0 : i32
    %dma_start3A_91 = tpu.memref_slice %arg5[%mul3A_82, %dma_start3A_90] : memref<204800x64xf32, #tpu.memory_space<hbm>> -> memref<400x64xf32, #tpu.memory_space<hbm>>
    %dma_start3A_92 = arith.constant 0 : i32
    %dma_start3A_93 = arith.constant 0 : i32
    %dma_start3A_94 = tpu.memref_slice %arg8[%dma_start3A_83, %dma_start3A_92, %dma_start3A_93] : memref<4x400x64xf32, #tpu.memory_space<vmem>> -> memref<1x400x64xf32, #tpu.memory_space<vmem>>
    %dma_start3A_95 = tpu.memref_squeeze %dma_start3A_94 : memref<1x400x64xf32, #tpu.memory_space<vmem>> -> memref<400x64xf32, #tpu.memory_space<vmem>>
    tpu.enqueue_dma source(%dma_start3A_95 : memref<400x64xf32, #tpu.memory_space<vmem>>) target(%dma_start3A_91 : memref<400x64xf32, #tpu.memory_space<hbm>>) target_semaphore(%arg17 : memref<!tpu.dma_semaphore, #tpu.memory_space<semaphore_mem>>)
    %dma_start3A_96 = arith.constant 0 : i32
    %dma_start3A_97 = arith.constant 3 : i32
    %dma_start3A_98 = arith.constant 3 : i32
    %dma_start3A_99 = arith.constant 0 : i32
    %dma_start3A_100 = arith.constant 0 : i32
    %dma_start3A_101 = tpu.memref_slice %arg8[%dma_start3A_98, %dma_start3A_99, %dma_start3A_100] : memref<4x400x64xf32, #tpu.memory_space<vmem>> -> memref<1x400x64xf32, #tpu.memory_space<vmem>>
    %dma_start3A_102 = tpu.memref_squeeze %dma_start3A_101 : memref<1x400x64xf32, #tpu.memory_space<vmem>> -> memref<400x64xf32, #tpu.memory_space<vmem>>
    %dma_start3A_103 = arith.constant 0 : i32
    %dma_start3A_104 = tpu.memref_slice %arg6[%dma_start3A_96, %dma_start3A_97, %dma_start3A_103] : memref<1x16x400xi32, #tpu.memory_space<vmem>> -> memref<1x1x400xi32, #tpu.memory_space<vmem>>
    %dma_start3A_105 = tpu.memref_squeeze %dma_start3A_104 : memref<1x1x400xi32, #tpu.memory_space<vmem>> -> memref<400xi32, #tpu.memory_space<vmem>>
    %dma_start3A_106 = arith.constant 0 : i32
    %dma_start3A_107 = arith.constant 0 : i32
    %dma_start3A_108 = tpu.memref_slice %arg4[%dma_start3A_106, %dma_start3A_107] : memref<100203x64xf32, #tpu.memory_space<hbm>> -> memref<100203x64xf32, #tpu.memory_space<hbm>>
    tpu.enqueue_indirect_dma source(%dma_start3A_108 : memref<100203x64xf32, #tpu.memory_space<hbm>>) target(%dma_start3A_102 : memref<400x64xf32, #tpu.memory_space<vmem>>) offsets(%dma_start3A_105 : memref<400xi32, #tpu.memory_space<vmem>>) semaphore(%arg12 : memref<!tpu.dma_semaphore, #tpu.memory_space<semaphore_mem>>)
    %dma_wait3A_109 = arith.constant 0 : i32
    %dma_wait3A_110 = arith.constant 1 : i32
    %dma_wait3A_111 = arith.constant 1 : i32
    %dma_wait3A_112 = arith.constant 0 : i32
    %dma_wait3A_113 = arith.constant 0 : i32
    %dma_wait3A_114 = tpu.memref_slice %arg8[%dma_wait3A_111, %dma_wait3A_112, %dma_wait3A_113] : memref<4x400x64xf32, #tpu.memory_space<vmem>> -> memref<1x400x64xf32, #tpu.memory_space<vmem>>
    %dma_wait3A_115 = tpu.memref_squeeze %dma_wait3A_114 : memref<1x400x64xf32, #tpu.memory_space<vmem>> -> memref<400x64xf32, #tpu.memory_space<vmem>>
    %dma_wait3A_116 = arith.constant 0 : i32
    %dma_wait3A_117 = tpu.memref_slice %arg6[%dma_wait3A_109, %dma_wait3A_110, %dma_wait3A_116] : memref<1x16x400xi32, #tpu.memory_space<vmem>> -> memref<1x1x400xi32, #tpu.memory_space<vmem>>
    %dma_wait3A_118 = tpu.memref_squeeze %dma_wait3A_117 : memref<1x1x400xi32, #tpu.memory_space<vmem>> -> memref<400xi32, #tpu.memory_space<vmem>>
    %dma_wait3A_119 = arith.constant 0 : i32
    %dma_wait3A_120 = arith.constant 0 : i32
    %dma_wait3A_121 = tpu.memref_slice %arg4[%dma_wait3A_119, %dma_wait3A_120] : memref<100203x64xf32, #tpu.memory_space<hbm>> -> memref<100203x64xf32, #tpu.memory_space<hbm>>
    tpu.wait_indirect_dma semaphore(%arg10 : memref<!tpu.dma_semaphore, #tpu.memory_space<semaphore_mem>>) src(%dma_wait3A_121 : memref<100203x64xf32, #tpu.memory_space<hbm>>) dst(%dma_wait3A_115 : memref<400x64xf32, #tpu.memory_space<vmem>>)
    %dma_start3A_122 = arith.constant 0 : i32
    %dma_start3A_123 = arith.constant 1 : i32
    %dma_start3A_124 = arith.constant 1 : i32
    %dma_start3A_125 = arith.constant 0 : i32
    %dma_start3A_126 = arith.constant 0 : i32
    %dma_start3A_127 = tpu.memref_slice %arg8[%dma_start3A_124, %dma_start3A_125, %dma_start3A_126] : memref<4x400x64xf32, #tpu.memory_space<vmem>> -> memref<1x400x64xf32, #tpu.memory_space<vmem>>
    %dma_start3A_128 = tpu.memref_squeeze %dma_start3A_127 : memref<1x400x64xf32, #tpu.memory_space<vmem>> -> memref<400x64xf32, #tpu.memory_space<vmem>>
    %dma_start3A_129 = arith.constant 0 : i32
    %dma_start3A_130 = tpu.memref_slice %arg7[%dma_start3A_122, %dma_start3A_123, %dma_start3A_129] : memref<1x16x400xi32, #tpu.memory_space<vmem>> -> memref<1x1x400xi32, #tpu.memory_space<vmem>>
    %dma_start3A_131 = tpu.memref_squeeze %dma_start3A_130 : memref<1x1x400xi32, #tpu.memory_space<vmem>> -> memref<400xi32, #tpu.memory_space<vmem>>
    %dma_start3A_132 = arith.constant 0 : i32
    %dma_start3A_133 = arith.constant 0 : i32
    %dma_start3A_134 = tpu.memref_slice %arg4[%dma_start3A_132, %dma_start3A_133] : memref<100203x64xf32, #tpu.memory_space<hbm>> -> memref<100203x64xf32, #tpu.memory_space<hbm>>
    tpu.enqueue_indirect_dma source(%dma_start3A_134 : memref<100203x64xf32, #tpu.memory_space<hbm>>) target(%dma_start3A_128 : memref<400x64xf32, #tpu.memory_space<vmem>>) offsets(%dma_start3A_131 : memref<400xi32, #tpu.memory_space<vmem>>) semaphore(%arg14 : memref<!tpu.dma_semaphore, #tpu.memory_space<semaphore_mem>>) {add = true}
    %dma_wait3A_135 = arith.constant 0 : i32
    %dma_wait3A_136 = arith.constant 1 : i32
    %dma_wait3A_137 = arith.constant 1 : i32
    %dma_wait3A_138 = arith.constant 0 : i32
    %dma_wait3A_139 = arith.constant 0 : i32
    %dma_wait3A_140 = tpu.memref_slice %arg8[%dma_wait3A_137, %dma_wait3A_138, %dma_wait3A_139] : memref<4x400x64xf32, #tpu.memory_space<vmem>> -> memref<1x400x64xf32, #tpu.memory_space<vmem>>
    %dma_wait3A_141 = tpu.memref_squeeze %dma_wait3A_140 : memref<1x400x64xf32, #tpu.memory_space<vmem>> -> memref<400x64xf32, #tpu.memory_space<vmem>>
    %dma_wait3A_142 = arith.constant 0 : i32
    %dma_wait3A_143 = tpu.memref_slice %arg7[%dma_wait3A_135, %dma_wait3A_136, %dma_wait3A_142] : memref<1x16x400xi32, #tpu.memory_space<vmem>> -> memref<1x1x400xi32, #tpu.memory_space<vmem>>
    %dma_wait3A_144 = tpu.memref_squeeze %dma_wait3A_143 : memref<1x1x400xi32, #tpu.memory_space<vmem>> -> memref<400xi32, #tpu.memory_space<vmem>>
    %dma_wait3A_145 = arith.constant 0 : i32
    %dma_wait3A_146 = arith.constant 0 : i32
    %dma_wait3A_147 = tpu.memref_slice %arg4[%dma_wait3A_145, %dma_wait3A_146] : memref<100203x64xf32, #tpu.memory_space<hbm>> -> memref<100203x64xf32, #tpu.memory_space<hbm>>
    tpu.wait_indirect_dma semaphore(%arg14 : memref<!tpu.dma_semaphore, #tpu.memory_space<semaphore_mem>>) src(%dma_wait3A_147 : memref<100203x64xf32, #tpu.memory_space<hbm>>) dst(%dma_wait3A_141 : memref<400x64xf32, #tpu.memory_space<vmem>>)
    %add3A_148 = arith.constant 1 : i32
    %add3A_149 = arith.addi %mul3A_2, %add3A_148 : i32
    %mul3A_150 = arith.constant 400 : i32
    %mul3A_151 = arith.muli %add3A_149, %mul3A_150 : i32
    %dma_start3A_152 = arith.constant 1 : i32
    %dma_start3A_153 = arith.constant 0 : i32
    %dma_start3A_154 = arith.constant 0 : i32
    %dma_start3A_155 = tpu.memref_slice %arg8[%dma_start3A_152, %dma_start3A_153, %dma_start3A_154] : memref<4x400x64xf32, #tpu.memory_space<vmem>> -> memref<1x400x64xf32, #tpu.memory_space<vmem>>
    %dma_start3A_156 = tpu.memref_squeeze %dma_start3A_155 : memref<1x400x64xf32, #tpu.memory_space<vmem>> -> memref<400x64xf32, #tpu.memory_space<vmem>>
    %dma_start3A_157 = arith.constant 0 : i32
    %dma_start3A_158 = tpu.memref_slice %arg5[%mul3A_151, %dma_start3A_157] : memref<204800x64xf32, #tpu.memory_space<hbm>> -> memref<400x64xf32, #tpu.memory_space<hbm>>
    %dma_start3A_159 = arith.constant 0 : i32
    %dma_start3A_160 = tpu.memref_slice %arg5[%mul3A_151, %dma_start3A_159] : memref<204800x64xf32, #tpu.memory_space<hbm>> -> memref<400x64xf32, #tpu.memory_space<hbm>>
    %dma_start3A_161 = arith.constant 0 : i32
    %dma_start3A_162 = arith.constant 0 : i32
    %dma_start3A_163 = tpu.memref_slice %arg8[%dma_start3A_152, %dma_start3A_161, %dma_start3A_162] : memref<4x400x64xf32, #tpu.memory_space<vmem>> -> memref<1x400x64xf32, #tpu.memory_space<vmem>>
    %dma_start3A_164 = tpu.memref_squeeze %dma_start3A_163 : memref<1x400x64xf32, #tpu.memory_space<vmem>> -> memref<400x64xf32, #tpu.memory_space<vmem>>
    tpu.enqueue_dma source(%dma_start3A_164 : memref<400x64xf32, #tpu.memory_space<vmem>>) target(%dma_start3A_160 : memref<400x64xf32, #tpu.memory_space<hbm>>) target_semaphore(%arg18 : memref<!tpu.dma_semaphore, #tpu.memory_space<semaphore_mem>>)
    %add3A_165 = arith.constant 0 : i32
    %add3A_166 = arith.addi %mul3A_2, %add3A_165 : i32
    %mul3A_167 = arith.constant 400 : i32
    %mul3A_168 = arith.muli %add3A_166, %mul3A_167 : i32
    %dma_wait3A_169 = arith.constant 0 : i32
    %dma_wait3A_170 = arith.constant 0 : i32
    %dma_wait3A_171 = arith.constant 0 : i32
    %dma_wait3A_172 = tpu.memref_slice %arg8[%dma_wait3A_169, %dma_wait3A_170, %dma_wait3A_171] : memref<4x400x64xf32, #tpu.memory_space<vmem>> -> memref<1x400x64xf32, #tpu.memory_space<vmem>>
    %dma_wait3A_173 = tpu.memref_squeeze %dma_wait3A_172 : memref<1x400x64xf32, #tpu.memory_space<vmem>> -> memref<400x64xf32, #tpu.memory_space<vmem>>
    %dma_wait3A_174 = arith.constant 0 : i32
    %dma_wait3A_175 = tpu.memref_slice %arg5[%mul3A_168, %dma_wait3A_174] : memref<204800x64xf32, #tpu.memory_space<hbm>> -> memref<400x64xf32, #tpu.memory_space<hbm>>
    %dma_wait3A_176 = arith.constant 0 : i32
    %dma_wait3A_177 = tpu.memref_slice %arg5[%mul3A_168, %dma_wait3A_176] : memref<204800x64xf32, #tpu.memory_space<hbm>> -> memref<400x64xf32, #tpu.memory_space<hbm>>
    %dma_wait3A_178 = arith.constant 0 : i32
    %dma_wait3A_179 = arith.constant 0 : i32
    %dma_wait3A_180 = tpu.memref_slice %arg8[%dma_wait3A_169, %dma_wait3A_178, %dma_wait3A_179] : memref<4x400x64xf32, #tpu.memory_space<vmem>> -> memref<1x400x64xf32, #tpu.memory_space<vmem>>
    %dma_wait3A_181 = tpu.memref_squeeze %dma_wait3A_180 : memref<1x400x64xf32, #tpu.memory_space<vmem>> -> memref<400x64xf32, #tpu.memory_space<vmem>>
    tpu.wait_dma2 semaphore(%arg17 : memref<!tpu.dma_semaphore, #tpu.memory_space<semaphore_mem>>) src(%dma_wait3A_181 : memref<400x64xf32, #tpu.memory_space<vmem>>) dst(%dma_wait3A_177 : memref<400x64xf32, #tpu.memory_space<hbm>>)
    %dma_start3A_182 = arith.constant 0 : i32
    %dma_start3A_183 = arith.constant 4 : i32
    %dma_start3A_184 = arith.constant 0 : i32
    %dma_start3A_185 = arith.constant 0 : i32
    %dma_start3A_186 = arith.constant 0 : i32
    %dma_start3A_187 = tpu.memref_slice %arg8[%dma_start3A_184, %dma_start3A_185, %dma_start3A_186] : memref<4x400x64xf32, #tpu.memory_space<vmem>> -> memref<1x400x64xf32, #tpu.memory_space<vmem>>
    %dma_start3A_188 = tpu.memref_squeeze %dma_start3A_187 : memref<1x400x64xf32, #tpu.memory_space<vmem>> -> memref<400x64xf32, #tpu.memory_space<vmem>>
    %dma_start3A_189 = arith.constant 0 : i32
    %dma_start3A_190 = tpu.memref_slice %arg6[%dma_start3A_182, %dma_start3A_183, %dma_start3A_189] : memref<1x16x400xi32, #tpu.memory_space<vmem>> -> memref<1x1x400xi32, #tpu.memory_space<vmem>>
    %dma_start3A_191 = tpu.memref_squeeze %dma_start3A_190 : memref<1x1x400xi32, #tpu.memory_space<vmem>> -> memref<400xi32, #tpu.memory_space<vmem>>
    %dma_start3A_192 = arith.constant 0 : i32
    %dma_start3A_193 = arith.constant 0 : i32
    %dma_start3A_194 = tpu.memref_slice %arg4[%dma_start3A_192, %dma_start3A_193] : memref<100203x64xf32, #tpu.memory_space<hbm>> -> memref<100203x64xf32, #tpu.memory_space<hbm>>
    tpu.enqueue_indirect_dma source(%dma_start3A_194 : memref<100203x64xf32, #tpu.memory_space<hbm>>) target(%dma_start3A_188 : memref<400x64xf32, #tpu.memory_space<vmem>>) offsets(%dma_start3A_191 : memref<400xi32, #tpu.memory_space<vmem>>) semaphore(%arg9 : memref<!tpu.dma_semaphore, #tpu.memory_space<semaphore_mem>>)
    %dma_wait3A_195 = arith.constant 0 : i32
    %dma_wait3A_196 = arith.constant 2 : i32
    %dma_wait3A_197 = arith.constant 2 : i32
    %dma_wait3A_198 = arith.constant 0 : i32
    %dma_wait3A_199 = arith.constant 0 : i32
    %dma_wait3A_200 = tpu.memref_slice %arg8[%dma_wait3A_197, %dma_wait3A_198, %dma_wait3A_199] : memref<4x400x64xf32, #tpu.memory_space<vmem>> -> memref<1x400x64xf32, #tpu.memory_space<vmem>>
    %dma_wait3A_201 = tpu.memref_squeeze %dma_wait3A_200 : memref<1x400x64xf32, #tpu.memory_space<vmem>> -> memref<400x64xf32, #tpu.memory_space<vmem>>
    %dma_wait3A_202 = arith.constant 0 : i32
    %dma_wait3A_203 = tpu.memref_slice %arg6[%dma_wait3A_195, %dma_wait3A_196, %dma_wait3A_202] : memref<1x16x400xi32, #tpu.memory_space<vmem>> -> memref<1x1x400xi32, #tpu.memory_space<vmem>>
    %dma_wait3A_204 = tpu.memref_squeeze %dma_wait3A_203 : memref<1x1x400xi32, #tpu.memory_space<vmem>> -> memref<400xi32, #tpu.memory_space<vmem>>
    %dma_wait3A_205 = arith.constant 0 : i32
    %dma_wait3A_206 = arith.constant 0 : i32
    %dma_wait3A_207 = tpu.memref_slice %arg4[%dma_wait3A_205, %dma_wait3A_206] : memref<100203x64xf32, #tpu.memory_space<hbm>> -> memref<100203x64xf32, #tpu.memory_space<hbm>>
    tpu.wait_indirect_dma semaphore(%arg11 : memref<!tpu.dma_semaphore, #tpu.memory_space<semaphore_mem>>) src(%dma_wait3A_207 : memref<100203x64xf32, #tpu.memory_space<hbm>>) dst(%dma_wait3A_201 : memref<400x64xf32, #tpu.memory_space<vmem>>)
    %dma_start3A_208 = arith.constant 0 : i32
    %dma_start3A_209 = arith.constant 2 : i32
    %dma_start3A_210 = arith.constant 2 : i32
    %dma_start3A_211 = arith.constant 0 : i32
    %dma_start3A_212 = arith.constant 0 : i32
    %dma_start3A_213 = tpu.memref_slice %arg8[%dma_start3A_210, %dma_start3A_211, %dma_start3A_212] : memref<4x400x64xf32, #tpu.memory_space<vmem>> -> memref<1x400x64xf32, #tpu.memory_space<vmem>>
    %dma_start3A_214 = tpu.memref_squeeze %dma_start3A_213 : memref<1x400x64xf32, #tpu.memory_space<vmem>> -> memref<400x64xf32, #tpu.memory_space<vmem>>
    %dma_start3A_215 = arith.constant 0 : i32
    %dma_start3A_216 = tpu.memref_slice %arg7[%dma_start3A_208, %dma_start3A_209, %dma_start3A_215] : memref<1x16x400xi32, #tpu.memory_space<vmem>> -> memref<1x1x400xi32, #tpu.memory_space<vmem>>
    %dma_start3A_217 = tpu.memref_squeeze %dma_start3A_216 : memref<1x1x400xi32, #tpu.memory_space<vmem>> -> memref<400xi32, #tpu.memory_space<vmem>>
    %dma_start3A_218 = arith.constant 0 : i32
    %dma_start3A_219 = arith.constant 0 : i32
    %dma_start3A_220 = tpu.memref_slice %arg4[%dma_start3A_218, %dma_start3A_219] : memref<100203x64xf32, #tpu.memory_space<hbm>> -> memref<100203x64xf32, #tpu.memory_space<hbm>>
    tpu.enqueue_indirect_dma source(%dma_start3A_220 : memref<100203x64xf32, #tpu.memory_space<hbm>>) target(%dma_start3A_214 : memref<400x64xf32, #tpu.memory_space<vmem>>) offsets(%dma_start3A_217 : memref<400xi32, #tpu.memory_space<vmem>>) semaphore(%arg15 : memref<!tpu.dma_semaphore, #tpu.memory_space<semaphore_mem>>) {add = true}
    %dma_wait3A_221 = arith.constant 0 : i32
    %dma_wait3A_222 = arith.constant 2 : i32
    %dma_wait3A_223 = arith.constant 2 : i32
    %dma_wait3A_224 = arith.constant 0 : i32
    %dma_wait3A_225 = arith.constant 0 : i32
    %dma_wait3A_226 = tpu.memref_slice %arg8[%dma_wait3A_223, %dma_wait3A_224, %dma_wait3A_225] : memref<4x400x64xf32, #tpu.memory_space<vmem>> -> memref<1x400x64xf32, #tpu.memory_space<vmem>>
    %dma_wait3A_227 = tpu.memref_squeeze %dma_wait3A_226 : memref<1x400x64xf32, #tpu.memory_space<vmem>> -> memref<400x64xf32, #tpu.memory_space<vmem>>
    %dma_wait3A_228 = arith.constant 0 : i32
    %dma_wait3A_229 = tpu.memref_slice %arg7[%dma_wait3A_221, %dma_wait3A_222, %dma_wait3A_228] : memref<1x16x400xi32, #tpu.memory_space<vmem>> -> memref<1x1x400xi32, #tpu.memory_space<vmem>>
    %dma_wait3A_230 = tpu.memref_squeeze %dma_wait3A_229 : memref<1x1x400xi32, #tpu.memory_space<vmem>> -> memref<400xi32, #tpu.memory_space<vmem>>
    %dma_wait3A_231 = arith.constant 0 : i32
    %dma_wait3A_232 = arith.constant 0 : i32
    %dma_wait3A_233 = tpu.memref_slice %arg4[%dma_wait3A_231, %dma_wait3A_232] : memref<100203x64xf32, #tpu.memory_space<hbm>> -> memref<100203x64xf32, #tpu.memory_space<hbm>>
    tpu.wait_indirect_dma semaphore(%arg15 : memref<!tpu.dma_semaphore, #tpu.memory_space<semaphore_mem>>) src(%dma_wait3A_233 : memref<100203x64xf32, #tpu.memory_space<hbm>>) dst(%dma_wait3A_227 : memref<400x64xf32, #tpu.memory_space<vmem>>)
    %add3A_234 = arith.constant 2 : i32
    %add3A_235 = arith.addi %mul3A_2, %add3A_234 : i32
    %mul3A_236 = arith.constant 400 : i32
    %mul3A_237 = arith.muli %add3A_235, %mul3A_236 : i32
    %dma_start3A_238 = arith.constant 2 : i32
    %dma_start3A_239 = arith.constant 0 : i32
    %dma_start3A_240 = arith.constant 0 : i32
    %dma_start3A_241 = tpu.memref_slice %arg8[%dma_start3A_238, %dma_start3A_239, %dma_start3A_240] : memref<4x400x64xf32, #tpu.memory_space<vmem>> -> memref<1x400x64xf32, #tpu.memory_space<vmem>>
    %dma_start3A_242 = tpu.memref_squeeze %dma_start3A_241 : memref<1x400x64xf32, #tpu.memory_space<vmem>> -> memref<400x64xf32, #tpu.memory_space<vmem>>
    %dma_start3A_243 = arith.constant 0 : i32
    %dma_start3A_244 = tpu.memref_slice %arg5[%mul3A_237, %dma_start3A_243] : memref<204800x64xf32, #tpu.memory_space<hbm>> -> memref<400x64xf32, #tpu.memory_space<hbm>>
    %dma_start3A_245 = arith.constant 0 : i32
    %dma_start3A_246 = tpu.memref_slice %arg5[%mul3A_237, %dma_start3A_245] : memref<204800x64xf32, #tpu.memory_space<hbm>> -> memref<400x64xf32, #tpu.memory_space<hbm>>
    %dma_start3A_247 = arith.constant 0 : i32
    %dma_start3A_248 = arith.constant 0 : i32
    %dma_start3A_249 = tpu.memref_slice %arg8[%dma_start3A_238, %dma_start3A_247, %dma_start3A_248] : memref<4x400x64xf32, #tpu.memory_space<vmem>> -> memref<1x400x64xf32, #tpu.memory_space<vmem>>
    %dma_start3A_250 = tpu.memref_squeeze %dma_start3A_249 : memref<1x400x64xf32, #tpu.memory_space<vmem>> -> memref<400x64xf32, #tpu.memory_space<vmem>>
    tpu.enqueue_dma source(%dma_start3A_250 : memref<400x64xf32, #tpu.memory_space<vmem>>) target(%dma_start3A_246 : memref<400x64xf32, #tpu.memory_space<hbm>>) target_semaphore(%arg19 : memref<!tpu.dma_semaphore, #tpu.memory_space<semaphore_mem>>)
    %add3A_251 = arith.constant 1 : i32
    %add3A_252 = arith.addi %mul3A_2, %add3A_251 : i32
    %mul3A_253 = arith.constant 400 : i32
    %mul3A_254 = arith.muli %add3A_252, %mul3A_253 : i32
    %dma_wait3A_255 = arith.constant 1 : i32
    %dma_wait3A_256 = arith.constant 0 : i32
    %dma_wait3A_257 = arith.constant 0 : i32
    %dma_wait3A_258 = tpu.memref_slice %arg8[%dma_wait3A_255, %dma_wait3A_256, %dma_wait3A_257] : memref<4x400x64xf32, #tpu.memory_space<vmem>> -> memref<1x400x64xf32, #tpu.memory_space<vmem>>
    %dma_wait3A_259 = tpu.memref_squeeze %dma_wait3A_258 : memref<1x400x64xf32, #tpu.memory_space<vmem>> -> memref<400x64xf32, #tpu.memory_space<vmem>>
    %dma_wait3A_260 = arith.constant 0 : i32
    %dma_wait3A_261 = tpu.memref_slice %arg5[%mul3A_254, %dma_wait3A_260] : memref<204800x64xf32, #tpu.memory_space<hbm>> -> memref<400x64xf32, #tpu.memory_space<hbm>>
    %dma_wait3A_262 = arith.constant 0 : i32
    %dma_wait3A_263 = tpu.memref_slice %arg5[%mul3A_254, %dma_wait3A_262] : memref<204800x64xf32, #tpu.memory_space<hbm>> -> memref<400x64xf32, #tpu.memory_space<hbm>>
    %dma_wait3A_264 = arith.constant 0 : i32
    %dma_wait3A_265 = arith.constant 0 : i32
    %dma_wait3A_266 = tpu.memref_slice %arg8[%dma_wait3A_255, %dma_wait3A_264, %dma_wait3A_265] : memref<4x400x64xf32, #tpu.memory_space<vmem>> -> memref<1x400x64xf32, #tpu.memory_space<vmem>>
    %dma_wait3A_267 = tpu.memref_squeeze %dma_wait3A_266 : memref<1x400x64xf32, #tpu.memory_space<vmem>> -> memref<400x64xf32, #tpu.memory_space<vmem>>
    tpu.wait_dma2 semaphore(%arg18 : memref<!tpu.dma_semaphore, #tpu.memory_space<semaphore_mem>>) src(%dma_wait3A_267 : memref<400x64xf32, #tpu.memory_space<vmem>>) dst(%dma_wait3A_263 : memref<400x64xf32, #tpu.memory_space<hbm>>)
    %dma_start3A_268 = arith.constant 0 : i32
    %dma_start3A_269 = arith.constant 5 : i32
    %dma_start3A_270 = arith.constant 1 : i32
    %dma_start3A_271 = arith.constant 0 : i32
    %dma_start3A_272 = arith.constant 0 : i32
    %dma_start3A_273 = tpu.memref_slice %arg8[%dma_start3A_270, %dma_start3A_271, %dma_start3A_272] : memref<4x400x64xf32, #tpu.memory_space<vmem>> -> memref<1x400x64xf32, #tpu.memory_space<vmem>>
    %dma_start3A_274 = tpu.memref_squeeze %dma_start3A_273 : memref<1x400x64xf32, #tpu.memory_space<vmem>> -> memref<400x64xf32, #tpu.memory_space<vmem>>
    %dma_start3A_275 = arith.constant 0 : i32
    %dma_start3A_276 = tpu.memref_slice %arg6[%dma_start3A_268, %dma_start3A_269, %dma_start3A_275] : memref<1x16x400xi32, #tpu.memory_space<vmem>> -> memref<1x1x400xi32, #tpu.memory_space<vmem>>
    %dma_start3A_277 = tpu.memref_squeeze %dma_start3A_276 : memref<1x1x400xi32, #tpu.memory_space<vmem>> -> memref<400xi32, #tpu.memory_space<vmem>>
    %dma_start3A_278 = arith.constant 0 : i32
    %dma_start3A_279 = arith.constant 0 : i32
    %dma_start3A_280 = tpu.memref_slice %arg4[%dma_start3A_278, %dma_start3A_279] : memref<100203x64xf32, #tpu.memory_space<hbm>> -> memref<100203x64xf32, #tpu.memory_space<hbm>>
    tpu.enqueue_indirect_dma source(%dma_start3A_280 : memref<100203x64xf32, #tpu.memory_space<hbm>>) target(%dma_start3A_274 : memref<400x64xf32, #tpu.memory_space<vmem>>) offsets(%dma_start3A_277 : memref<400xi32, #tpu.memory_space<vmem>>) semaphore(%arg10 : memref<!tpu.dma_semaphore, #tpu.memory_space<semaphore_mem>>)
    %dma_wait3A_281 = arith.constant 0 : i32
    %dma_wait3A_282 = arith.constant 3 : i32
    %dma_wait3A_283 = arith.constant 3 : i32
    %dma_wait3A_284 = arith.constant 0 : i32
    %dma_wait3A_285 = arith.constant 0 : i32
    %dma_wait3A_286 = tpu.memref_slice %arg8[%dma_wait3A_283, %dma_wait3A_284, %dma_wait3A_285] : memref<4x400x64xf32, #tpu.memory_space<vmem>> -> memref<1x400x64xf32, #tpu.memory_space<vmem>>
    %dma_wait3A_287 = tpu.memref_squeeze %dma_wait3A_286 : memref<1x400x64xf32, #tpu.memory_space<vmem>> -> memref<400x64xf32, #tpu.memory_space<vmem>>
    %dma_wait3A_288 = arith.constant 0 : i32
    %dma_wait3A_289 = tpu.memref_slice %arg6[%dma_wait3A_281, %dma_wait3A_282, %dma_wait3A_288] : memref<1x16x400xi32, #tpu.memory_space<vmem>> -> memref<1x1x400xi32, #tpu.memory_space<vmem>>
    %dma_wait3A_290 = tpu.memref_squeeze %dma_wait3A_289 : memref<1x1x400xi32, #tpu.memory_space<vmem>> -> memref<400xi32, #tpu.memory_space<vmem>>
    %dma_wait3A_291 = arith.constant 0 : i32
    %dma_wait3A_292 = arith.constant 0 : i32
    %dma_wait3A_293 = tpu.memref_slice %arg4[%dma_wait3A_291, %dma_wait3A_292] : memref<100203x64xf32, #tpu.memory_space<hbm>> -> memref<100203x64xf32, #tpu.memory_space<hbm>>
    tpu.wait_indirect_dma semaphore(%arg12 : memref<!tpu.dma_semaphore, #tpu.memory_space<semaphore_mem>>) src(%dma_wait3A_293 : memref<100203x64xf32, #tpu.memory_space<hbm>>) dst(%dma_wait3A_287 : memref<400x64xf32, #tpu.memory_space<vmem>>)
    %dma_start3A_294 = arith.constant 0 : i32
    %dma_start3A_295 = arith.constant 3 : i32
    %dma_start3A_296 = arith.constant 3 : i32
    %dma_start3A_297 = arith.constant 0 : i32
    %dma_start3A_298 = arith.constant 0 : i32
    %dma_start3A_299 = tpu.memref_slice %arg8[%dma_start3A_296, %dma_start3A_297, %dma_start3A_298] : memref<4x400x64xf32, #tpu.memory_space<vmem>> -> memref<1x400x64xf32, #tpu.memory_space<vmem>>
    %dma_start3A_300 = tpu.memref_squeeze %dma_start3A_299 : memref<1x400x64xf32, #tpu.memory_space<vmem>> -> memref<400x64xf32, #tpu.memory_space<vmem>>
    %dma_start3A_301 = arith.constant 0 : i32
    %dma_start3A_302 = tpu.memref_slice %arg7[%dma_start3A_294, %dma_start3A_295, %dma_start3A_301] : memref<1x16x400xi32, #tpu.memory_space<vmem>> -> memref<1x1x400xi32, #tpu.memory_space<vmem>>
    %dma_start3A_303 = tpu.memref_squeeze %dma_start3A_302 : memref<1x1x400xi32, #tpu.memory_space<vmem>> -> memref<400xi32, #tpu.memory_space<vmem>>
    %dma_start3A_304 = arith.constant 0 : i32
    %dma_start3A_305 = arith.constant 0 : i32
    %dma_start3A_306 = tpu.memref_slice %arg4[%dma_start3A_304, %dma_start3A_305] : memref<100203x64xf32, #tpu.memory_space<hbm>> -> memref<100203x64xf32, #tpu.memory_space<hbm>>
    tpu.enqueue_indirect_dma source(%dma_start3A_306 : memref<100203x64xf32, #tpu.memory_space<hbm>>) target(%dma_start3A_300 : memref<400x64xf32, #tpu.memory_space<vmem>>) offsets(%dma_start3A_303 : memref<400xi32, #tpu.memory_space<vmem>>) semaphore(%arg16 : memref<!tpu.dma_semaphore, #tpu.memory_space<semaphore_mem>>) {add = true}
    %dma_wait3A_307 = arith.constant 0 : i32
    %dma_wait3A_308 = arith.constant 3 : i32
    %dma_wait3A_309 = arith.constant 3 : i32
    %dma_wait3A_310 = arith.constant 0 : i32
    %dma_wait3A_311 = arith.constant 0 : i32
    %dma_wait3A_312 = tpu.memref_slice %arg8[%dma_wait3A_309, %dma_wait3A_310, %dma_wait3A_311] : memref<4x400x64xf32, #tpu.memory_space<vmem>> -> memref<1x400x64xf32, #tpu.memory_space<vmem>>
    %dma_wait3A_313 = tpu.memref_squeeze %dma_wait3A_312 : memref<1x400x64xf32, #tpu.memory_space<vmem>> -> memref<400x64xf32, #tpu.memory_space<vmem>>
    %dma_wait3A_314 = arith.constant 0 : i32
    %dma_wait3A_315 = tpu.memref_slice %arg7[%dma_wait3A_307, %dma_wait3A_308, %dma_wait3A_314] : memref<1x16x400xi32, #tpu.memory_space<vmem>> -> memref<1x1x400xi32, #tpu.memory_space<vmem>>
    %dma_wait3A_316 = tpu.memref_squeeze %dma_wait3A_315 : memref<1x1x400xi32, #tpu.memory_space<vmem>> -> memref<400xi32, #tpu.memory_space<vmem>>
    %dma_wait3A_317 = arith.constant 0 : i32
    %dma_wait3A_318 = arith.constant 0 : i32
    %dma_wait3A_319 = tpu.memref_slice %arg4[%dma_wait3A_317, %dma_wait3A_318] : memref<100203x64xf32, #tpu.memory_space<hbm>> -> memref<100203x64xf32, #tpu.memory_space<hbm>>
    tpu.wait_indirect_dma semaphore(%arg16 : memref<!tpu.dma_semaphore, #tpu.memory_space<semaphore_mem>>) src(%dma_wait3A_319 : memref<100203x64xf32, #tpu.memory_space<hbm>>) dst(%dma_wait3A_313 : memref<400x64xf32, #tpu.memory_space<vmem>>)
    %add3A_320 = arith.constant 3 : i32
    %add3A_321 = arith.addi %mul3A_2, %add3A_320 : i32
    %mul3A_322 = arith.constant 400 : i32
    %mul3A_323 = arith.muli %add3A_321, %mul3A_322 : i32
    %dma_start3A_324 = arith.constant 3 : i32
    %dma_start3A_325 = arith.constant 0 : i32
    %dma_start3A_326 = arith.constant 0 : i32
    %dma_start3A_327 = tpu.memref_slice %arg8[%dma_start3A_324, %dma_start3A_325, %dma_start3A_326] : memref<4x400x64xf32, #tpu.memory_space<vmem>> -> memref<1x400x64xf32, #tpu.memory_space<vmem>>
    %dma_start3A_328 = tpu.memref_squeeze %dma_start3A_327 : memref<1x400x64xf32, #tpu.memory_space<vmem>> -> memref<400x64xf32, #tpu.memory_space<vmem>>
    %dma_start3A_329 = arith.constant 0 : i32
    %dma_start3A_330 = tpu.memref_slice %arg5[%mul3A_323, %dma_start3A_329] : memref<204800x64xf32, #tpu.memory_space<hbm>> -> memref<400x64xf32, #tpu.memory_space<hbm>>
    %dma_start3A_331 = arith.constant 0 : i32
    %dma_start3A_332 = tpu.memref_slice %arg5[%mul3A_323, %dma_start3A_331] : memref<204800x64xf32, #tpu.memory_space<hbm>> -> memref<400x64xf32, #tpu.memory_space<hbm>>
    %dma_start3A_333 = arith.constant 0 : i32
    %dma_start3A_334 = arith.constant 0 : i32
    %dma_start3A_335 = tpu.memref_slice %arg8[%dma_start3A_324, %dma_start3A_333, %dma_start3A_334] : memref<4x400x64xf32, #tpu.memory_space<vmem>> -> memref<1x400x64xf32, #tpu.memory_space<vmem>>
    %dma_start3A_336 = tpu.memref_squeeze %dma_start3A_335 : memref<1x400x64xf32, #tpu.memory_space<vmem>> -> memref<400x64xf32, #tpu.memory_space<vmem>>
    tpu.enqueue_dma source(%dma_start3A_336 : memref<400x64xf32, #tpu.memory_space<vmem>>) target(%dma_start3A_332 : memref<400x64xf32, #tpu.memory_space<hbm>>) target_semaphore(%arg20 : memref<!tpu.dma_semaphore, #tpu.memory_space<semaphore_mem>>)
    %add3A_337 = arith.constant 2 : i32
    %add3A_338 = arith.addi %mul3A_2, %add3A_337 : i32
    %mul3A_339 = arith.constant 400 : i32
    %mul3A_340 = arith.muli %add3A_338, %mul3A_339 : i32
    %dma_wait3A_341 = arith.constant 2 : i32
    %dma_wait3A_342 = arith.constant 0 : i32
    %dma_wait3A_343 = arith.constant 0 : i32
    %dma_wait3A_344 = tpu.memref_slice %arg8[%dma_wait3A_341, %dma_wait3A_342, %dma_wait3A_343] : memref<4x400x64xf32, #tpu.memory_space<vmem>> -> memref<1x400x64xf32, #tpu.memory_space<vmem>>
    %dma_wait3A_345 = tpu.memref_squeeze %dma_wait3A_344 : memref<1x400x64xf32, #tpu.memory_space<vmem>> -> memref<400x64xf32, #tpu.memory_space<vmem>>
    %dma_wait3A_346 = arith.constant 0 : i32
    %dma_wait3A_347 = tpu.memref_slice %arg5[%mul3A_340, %dma_wait3A_346] : memref<204800x64xf32, #tpu.memory_space<hbm>> -> memref<400x64xf32, #tpu.memory_space<hbm>>
    %dma_wait3A_348 = arith.constant 0 : i32
    %dma_wait3A_349 = tpu.memref_slice %arg5[%mul3A_340, %dma_wait3A_348] : memref<204800x64xf32, #tpu.memory_space<hbm>> -> memref<400x64xf32, #tpu.memory_space<hbm>>
    %dma_wait3A_350 = arith.constant 0 : i32
    %dma_wait3A_351 = arith.constant 0 : i32
    %dma_wait3A_352 = tpu.memref_slice %arg8[%dma_wait3A_341, %dma_wait3A_350, %dma_wait3A_351] : memref<4x400x64xf32, #tpu.memory_space<vmem>> -> memref<1x400x64xf32, #tpu.memory_space<vmem>>
    %dma_wait3A_353 = tpu.memref_squeeze %dma_wait3A_352 : memref<1x400x64xf32, #tpu.memory_space<vmem>> -> memref<400x64xf32, #tpu.memory_space<vmem>>
    tpu.wait_dma2 semaphore(%arg19 : memref<!tpu.dma_semaphore, #tpu.memory_space<semaphore_mem>>) src(%dma_wait3A_353 : memref<400x64xf32, #tpu.memory_space<vmem>>) dst(%dma_wait3A_349 : memref<400x64xf32, #tpu.memory_space<hbm>>)
    %dma_start3A_354 = arith.constant 0 : i32
    %dma_start3A_355 = arith.constant 6 : i32
    %dma_start3A_356 = arith.constant 2 : i32
    %dma_start3A_357 = arith.constant 0 : i32
    %dma_start3A_358 = arith.constant 0 : i32
    %dma_start3A_359 = tpu.memref_slice %arg8[%dma_start3A_356, %dma_start3A_357, %dma_start3A_358] : memref<4x400x64xf32, #tpu.memory_space<vmem>> -> memref<1x400x64xf32, #tpu.memory_space<vmem>>
    %dma_start3A_360 = tpu.memref_squeeze %dma_start3A_359 : memref<1x400x64xf32, #tpu.memory_space<vmem>> -> memref<400x64xf32, #tpu.memory_space<vmem>>
    %dma_start3A_361 = arith.constant 0 : i32
    %dma_start3A_362 = tpu.memref_slice %arg6[%dma_start3A_354, %dma_start3A_355, %dma_start3A_361] : memref<1x16x400xi32, #tpu.memory_space<vmem>> -> memref<1x1x400xi32, #tpu.memory_space<vmem>>
    %dma_start3A_363 = tpu.memref_squeeze %dma_start3A_362 : memref<1x1x400xi32, #tpu.memory_space<vmem>> -> memref<400xi32, #tpu.memory_space<vmem>>
    %dma_start3A_364 = arith.constant 0 : i32
    %dma_start3A_365 = arith.constant 0 : i32
    %dma_start3A_366 = tpu.memref_slice %arg4[%dma_start3A_364, %dma_start3A_365] : memref<100203x64xf32, #tpu.memory_space<hbm>> -> memref<100203x64xf32, #tpu.memory_space<hbm>>
    tpu.enqueue_indirect_dma source(%dma_start3A_366 : memref<100203x64xf32, #tpu.memory_space<hbm>>) target(%dma_start3A_360 : memref<400x64xf32, #tpu.memory_space<vmem>>) offsets(%dma_start3A_363 : memref<400xi32, #tpu.memory_space<vmem>>) semaphore(%arg11 : memref<!tpu.dma_semaphore, #tpu.memory_space<semaphore_mem>>)
    %dma_wait3A_367 = arith.constant 0 : i32
    %dma_wait3A_368 = arith.constant 4 : i32
    %dma_wait3A_369 = arith.constant 0 : i32
    %dma_wait3A_370 = arith.constant 0 : i32
    %dma_wait3A_371 = arith.constant 0 : i32
    %dma_wait3A_372 = tpu.memref_slice %arg8[%dma_wait3A_369, %dma_wait3A_370, %dma_wait3A_371] : memref<4x400x64xf32, #tpu.memory_space<vmem>> -> memref<1x400x64xf32, #tpu.memory_space<vmem>>
    %dma_wait3A_373 = tpu.memref_squeeze %dma_wait3A_372 : memref<1x400x64xf32, #tpu.memory_space<vmem>> -> memref<400x64xf32, #tpu.memory_space<vmem>>
    %dma_wait3A_374 = arith.constant 0 : i32
    %dma_wait3A_375 = tpu.memref_slice %arg6[%dma_wait3A_367, %dma_wait3A_368, %dma_wait3A_374] : memref<1x16x400xi32, #tpu.memory_space<vmem>> -> memref<1x1x400xi32, #tpu.memory_space<vmem>>
    %dma_wait3A_376 = tpu.memref_squeeze %dma_wait3A_375 : memref<1x1x400xi32, #tpu.memory_space<vmem>> -> memref<400xi32, #tpu.memory_space<vmem>>
    %dma_wait3A_377 = arith.constant 0 : i32
    %dma_wait3A_378 = arith.constant 0 : i32
    %dma_wait3A_379 = tpu.memref_slice %arg4[%dma_wait3A_377, %dma_wait3A_378] : memref<100203x64xf32, #tpu.memory_space<hbm>> -> memref<100203x64xf32, #tpu.memory_space<hbm>>
    tpu.wait_indirect_dma semaphore(%arg9 : memref<!tpu.dma_semaphore, #tpu.memory_space<semaphore_mem>>) src(%dma_wait3A_379 : memref<100203x64xf32, #tpu.memory_space<hbm>>) dst(%dma_wait3A_373 : memref<400x64xf32, #tpu.memory_space<vmem>>)
    %dma_start3A_380 = arith.constant 0 : i32
    %dma_start3A_381 = arith.constant 4 : i32
    %dma_start3A_382 = arith.constant 0 : i32
    %dma_start3A_383 = arith.constant 0 : i32
    %dma_start3A_384 = arith.constant 0 : i32
    %dma_start3A_385 = tpu.memref_slice %arg8[%dma_start3A_382, %dma_start3A_383, %dma_start3A_384] : memref<4x400x64xf32, #tpu.memory_space<vmem>> -> memref<1x400x64xf32, #tpu.memory_space<vmem>>
    %dma_start3A_386 = tpu.memref_squeeze %dma_start3A_385 : memref<1x400x64xf32, #tpu.memory_space<vmem>> -> memref<400x64xf32, #tpu.memory_space<vmem>>
    %dma_start3A_387 = arith.constant 0 : i32
    %dma_start3A_388 = tpu.memref_slice %arg7[%dma_start3A_380, %dma_start3A_381, %dma_start3A_387] : memref<1x16x400xi32, #tpu.memory_space<vmem>> -> memref<1x1x400xi32, #tpu.memory_space<vmem>>
    %dma_start3A_389 = tpu.memref_squeeze %dma_start3A_388 : memref<1x1x400xi32, #tpu.memory_space<vmem>> -> memref<400xi32, #tpu.memory_space<vmem>>
    %dma_start3A_390 = arith.constant 0 : i32
    %dma_start3A_391 = arith.constant 0 : i32
    %dma_start3A_392 = tpu.memref_slice %arg4[%dma_start3A_390, %dma_start3A_391] : memref<100203x64xf32, #tpu.memory_space<hbm>> -> memref<100203x64xf32, #tpu.memory_space<hbm>>
    tpu.enqueue_indirect_dma source(%dma_start3A_392 : memref<100203x64xf32, #tpu.memory_space<hbm>>) target(%dma_start3A_386 : memref<400x64xf32, #tpu.memory_space<vmem>>) offsets(%dma_start3A_389 : memref<400xi32, #tpu.memory_space<vmem>>) semaphore(%arg13 : memref<!tpu.dma_semaphore, #tpu.memory_space<semaphore_mem>>) {add = true}
    %dma_wait3A_393 = arith.constant 0 : i32
    %dma_wait3A_394 = arith.constant 4 : i32
    %dma_wait3A_395 = arith.constant 0 : i32
    %dma_wait3A_396 = arith.constant 0 : i32
    %dma_wait3A_397 = arith.constant 0 : i32
    %dma_wait3A_398 = tpu.memref_slice %arg8[%dma_wait3A_395, %dma_wait3A_396, %dma_wait3A_397] : memref<4x400x64xf32, #tpu.memory_space<vmem>> -> memref<1x400x64xf32, #tpu.memory_space<vmem>>
    %dma_wait3A_399 = tpu.memref_squeeze %dma_wait3A_398 : memref<1x400x64xf32, #tpu.memory_space<vmem>> -> memref<400x64xf32, #tpu.memory_space<vmem>>
    %dma_wait3A_400 = arith.constant 0 : i32
    %dma_wait3A_401 = tpu.memref_slice %arg7[%dma_wait3A_393, %dma_wait3A_394, %dma_wait3A_400] : memref<1x16x400xi32, #tpu.memory_space<vmem>> -> memref<1x1x400xi32, #tpu.memory_space<vmem>>
    %dma_wait3A_402 = tpu.memref_squeeze %dma_wait3A_401 : memref<1x1x400xi32, #tpu.memory_space<vmem>> -> memref<400xi32, #tpu.memory_space<vmem>>
    %dma_wait3A_403 = arith.constant 0 : i32
    %dma_wait3A_404 = arith.constant 0 : i32
    %dma_wait3A_405 = tpu.memref_slice %arg4[%dma_wait3A_403, %dma_wait3A_404] : memref<100203x64xf32, #tpu.memory_space<hbm>> -> memref<100203x64xf32, #tpu.memory_space<hbm>>
    tpu.wait_indirect_dma semaphore(%arg13 : memref<!tpu.dma_semaphore, #tpu.memory_space<semaphore_mem>>) src(%dma_wait3A_405 : memref<100203x64xf32, #tpu.memory_space<hbm>>) dst(%dma_wait3A_399 : memref<400x64xf32, #tpu.memory_space<vmem>>)
    %add3A_406 = arith.constant 4 : i32
    %add3A_407 = arith.addi %mul3A_2, %add3A_406 : i32
    %mul3A_408 = arith.constant 400 : i32
    %mul3A_409 = arith.muli %add3A_407, %mul3A_408 : i32
    %dma_start3A_410 = arith.constant 0 : i32
    %dma_start3A_411 = arith.constant 0 : i32
    %dma_start3A_412 = arith.constant 0 : i32
    %dma_start3A_413 = tpu.memref_slice %arg8[%dma_start3A_410, %dma_start3A_411, %dma_start3A_412] : memref<4x400x64xf32, #tpu.memory_space<vmem>> -> memref<1x400x64xf32, #tpu.memory_space<vmem>>
    %dma_start3A_414 = tpu.memref_squeeze %dma_start3A_413 : memref<1x400x64xf32, #tpu.memory_space<vmem>> -> memref<400x64xf32, #tpu.memory_space<vmem>>
    %dma_start3A_415 = arith.constant 0 : i32
    %dma_start3A_416 = tpu.memref_slice %arg5[%mul3A_409, %dma_start3A_415] : memref<204800x64xf32, #tpu.memory_space<hbm>> -> memref<400x64xf32, #tpu.memory_space<hbm>>
    %dma_start3A_417 = arith.constant 0 : i32
    %dma_start3A_418 = tpu.memref_slice %arg5[%mul3A_409, %dma_start3A_417] : memref<204800x64xf32, #tpu.memory_space<hbm>> -> memref<400x64xf32, #tpu.memory_space<hbm>>
    %dma_start3A_419 = arith.constant 0 : i32
    %dma_start3A_420 = arith.constant 0 : i32
    %dma_start3A_421 = tpu.memref_slice %arg8[%dma_start3A_410, %dma_start3A_419, %dma_start3A_420] : memref<4x400x64xf32, #tpu.memory_space<vmem>> -> memref<1x400x64xf32, #tpu.memory_space<vmem>>
    %dma_start3A_422 = tpu.memref_squeeze %dma_start3A_421 : memref<1x400x64xf32, #tpu.memory_space<vmem>> -> memref<400x64xf32, #tpu.memory_space<vmem>>
    tpu.enqueue_dma source(%dma_start3A_422 : memref<400x64xf32, #tpu.memory_space<vmem>>) target(%dma_start3A_418 : memref<400x64xf32, #tpu.memory_space<hbm>>) target_semaphore(%arg17 : memref<!tpu.dma_semaphore, #tpu.memory_space<semaphore_mem>>)
    %add3A_423 = arith.constant 3 : i32
    %add3A_424 = arith.addi %mul3A_2, %add3A_423 : i32
    %mul3A_425 = arith.constant 400 : i32
    %mul3A_426 = arith.muli %add3A_424, %mul3A_425 : i32
    %dma_wait3A_427 = arith.constant 3 : i32
    %dma_wait3A_428 = arith.constant 0 : i32
    %dma_wait3A_429 = arith.constant 0 : i32
    %dma_wait3A_430 = tpu.memref_slice %arg8[%dma_wait3A_427, %dma_wait3A_428, %dma_wait3A_429] : memref<4x400x64xf32, #tpu.memory_space<vmem>> -> memref<1x400x64xf32, #tpu.memory_space<vmem>>
    %dma_wait3A_431 = tpu.memref_squeeze %dma_wait3A_430 : memref<1x400x64xf32, #tpu.memory_space<vmem>> -> memref<400x64xf32, #tpu.memory_space<vmem>>
    %dma_wait3A_432 = arith.constant 0 : i32
    %dma_wait3A_433 = tpu.memref_slice %arg5[%mul3A_426, %dma_wait3A_432] : memref<204800x64xf32, #tpu.memory_space<hbm>> -> memref<400x64xf32, #tpu.memory_space<hbm>>
    %dma_wait3A_434 = arith.constant 0 : i32
    %dma_wait3A_435 = tpu.memref_slice %arg5[%mul3A_426, %dma_wait3A_434] : memref<204800x64xf32, #tpu.memory_space<hbm>> -> memref<400x64xf32, #tpu.memory_space<hbm>>
    %dma_wait3A_436 = arith.constant 0 : i32
    %dma_wait3A_437 = arith.constant 0 : i32
    %dma_wait3A_438 = tpu.memref_slice %arg8[%dma_wait3A_427, %dma_wait3A_436, %dma_wait3A_437] : memref<4x400x64xf32, #tpu.memory_space<vmem>> -> memref<1x400x64xf32, #tpu.memory_space<vmem>>
    %dma_wait3A_439 = tpu.memref_squeeze %dma_wait3A_438 : memref<1x400x64xf32, #tpu.memory_space<vmem>> -> memref<400x64xf32, #tpu.memory_space<vmem>>
    tpu.wait_dma2 semaphore(%arg20 : memref<!tpu.dma_semaphore, #tpu.memory_space<semaphore_mem>>) src(%dma_wait3A_439 : memref<400x64xf32, #tpu.memory_space<vmem>>) dst(%dma_wait3A_435 : memref<400x64xf32, #tpu.memory_space<hbm>>)
    %dma_start3A_440 = arith.constant 0 : i32
    %dma_start3A_441 = arith.constant 7 : i32
    %dma_start3A_442 = arith.constant 3 : i32
    %dma_start3A_443 = arith.constant 0 : i32
    %dma_start3A_444 = arith.constant 0 : i32
    %dma_start3A_445 = tpu.memref_slice %arg8[%dma_start3A_442, %dma_start3A_443, %dma_start3A_444] : memref<4x400x64xf32, #tpu.memory_space<vmem>> -> memref<1x400x64xf32, #tpu.memory_space<vmem>>
    %dma_start3A_446 = tpu.memref_squeeze %dma_start3A_445 : memref<1x400x64xf32, #tpu.memory_space<vmem>> -> memref<400x64xf32, #tpu.memory_space<vmem>>
    %dma_start3A_447 = arith.constant 0 : i32
    %dma_start3A_448 = tpu.memref_slice %arg6[%dma_start3A_440, %dma_start3A_441, %dma_start3A_447] : memref<1x16x400xi32, #tpu.memory_space<vmem>> -> memref<1x1x400xi32, #tpu.memory_space<vmem>>
    %dma_start3A_449 = tpu.memref_squeeze %dma_start3A_448 : memref<1x1x400xi32, #tpu.memory_space<vmem>> -> memref<400xi32, #tpu.memory_space<vmem>>
    %dma_start3A_450 = arith.constant 0 : i32
    %dma_start3A_451 = arith.constant 0 : i32
    %dma_start3A_452 = tpu.memref_slice %arg4[%dma_start3A_450, %dma_start3A_451] : memref<100203x64xf32, #tpu.memory_space<hbm>> -> memref<100203x64xf32, #tpu.memory_space<hbm>>
    tpu.enqueue_indirect_dma source(%dma_start3A_452 : memref<100203x64xf32, #tpu.memory_space<hbm>>) target(%dma_start3A_446 : memref<400x64xf32, #tpu.memory_space<vmem>>) offsets(%dma_start3A_449 : memref<400xi32, #tpu.memory_space<vmem>>) semaphore(%arg12 : memref<!tpu.dma_semaphore, #tpu.memory_space<semaphore_mem>>)
    %dma_wait3A_453 = arith.constant 0 : i32
    %dma_wait3A_454 = arith.constant 5 : i32
    %dma_wait3A_455 = arith.constant 1 : i32
    %dma_wait3A_456 = arith.constant 0 : i32
    %dma_wait3A_457 = arith.constant 0 : i32
    %dma_wait3A_458 = tpu.memref_slice %arg8[%dma_wait3A_455, %dma_wait3A_456, %dma_wait3A_457] : memref<4x400x64xf32, #tpu.memory_space<vmem>> -> memref<1x400x64xf32, #tpu.memory_space<vmem>>
    %dma_wait3A_459 = tpu.memref_squeeze %dma_wait3A_458 : memref<1x400x64xf32, #tpu.memory_space<vmem>> -> memref<400x64xf32, #tpu.memory_space<vmem>>
    %dma_wait3A_460 = arith.constant 0 : i32
    %dma_wait3A_461 = tpu.memref_slice %arg6[%dma_wait3A_453, %dma_wait3A_454, %dma_wait3A_460] : memref<1x16x400xi32, #tpu.memory_space<vmem>> -> memref<1x1x400xi32, #tpu.memory_space<vmem>>
    %dma_wait3A_462 = tpu.memref_squeeze %dma_wait3A_461 : memref<1x1x400xi32, #tpu.memory_space<vmem>> -> memref<400xi32, #tpu.memory_space<vmem>>
    %dma_wait3A_463 = arith.constant 0 : i32
    %dma_wait3A_464 = arith.constant 0 : i32
    %dma_wait3A_465 = tpu.memref_slice %arg4[%dma_wait3A_463, %dma_wait3A_464] : memref<100203x64xf32, #tpu.memory_space<hbm>> -> memref<100203x64xf32, #tpu.memory_space<hbm>>
    tpu.wait_indirect_dma semaphore(%arg10 : memref<!tpu.dma_semaphore, #tpu.memory_space<semaphore_mem>>) src(%dma_wait3A_465 : memref<100203x64xf32, #tpu.memory_space<hbm>>) dst(%dma_wait3A_459 : memref<400x64xf32, #tpu.memory_space<vmem>>)
    %dma_start3A_466 = arith.constant 0 : i32
    %dma_start3A_467 = arith.constant 5 : i32
    %dma_start3A_468 = arith.constant 1 : i32
    %dma_start3A_469 = arith.constant 0 : i32
    %dma_start3A_470 = arith.constant 0 : i32
    %dma_start3A_471 = tpu.memref_slice %arg8[%dma_start3A_468, %dma_start3A_469, %dma_start3A_470] : memref<4x400x64xf32, #tpu.memory_space<vmem>> -> memref<1x400x64xf32, #tpu.memory_space<vmem>>
    %dma_start3A_472 = tpu.memref_squeeze %dma_start3A_471 : memref<1x400x64xf32, #tpu.memory_space<vmem>> -> memref<400x64xf32, #tpu.memory_space<vmem>>
    %dma_start3A_473 = arith.constant 0 : i32
    %dma_start3A_474 = tpu.memref_slice %arg7[%dma_start3A_466, %dma_start3A_467, %dma_start3A_473] : memref<1x16x400xi32, #tpu.memory_space<vmem>> -> memref<1x1x400xi32, #tpu.memory_space<vmem>>
    %dma_start3A_475 = tpu.memref_squeeze %dma_start3A_474 : memref<1x1x400xi32, #tpu.memory_space<vmem>> -> memref<400xi32, #tpu.memory_space<vmem>>
    %dma_start3A_476 = arith.constant 0 : i32
    %dma_start3A_477 = arith.constant 0 : i32
    %dma_start3A_478 = tpu.memref_slice %arg4[%dma_start3A_476, %dma_start3A_477] : memref<100203x64xf32, #tpu.memory_space<hbm>> -> memref<100203x64xf32, #tpu.memory_space<hbm>>
    tpu.enqueue_indirect_dma source(%dma_start3A_478 : memref<100203x64xf32, #tpu.memory_space<hbm>>) target(%dma_start3A_472 : memref<400x64xf32, #tpu.memory_space<vmem>>) offsets(%dma_start3A_475 : memref<400xi32, #tpu.memory_space<vmem>>) semaphore(%arg14 : memref<!tpu.dma_semaphore, #tpu.memory_space<semaphore_mem>>) {add = true}
    %dma_wait3A_479 = arith.constant 0 : i32
    %dma_wait3A_480 = arith.constant 5 : i32
    %dma_wait3A_481 = arith.constant 1 : i32
    %dma_wait3A_482 = arith.constant 0 : i32
    %dma_wait3A_483 = arith.constant 0 : i32
    %dma_wait3A_484 = tpu.memref_slice %arg8[%dma_wait3A_481, %dma_wait3A_482, %dma_wait3A_483] : memref<4x400x64xf32, #tpu.memory_space<vmem>> -> memref<1x400x64xf32, #tpu.memory_space<vmem>>
    %dma_wait3A_485 = tpu.memref_squeeze %dma_wait3A_484 : memref<1x400x64xf32, #tpu.memory_space<vmem>> -> memref<400x64xf32, #tpu.memory_space<vmem>>
    %dma_wait3A_486 = arith.constant 0 : i32
    %dma_wait3A_487 = tpu.memref_slice %arg7[%dma_wait3A_479, %dma_wait3A_480, %dma_wait3A_486] : memref<1x16x400xi32, #tpu.memory_space<vmem>> -> memref<1x1x400xi32, #tpu.memory_space<vmem>>
    %dma_wait3A_488 = tpu.memref_squeeze %dma_wait3A_487 : memref<1x1x400xi32, #tpu.memory_space<vmem>> -> memref<400xi32, #tpu.memory_space<vmem>>
    %dma_wait3A_489 = arith.constant 0 : i32
    %dma_wait3A_490 = arith.constant 0 : i32
    %dma_wait3A_491 = tpu.memref_slice %arg4[%dma_wait3A_489, %dma_wait3A_490] : memref<100203x64xf32, #tpu.memory_space<hbm>> -> memref<100203x64xf32, #tpu.memory_space<hbm>>
    tpu.wait_indirect_dma semaphore(%arg14 : memref<!tpu.dma_semaphore, #tpu.memory_space<semaphore_mem>>) src(%dma_wait3A_491 : memref<100203x64xf32, #tpu.memory_space<hbm>>) dst(%dma_wait3A_485 : memref<400x64xf32, #tpu.memory_space<vmem>>)
    %add3A_492 = arith.constant 5 : i32
    %add3A_493 = arith.addi %mul3A_2, %add3A_492 : i32
    %mul3A_494 = arith.constant 400 : i32
    %mul3A_495 = arith.muli %add3A_493, %mul3A_494 : i32
    %dma_start3A_496 = arith.constant 1 : i32
    %dma_start3A_497 = arith.constant 0 : i32
    %dma_start3A_498 = arith.constant 0 : i32
    %dma_start3A_499 = tpu.memref_slice %arg8[%dma_start3A_496, %dma_start3A_497, %dma_start3A_498] : memref<4x400x64xf32, #tpu.memory_space<vmem>> -> memref<1x400x64xf32, #tpu.memory_space<vmem>>
    %dma_start3A_500 = tpu.memref_squeeze %dma_start3A_499 : memref<1x400x64xf32, #tpu.memory_space<vmem>> -> memref<400x64xf32, #tpu.memory_space<vmem>>
    %dma_start3A_501 = arith.constant 0 : i32
    %dma_start3A_502 = tpu.memref_slice %arg5[%mul3A_495, %dma_start3A_501] : memref<204800x64xf32, #tpu.memory_space<hbm>> -> memref<400x64xf32, #tpu.memory_space<hbm>>
    %dma_start3A_503 = arith.constant 0 : i32
    %dma_start3A_504 = tpu.memref_slice %arg5[%mul3A_495, %dma_start3A_503] : memref<204800x64xf32, #tpu.memory_space<hbm>> -> memref<400x64xf32, #tpu.memory_space<hbm>>
    %dma_start3A_505 = arith.constant 0 : i32
    %dma_start3A_506 = arith.constant 0 : i32
    %dma_start3A_507 = tpu.memref_slice %arg8[%dma_start3A_496, %dma_start3A_505, %dma_start3A_506] : memref<4x400x64xf32, #tpu.memory_space<vmem>> -> memref<1x400x64xf32, #tpu.memory_space<vmem>>
    %dma_start3A_508 = tpu.memref_squeeze %dma_start3A_507 : memref<1x400x64xf32, #tpu.memory_space<vmem>> -> memref<400x64xf32, #tpu.memory_space<vmem>>
    tpu.enqueue_dma source(%dma_start3A_508 : memref<400x64xf32, #tpu.memory_space<vmem>>) target(%dma_start3A_504 : memref<400x64xf32, #tpu.memory_space<hbm>>) target_semaphore(%arg18 : memref<!tpu.dma_semaphore, #tpu.memory_space<semaphore_mem>>)
    %add3A_509 = arith.constant 4 : i32
    %add3A_510 = arith.addi %mul3A_2, %add3A_509 : i32
    %mul3A_511 = arith.constant 400 : i32
    %mul3A_512 = arith.muli %add3A_510, %mul3A_511 : i32
    %dma_wait3A_513 = arith.constant 0 : i32
    %dma_wait3A_514 = arith.constant 0 : i32
    %dma_wait3A_515 = arith.constant 0 : i32
    %dma_wait3A_516 = tpu.memref_slice %arg8[%dma_wait3A_513, %dma_wait3A_514, %dma_wait3A_515] : memref<4x400x64xf32, #tpu.memory_space<vmem>> -> memref<1x400x64xf32, #tpu.memory_space<vmem>>
    %dma_wait3A_517 = tpu.memref_squeeze %dma_wait3A_516 : memref<1x400x64xf32, #tpu.memory_space<vmem>> -> memref<400x64xf32, #tpu.memory_space<vmem>>
    %dma_wait3A_518 = arith.constant 0 : i32
    %dma_wait3A_519 = tpu.memref_slice %arg5[%mul3A_512, %dma_wait3A_518] : memref<204800x64xf32, #tpu.memory_space<hbm>> -> memref<400x64xf32, #tpu.memory_space<hbm>>
    %dma_wait3A_520 = arith.constant 0 : i32
    %dma_wait3A_521 = tpu.memref_slice %arg5[%mul3A_512, %dma_wait3A_520] : memref<204800x64xf32, #tpu.memory_space<hbm>> -> memref<400x64xf32, #tpu.memory_space<hbm>>
    %dma_wait3A_522 = arith.constant 0 : i32
    %dma_wait3A_523 = arith.constant 0 : i32
    %dma_wait3A_524 = tpu.memref_slice %arg8[%dma_wait3A_513, %dma_wait3A_522, %dma_wait3A_523] : memref<4x400x64xf32, #tpu.memory_space<vmem>> -> memref<1x400x64xf32, #tpu.memory_space<vmem>>
    %dma_wait3A_525 = tpu.memref_squeeze %dma_wait3A_524 : memref<1x400x64xf32, #tpu.memory_space<vmem>> -> memref<400x64xf32, #tpu.memory_space<vmem>>
    tpu.wait_dma2 semaphore(%arg17 : memref<!tpu.dma_semaphore, #tpu.memory_space<semaphore_mem>>) src(%dma_wait3A_525 : memref<400x64xf32, #tpu.memory_space<vmem>>) dst(%dma_wait3A_521 : memref<400x64xf32, #tpu.memory_space<hbm>>)
    %dma_start3A_526 = arith.constant 0 : i32
    %dma_start3A_527 = arith.constant 8 : i32
    %dma_start3A_528 = arith.constant 0 : i32
    %dma_start3A_529 = arith.constant 0 : i32
    %dma_start3A_530 = arith.constant 0 : i32
    %dma_start3A_531 = tpu.memref_slice %arg8[%dma_start3A_528, %dma_start3A_529, %dma_start3A_530] : memref<4x400x64xf32, #tpu.memory_space<vmem>> -> memref<1x400x64xf32, #tpu.memory_space<vmem>>
    %dma_start3A_532 = tpu.memref_squeeze %dma_start3A_531 : memref<1x400x64xf32, #tpu.memory_space<vmem>> -> memref<400x64xf32, #tpu.memory_space<vmem>>
    %dma_start3A_533 = arith.constant 0 : i32
    %dma_start3A_534 = tpu.memref_slice %arg6[%dma_start3A_526, %dma_start3A_527, %dma_start3A_533] : memref<1x16x400xi32, #tpu.memory_space<vmem>> -> memref<1x1x400xi32, #tpu.memory_space<vmem>>
    %dma_start3A_535 = tpu.memref_squeeze %dma_start3A_534 : memref<1x1x400xi32, #tpu.memory_space<vmem>> -> memref<400xi32, #tpu.memory_space<vmem>>
    %dma_start3A_536 = arith.constant 0 : i32
    %dma_start3A_537 = arith.constant 0 : i32
    %dma_start3A_538 = tpu.memref_slice %arg4[%dma_start3A_536, %dma_start3A_537] : memref<100203x64xf32, #tpu.memory_space<hbm>> -> memref<100203x64xf32, #tpu.memory_space<hbm>>
    tpu.enqueue_indirect_dma source(%dma_start3A_538 : memref<100203x64xf32, #tpu.memory_space<hbm>>) target(%dma_start3A_532 : memref<400x64xf32, #tpu.memory_space<vmem>>) offsets(%dma_start3A_535 : memref<400xi32, #tpu.memory_space<vmem>>) semaphore(%arg9 : memref<!tpu.dma_semaphore, #tpu.memory_space<semaphore_mem>>)
    %dma_wait3A_539 = arith.constant 0 : i32
    %dma_wait3A_540 = arith.constant 6 : i32
    %dma_wait3A_541 = arith.constant 2 : i32
    %dma_wait3A_542 = arith.constant 0 : i32
    %dma_wait3A_543 = arith.constant 0 : i32
    %dma_wait3A_544 = tpu.memref_slice %arg8[%dma_wait3A_541, %dma_wait3A_542, %dma_wait3A_543] : memref<4x400x64xf32, #tpu.memory_space<vmem>> -> memref<1x400x64xf32, #tpu.memory_space<vmem>>
    %dma_wait3A_545 = tpu.memref_squeeze %dma_wait3A_544 : memref<1x400x64xf32, #tpu.memory_space<vmem>> -> memref<400x64xf32, #tpu.memory_space<vmem>>
    %dma_wait3A_546 = arith.constant 0 : i32
    %dma_wait3A_547 = tpu.memref_slice %arg6[%dma_wait3A_539, %dma_wait3A_540, %dma_wait3A_546] : memref<1x16x400xi32, #tpu.memory_space<vmem>> -> memref<1x1x400xi32, #tpu.memory_space<vmem>>
    %dma_wait3A_548 = tpu.memref_squeeze %dma_wait3A_547 : memref<1x1x400xi32, #tpu.memory_space<vmem>> -> memref<400xi32, #tpu.memory_space<vmem>>
    %dma_wait3A_549 = arith.constant 0 : i32
    %dma_wait3A_550 = arith.constant 0 : i32
    %dma_wait3A_551 = tpu.memref_slice %arg4[%dma_wait3A_549, %dma_wait3A_550] : memref<100203x64xf32, #tpu.memory_space<hbm>> -> memref<100203x64xf32, #tpu.memory_space<hbm>>
    tpu.wait_indirect_dma semaphore(%arg11 : memref<!tpu.dma_semaphore, #tpu.memory_space<semaphore_mem>>) src(%dma_wait3A_551 : memref<100203x64xf32, #tpu.memory_space<hbm>>) dst(%dma_wait3A_545 : memref<400x64xf32, #tpu.memory_space<vmem>>)
    %dma_start3A_552 = arith.constant 0 : i32
    %dma_start3A_553 = arith.constant 6 : i32
    %dma_start3A_554 = arith.constant 2 : i32
    %dma_start3A_555 = arith.constant 0 : i32
    %dma_start3A_556 = arith.constant 0 : i32
    %dma_start3A_557 = tpu.memref_slice %arg8[%dma_start3A_554, %dma_start3A_555, %dma_start3A_556] : memref<4x400x64xf32, #tpu.memory_space<vmem>> -> memref<1x400x64xf32, #tpu.memory_space<vmem>>
    %dma_start3A_558 = tpu.memref_squeeze %dma_start3A_557 : memref<1x400x64xf32, #tpu.memory_space<vmem>> -> memref<400x64xf32, #tpu.memory_space<vmem>>
    %dma_start3A_559 = arith.constant 0 : i32
    %dma_start3A_560 = tpu.memref_slice %arg7[%dma_start3A_552, %dma_start3A_553, %dma_start3A_559] : memref<1x16x400xi32, #tpu.memory_space<vmem>> -> memref<1x1x400xi32, #tpu.memory_space<vmem>>
    %dma_start3A_561 = tpu.memref_squeeze %dma_start3A_560 : memref<1x1x400xi32, #tpu.memory_space<vmem>> -> memref<400xi32, #tpu.memory_space<vmem>>
    %dma_start3A_562 = arith.constant 0 : i32
    %dma_start3A_563 = arith.constant 0 : i32
    %dma_start3A_564 = tpu.memref_slice %arg4[%dma_start3A_562, %dma_start3A_563] : memref<100203x64xf32, #tpu.memory_space<hbm>> -> memref<100203x64xf32, #tpu.memory_space<hbm>>
    tpu.enqueue_indirect_dma source(%dma_start3A_564 : memref<100203x64xf32, #tpu.memory_space<hbm>>) target(%dma_start3A_558 : memref<400x64xf32, #tpu.memory_space<vmem>>) offsets(%dma_start3A_561 : memref<400xi32, #tpu.memory_space<vmem>>) semaphore(%arg15 : memref<!tpu.dma_semaphore, #tpu.memory_space<semaphore_mem>>) {add = true}
    %dma_wait3A_565 = arith.constant 0 : i32
    %dma_wait3A_566 = arith.constant 6 : i32
    %dma_wait3A_567 = arith.constant 2 : i32
    %dma_wait3A_568 = arith.constant 0 : i32
    %dma_wait3A_569 = arith.constant 0 : i32
    %dma_wait3A_570 = tpu.memref_slice %arg8[%dma_wait3A_567, %dma_wait3A_568, %dma_wait3A_569] : memref<4x400x64xf32, #tpu.memory_space<vmem>> -> memref<1x400x64xf32, #tpu.memory_space<vmem>>
    %dma_wait3A_571 = tpu.memref_squeeze %dma_wait3A_570 : memref<1x400x64xf32, #tpu.memory_space<vmem>> -> memref<400x64xf32, #tpu.memory_space<vmem>>
    %dma_wait3A_572 = arith.constant 0 : i32
    %dma_wait3A_573 = tpu.memref_slice %arg7[%dma_wait3A_565, %dma_wait3A_566, %dma_wait3A_572] : memref<1x16x400xi32, #tpu.memory_space<vmem>> -> memref<1x1x400xi32, #tpu.memory_space<vmem>>
    %dma_wait3A_574 = tpu.memref_squeeze %dma_wait3A_573 : memref<1x1x400xi32, #tpu.memory_space<vmem>> -> memref<400xi32, #tpu.memory_space<vmem>>
    %dma_wait3A_575 = arith.constant 0 : i32
    %dma_wait3A_576 = arith.constant 0 : i32
    %dma_wait3A_577 = tpu.memref_slice %arg4[%dma_wait3A_575, %dma_wait3A_576] : memref<100203x64xf32, #tpu.memory_space<hbm>> -> memref<100203x64xf32, #tpu.memory_space<hbm>>
    tpu.wait_indirect_dma semaphore(%arg15 : memref<!tpu.dma_semaphore, #tpu.memory_space<semaphore_mem>>) src(%dma_wait3A_577 : memref<100203x64xf32, #tpu.memory_space<hbm>>) dst(%dma_wait3A_571 : memref<400x64xf32, #tpu.memory_space<vmem>>)
    %add3A_578 = arith.constant 6 : i32
    %add3A_579 = arith.addi %mul3A_2, %add3A_578 : i32
    %mul3A_580 = arith.constant 400 : i32
    %mul3A_581 = arith.muli %add3A_579, %mul3A_580 : i32
    %dma_start3A_582 = arith.constant 2 : i32
    %dma_start3A_583 = arith.constant 0 : i32
    %dma_start3A_584 = arith.constant 0 : i32
    %dma_start3A_585 = tpu.memref_slice %arg8[%dma_start3A_582, %dma_start3A_583, %dma_start3A_584] : memref<4x400x64xf32, #tpu.memory_space<vmem>> -> memref<1x400x64xf32, #tpu.memory_space<vmem>>
    %dma_start3A_586 = tpu.memref_squeeze %dma_start3A_585 : memref<1x400x64xf32, #tpu.memory_space<vmem>> -> memref<400x64xf32, #tpu.memory_space<vmem>>
    %dma_start3A_587 = arith.constant 0 : i32
    %dma_start3A_588 = tpu.memref_slice %arg5[%mul3A_581, %dma_start3A_587] : memref<204800x64xf32, #tpu.memory_space<hbm>> -> memref<400x64xf32, #tpu.memory_space<hbm>>
    %dma_start3A_589 = arith.constant 0 : i32
    %dma_start3A_590 = tpu.memref_slice %arg5[%mul3A_581, %dma_start3A_589] : memref<204800x64xf32, #tpu.memory_space<hbm>> -> memref<400x64xf32, #tpu.memory_space<hbm>>
    %dma_start3A_591 = arith.constant 0 : i32
    %dma_start3A_592 = arith.constant 0 : i32
    %dma_start3A_593 = tpu.memref_slice %arg8[%dma_start3A_582, %dma_start3A_591, %dma_start3A_592] : memref<4x400x64xf32, #tpu.memory_space<vmem>> -> memref<1x400x64xf32, #tpu.memory_space<vmem>>
    %dma_start3A_594 = tpu.memref_squeeze %dma_start3A_593 : memref<1x400x64xf32, #tpu.memory_space<vmem>> -> memref<400x64xf32, #tpu.memory_space<vmem>>
    tpu.enqueue_dma source(%dma_start3A_594 : memref<400x64xf32, #tpu.memory_space<vmem>>) target(%dma_start3A_590 : memref<400x64xf32, #tpu.memory_space<hbm>>) target_semaphore(%arg19 : memref<!tpu.dma_semaphore, #tpu.memory_space<semaphore_mem>>)
    %add3A_595 = arith.constant 5 : i32
    %add3A_596 = arith.addi %mul3A_2, %add3A_595 : i32
    %mul3A_597 = arith.constant 400 : i32
    %mul3A_598 = arith.muli %add3A_596, %mul3A_597 : i32
    %dma_wait3A_599 = arith.constant 1 : i32
    %dma_wait3A_600 = arith.constant 0 : i32
    %dma_wait3A_601 = arith.constant 0 : i32
    %dma_wait3A_602 = tpu.memref_slice %arg8[%dma_wait3A_599, %dma_wait3A_600, %dma_wait3A_601] : memref<4x400x64xf32, #tpu.memory_space<vmem>> -> memref<1x400x64xf32, #tpu.memory_space<vmem>>
    %dma_wait3A_603 = tpu.memref_squeeze %dma_wait3A_602 : memref<1x400x64xf32, #tpu.memory_space<vmem>> -> memref<400x64xf32, #tpu.memory_space<vmem>>
    %dma_wait3A_604 = arith.constant 0 : i32
    %dma_wait3A_605 = tpu.memref_slice %arg5[%mul3A_598, %dma_wait3A_604] : memref<204800x64xf32, #tpu.memory_space<hbm>> -> memref<400x64xf32, #tpu.memory_space<hbm>>
    %dma_wait3A_606 = arith.constant 0 : i32
    %dma_wait3A_607 = tpu.memref_slice %arg5[%mul3A_598, %dma_wait3A_606] : memref<204800x64xf32, #tpu.memory_space<hbm>> -> memref<400x64xf32, #tpu.memory_space<hbm>>
    %dma_wait3A_608 = arith.constant 0 : i32
    %dma_wait3A_609 = arith.constant 0 : i32
    %dma_wait3A_610 = tpu.memref_slice %arg8[%dma_wait3A_599, %dma_wait3A_608, %dma_wait3A_609] : memref<4x400x64xf32, #tpu.memory_space<vmem>> -> memref<1x400x64xf32, #tpu.memory_space<vmem>>
    %dma_wait3A_611 = tpu.memref_squeeze %dma_wait3A_610 : memref<1x400x64xf32, #tpu.memory_space<vmem>> -> memref<400x64xf32, #tpu.memory_space<vmem>>
    tpu.wait_dma2 semaphore(%arg18 : memref<!tpu.dma_semaphore, #tpu.memory_space<semaphore_mem>>) src(%dma_wait3A_611 : memref<400x64xf32, #tpu.memory_space<vmem>>) dst(%dma_wait3A_607 : memref<400x64xf32, #tpu.memory_space<hbm>>)
    %dma_start3A_612 = arith.constant 0 : i32
    %dma_start3A_613 = arith.constant 9 : i32
    %dma_start3A_614 = arith.constant 1 : i32
    %dma_start3A_615 = arith.constant 0 : i32
    %dma_start3A_616 = arith.constant 0 : i32
    %dma_start3A_617 = tpu.memref_slice %arg8[%dma_start3A_614, %dma_start3A_615, %dma_start3A_616] : memref<4x400x64xf32, #tpu.memory_space<vmem>> -> memref<1x400x64xf32, #tpu.memory_space<vmem>>
    %dma_start3A_618 = tpu.memref_squeeze %dma_start3A_617 : memref<1x400x64xf32, #tpu.memory_space<vmem>> -> memref<400x64xf32, #tpu.memory_space<vmem>>
    %dma_start3A_619 = arith.constant 0 : i32
    %dma_start3A_620 = tpu.memref_slice %arg6[%dma_start3A_612, %dma_start3A_613, %dma_start3A_619] : memref<1x16x400xi32, #tpu.memory_space<vmem>> -> memref<1x1x400xi32, #tpu.memory_space<vmem>>
    %dma_start3A_621 = tpu.memref_squeeze %dma_start3A_620 : memref<1x1x400xi32, #tpu.memory_space<vmem>> -> memref<400xi32, #tpu.memory_space<vmem>>
    %dma_start3A_622 = arith.constant 0 : i32
    %dma_start3A_623 = arith.constant 0 : i32
    %dma_start3A_624 = tpu.memref_slice %arg4[%dma_start3A_622, %dma_start3A_623] : memref<100203x64xf32, #tpu.memory_space<hbm>> -> memref<100203x64xf32, #tpu.memory_space<hbm>>
    tpu.enqueue_indirect_dma source(%dma_start3A_624 : memref<100203x64xf32, #tpu.memory_space<hbm>>) target(%dma_start3A_618 : memref<400x64xf32, #tpu.memory_space<vmem>>) offsets(%dma_start3A_621 : memref<400xi32, #tpu.memory_space<vmem>>) semaphore(%arg10 : memref<!tpu.dma_semaphore, #tpu.memory_space<semaphore_mem>>)
    %dma_wait3A_625 = arith.constant 0 : i32
    %dma_wait3A_626 = arith.constant 7 : i32
    %dma_wait3A_627 = arith.constant 3 : i32
    %dma_wait3A_628 = arith.constant 0 : i32
    %dma_wait3A_629 = arith.constant 0 : i32
    %dma_wait3A_630 = tpu.memref_slice %arg8[%dma_wait3A_627, %dma_wait3A_628, %dma_wait3A_629] : memref<4x400x64xf32, #tpu.memory_space<vmem>> -> memref<1x400x64xf32, #tpu.memory_space<vmem>>
    %dma_wait3A_631 = tpu.memref_squeeze %dma_wait3A_630 : memref<1x400x64xf32, #tpu.memory_space<vmem>> -> memref<400x64xf32, #tpu.memory_space<vmem>>
    %dma_wait3A_632 = arith.constant 0 : i32
    %dma_wait3A_633 = tpu.memref_slice %arg6[%dma_wait3A_625, %dma_wait3A_626, %dma_wait3A_632] : memref<1x16x400xi32, #tpu.memory_space<vmem>> -> memref<1x1x400xi32, #tpu.memory_space<vmem>>
    %dma_wait3A_634 = tpu.memref_squeeze %dma_wait3A_633 : memref<1x1x400xi32, #tpu.memory_space<vmem>> -> memref<400xi32, #tpu.memory_space<vmem>>
    %dma_wait3A_635 = arith.constant 0 : i32
    %dma_wait3A_636 = arith.constant 0 : i32
    %dma_wait3A_637 = tpu.memref_slice %arg4[%dma_wait3A_635, %dma_wait3A_636] : memref<100203x64xf32, #tpu.memory_space<hbm>> -> memref<100203x64xf32, #tpu.memory_space<hbm>>
    tpu.wait_indirect_dma semaphore(%arg12 : memref<!tpu.dma_semaphore, #tpu.memory_space<semaphore_mem>>) src(%dma_wait3A_637 : memref<100203x64xf32, #tpu.memory_space<hbm>>) dst(%dma_wait3A_631 : memref<400x64xf32, #tpu.memory_space<vmem>>)
    %dma_start3A_638 = arith.constant 0 : i32
    %dma_start3A_639 = arith.constant 7 : i32
    %dma_start3A_640 = arith.constant 3 : i32
    %dma_start3A_641 = arith.constant 0 : i32
    %dma_start3A_642 = arith.constant 0 : i32
    %dma_start3A_643 = tpu.memref_slice %arg8[%dma_start3A_640, %dma_start3A_641, %dma_start3A_642] : memref<4x400x64xf32, #tpu.memory_space<vmem>> -> memref<1x400x64xf32, #tpu.memory_space<vmem>>
    %dma_start3A_644 = tpu.memref_squeeze %dma_start3A_643 : memref<1x400x64xf32, #tpu.memory_space<vmem>> -> memref<400x64xf32, #tpu.memory_space<vmem>>
    %dma_start3A_645 = arith.constant 0 : i32
    %dma_start3A_646 = tpu.memref_slice %arg7[%dma_start3A_638, %dma_start3A_639, %dma_start3A_645] : memref<1x16x400xi32, #tpu.memory_space<vmem>> -> memref<1x1x400xi32, #tpu.memory_space<vmem>>
    %dma_start3A_647 = tpu.memref_squeeze %dma_start3A_646 : memref<1x1x400xi32, #tpu.memory_space<vmem>> -> memref<400xi32, #tpu.memory_space<vmem>>
    %dma_start3A_648 = arith.constant 0 : i32
    %dma_start3A_649 = arith.constant 0 : i32
    %dma_start3A_650 = tpu.memref_slice %arg4[%dma_start3A_648, %dma_start3A_649] : memref<100203x64xf32, #tpu.memory_space<hbm>> -> memref<100203x64xf32, #tpu.memory_space<hbm>>
    tpu.enqueue_indirect_dma source(%dma_start3A_650 : memref<100203x64xf32, #tpu.memory_space<hbm>>) target(%dma_start3A_644 : memref<400x64xf32, #tpu.memory_space<vmem>>) offsets(%dma_start3A_647 : memref<400xi32, #tpu.memory_space<vmem>>) semaphore(%arg16 : memref<!tpu.dma_semaphore, #tpu.memory_space<semaphore_mem>>) {add = true}
    %dma_wait3A_651 = arith.constant 0 : i32
    %dma_wait3A_652 = arith.constant 7 : i32
    %dma_wait3A_653 = arith.constant 3 : i32
    %dma_wait3A_654 = arith.constant 0 : i32
    %dma_wait3A_655 = arith.constant 0 : i32
    %dma_wait3A_656 = tpu.memref_slice %arg8[%dma_wait3A_653, %dma_wait3A_654, %dma_wait3A_655] : memref<4x400x64xf32, #tpu.memory_space<vmem>> -> memref<1x400x64xf32, #tpu.memory_space<vmem>>
    %dma_wait3A_657 = tpu.memref_squeeze %dma_wait3A_656 : memref<1x400x64xf32, #tpu.memory_space<vmem>> -> memref<400x64xf32, #tpu.memory_space<vmem>>
    %dma_wait3A_658 = arith.constant 0 : i32
    %dma_wait3A_659 = tpu.memref_slice %arg7[%dma_wait3A_651, %dma_wait3A_652, %dma_wait3A_658] : memref<1x16x400xi32, #tpu.memory_space<vmem>> -> memref<1x1x400xi32, #tpu.memory_space<vmem>>
    %dma_wait3A_660 = tpu.memref_squeeze %dma_wait3A_659 : memref<1x1x400xi32, #tpu.memory_space<vmem>> -> memref<400xi32, #tpu.memory_space<vmem>>
    %dma_wait3A_661 = arith.constant 0 : i32
    %dma_wait3A_662 = arith.constant 0 : i32
    %dma_wait3A_663 = tpu.memref_slice %arg4[%dma_wait3A_661, %dma_wait3A_662] : memref<100203x64xf32, #tpu.memory_space<hbm>> -> memref<100203x64xf32, #tpu.memory_space<hbm>>
    tpu.wait_indirect_dma semaphore(%arg16 : memref<!tpu.dma_semaphore, #tpu.memory_space<semaphore_mem>>) src(%dma_wait3A_663 : memref<100203x64xf32, #tpu.memory_space<hbm>>) dst(%dma_wait3A_657 : memref<400x64xf32, #tpu.memory_space<vmem>>)
    %add3A_664 = arith.constant 7 : i32
    %add3A_665 = arith.addi %mul3A_2, %add3A_664 : i32
    %mul3A_666 = arith.constant 400 : i32
    %mul3A_667 = arith.muli %add3A_665, %mul3A_666 : i32
    %dma_start3A_668 = arith.constant 3 : i32
    %dma_start3A_669 = arith.constant 0 : i32
    %dma_start3A_670 = arith.constant 0 : i32
    %dma_start3A_671 = tpu.memref_slice %arg8[%dma_start3A_668, %dma_start3A_669, %dma_start3A_670] : memref<4x400x64xf32, #tpu.memory_space<vmem>> -> memref<1x400x64xf32, #tpu.memory_space<vmem>>
    %dma_start3A_672 = tpu.memref_squeeze %dma_start3A_671 : memref<1x400x64xf32, #tpu.memory_space<vmem>> -> memref<400x64xf32, #tpu.memory_space<vmem>>
    %dma_start3A_673 = arith.constant 0 : i32
    %dma_start3A_674 = tpu.memref_slice %arg5[%mul3A_667, %dma_start3A_673] : memref<204800x64xf32, #tpu.memory_space<hbm>> -> memref<400x64xf32, #tpu.memory_space<hbm>>
    %dma_start3A_675 = arith.constant 0 : i32
    %dma_start3A_676 = tpu.memref_slice %arg5[%mul3A_667, %dma_start3A_675] : memref<204800x64xf32, #tpu.memory_space<hbm>> -> memref<400x64xf32, #tpu.memory_space<hbm>>
    %dma_start3A_677 = arith.constant 0 : i32
    %dma_start3A_678 = arith.constant 0 : i32
    %dma_start3A_679 = tpu.memref_slice %arg8[%dma_start3A_668, %dma_start3A_677, %dma_start3A_678] : memref<4x400x64xf32, #tpu.memory_space<vmem>> -> memref<1x400x64xf32, #tpu.memory_space<vmem>>
    %dma_start3A_680 = tpu.memref_squeeze %dma_start3A_679 : memref<1x400x64xf32, #tpu.memory_space<vmem>> -> memref<400x64xf32, #tpu.memory_space<vmem>>
    tpu.enqueue_dma source(%dma_start3A_680 : memref<400x64xf32, #tpu.memory_space<vmem>>) target(%dma_start3A_676 : memref<400x64xf32, #tpu.memory_space<hbm>>) target_semaphore(%arg20 : memref<!tpu.dma_semaphore, #tpu.memory_space<semaphore_mem>>)
    %add3A_681 = arith.constant 6 : i32
    %add3A_682 = arith.addi %mul3A_2, %add3A_681 : i32
    %mul3A_683 = arith.constant 400 : i32
    %mul3A_684 = arith.muli %add3A_682, %mul3A_683 : i32
    %dma_wait3A_685 = arith.constant 2 : i32
    %dma_wait3A_686 = arith.constant 0 : i32
    %dma_wait3A_687 = arith.constant 0 : i32
    %dma_wait3A_688 = tpu.memref_slice %arg8[%dma_wait3A_685, %dma_wait3A_686, %dma_wait3A_687] : memref<4x400x64xf32, #tpu.memory_space<vmem>> -> memref<1x400x64xf32, #tpu.memory_space<vmem>>
    %dma_wait3A_689 = tpu.memref_squeeze %dma_wait3A_688 : memref<1x400x64xf32, #tpu.memory_space<vmem>> -> memref<400x64xf32, #tpu.memory_space<vmem>>
    %dma_wait3A_690 = arith.constant 0 : i32
    %dma_wait3A_691 = tpu.memref_slice %arg5[%mul3A_684, %dma_wait3A_690] : memref<204800x64xf32, #tpu.memory_space<hbm>> -> memref<400x64xf32, #tpu.memory_space<hbm>>
    %dma_wait3A_692 = arith.constant 0 : i32
    %dma_wait3A_693 = tpu.memref_slice %arg5[%mul3A_684, %dma_wait3A_692] : memref<204800x64xf32, #tpu.memory_space<hbm>> -> memref<400x64xf32, #tpu.memory_space<hbm>>
    %dma_wait3A_694 = arith.constant 0 : i32
    %dma_wait3A_695 = arith.constant 0 : i32
    %dma_wait3A_696 = tpu.memref_slice %arg8[%dma_wait3A_685, %dma_wait3A_694, %dma_wait3A_695] : memref<4x400x64xf32, #tpu.memory_space<vmem>> -> memref<1x400x64xf32, #tpu.memory_space<vmem>>
    %dma_wait3A_697 = tpu.memref_squeeze %dma_wait3A_696 : memref<1x400x64xf32, #tpu.memory_space<vmem>> -> memref<400x64xf32, #tpu.memory_space<vmem>>
    tpu.wait_dma2 semaphore(%arg19 : memref<!tpu.dma_semaphore, #tpu.memory_space<semaphore_mem>>) src(%dma_wait3A_697 : memref<400x64xf32, #tpu.memory_space<vmem>>) dst(%dma_wait3A_693 : memref<400x64xf32, #tpu.memory_space<hbm>>)
    %dma_start3A_698 = arith.constant 0 : i32
    %dma_start3A_699 = arith.constant 10 : i32
    %dma_start3A_700 = arith.constant 2 : i32
    %dma_start3A_701 = arith.constant 0 : i32
    %dma_start3A_702 = arith.constant 0 : i32
    %dma_start3A_703 = tpu.memref_slice %arg8[%dma_start3A_700, %dma_start3A_701, %dma_start3A_702] : memref<4x400x64xf32, #tpu.memory_space<vmem>> -> memref<1x400x64xf32, #tpu.memory_space<vmem>>
    %dma_start3A_704 = tpu.memref_squeeze %dma_start3A_703 : memref<1x400x64xf32, #tpu.memory_space<vmem>> -> memref<400x64xf32, #tpu.memory_space<vmem>>
    %dma_start3A_705 = arith.constant 0 : i32
    %dma_start3A_706 = tpu.memref_slice %arg6[%dma_start3A_698, %dma_start3A_699, %dma_start3A_705] : memref<1x16x400xi32, #tpu.memory_space<vmem>> -> memref<1x1x400xi32, #tpu.memory_space<vmem>>
    %dma_start3A_707 = tpu.memref_squeeze %dma_start3A_706 : memref<1x1x400xi32, #tpu.memory_space<vmem>> -> memref<400xi32, #tpu.memory_space<vmem>>
    %dma_start3A_708 = arith.constant 0 : i32
    %dma_start3A_709 = arith.constant 0 : i32
    %dma_start3A_710 = tpu.memref_slice %arg4[%dma_start3A_708, %dma_start3A_709] : memref<100203x64xf32, #tpu.memory_space<hbm>> -> memref<100203x64xf32, #tpu.memory_space<hbm>>
    tpu.enqueue_indirect_dma source(%dma_start3A_710 : memref<100203x64xf32, #tpu.memory_space<hbm>>) target(%dma_start3A_704 : memref<400x64xf32, #tpu.memory_space<vmem>>) offsets(%dma_start3A_707 : memref<400xi32, #tpu.memory_space<vmem>>) semaphore(%arg11 : memref<!tpu.dma_semaphore, #tpu.memory_space<semaphore_mem>>)
    %dma_wait3A_711 = arith.constant 0 : i32
    %dma_wait3A_712 = arith.constant 8 : i32
    %dma_wait3A_713 = arith.constant 0 : i32
    %dma_wait3A_714 = arith.constant 0 : i32
    %dma_wait3A_715 = arith.constant 0 : i32
    %dma_wait3A_716 = tpu.memref_slice %arg8[%dma_wait3A_713, %dma_wait3A_714, %dma_wait3A_715] : memref<4x400x64xf32, #tpu.memory_space<vmem>> -> memref<1x400x64xf32, #tpu.memory_space<vmem>>
    %dma_wait3A_717 = tpu.memref_squeeze %dma_wait3A_716 : memref<1x400x64xf32, #tpu.memory_space<vmem>> -> memref<400x64xf32, #tpu.memory_space<vmem>>
    %dma_wait3A_718 = arith.constant 0 : i32
    %dma_wait3A_719 = tpu.memref_slice %arg6[%dma_wait3A_711, %dma_wait3A_712, %dma_wait3A_718] : memref<1x16x400xi32, #tpu.memory_space<vmem>> -> memref<1x1x400xi32, #tpu.memory_space<vmem>>
    %dma_wait3A_720 = tpu.memref_squeeze %dma_wait3A_719 : memref<1x1x400xi32, #tpu.memory_space<vmem>> -> memref<400xi32, #tpu.memory_space<vmem>>
    %dma_wait3A_721 = arith.constant 0 : i32
    %dma_wait3A_722 = arith.constant 0 : i32
    %dma_wait3A_723 = tpu.memref_slice %arg4[%dma_wait3A_721, %dma_wait3A_722] : memref<100203x64xf32, #tpu.memory_space<hbm>> -> memref<100203x64xf32, #tpu.memory_space<hbm>>
    tpu.wait_indirect_dma semaphore(%arg9 : memref<!tpu.dma_semaphore, #tpu.memory_space<semaphore_mem>>) src(%dma_wait3A_723 : memref<100203x64xf32, #tpu.memory_space<hbm>>) dst(%dma_wait3A_717 : memref<400x64xf32, #tpu.memory_space<vmem>>)
    %dma_start3A_724 = arith.constant 0 : i32
    %dma_start3A_725 = arith.constant 8 : i32
    %dma_start3A_726 = arith.constant 0 : i32
    %dma_start3A_727 = arith.constant 0 : i32
    %dma_start3A_728 = arith.constant 0 : i32
    %dma_start3A_729 = tpu.memref_slice %arg8[%dma_start3A_726, %dma_start3A_727, %dma_start3A_728] : memref<4x400x64xf32, #tpu.memory_space<vmem>> -> memref<1x400x64xf32, #tpu.memory_space<vmem>>
    %dma_start3A_730 = tpu.memref_squeeze %dma_start3A_729 : memref<1x400x64xf32, #tpu.memory_space<vmem>> -> memref<400x64xf32, #tpu.memory_space<vmem>>
    %dma_start3A_731 = arith.constant 0 : i32
    %dma_start3A_732 = tpu.memref_slice %arg7[%dma_start3A_724, %dma_start3A_725, %dma_start3A_731] : memref<1x16x400xi32, #tpu.memory_space<vmem>> -> memref<1x1x400xi32, #tpu.memory_space<vmem>>
    %dma_start3A_733 = tpu.memref_squeeze %dma_start3A_732 : memref<1x1x400xi32, #tpu.memory_space<vmem>> -> memref<400xi32, #tpu.memory_space<vmem>>
    %dma_start3A_734 = arith.constant 0 : i32
    %dma_start3A_735 = arith.constant 0 : i32
    %dma_start3A_736 = tpu.memref_slice %arg4[%dma_start3A_734, %dma_start3A_735] : memref<100203x64xf32, #tpu.memory_space<hbm>> -> memref<100203x64xf32, #tpu.memory_space<hbm>>
    tpu.enqueue_indirect_dma source(%dma_start3A_736 : memref<100203x64xf32, #tpu.memory_space<hbm>>) target(%dma_start3A_730 : memref<400x64xf32, #tpu.memory_space<vmem>>) offsets(%dma_start3A_733 : memref<400xi32, #tpu.memory_space<vmem>>) semaphore(%arg13 : memref<!tpu.dma_semaphore, #tpu.memory_space<semaphore_mem>>) {add = true}
    %dma_wait3A_737 = arith.constant 0 : i32
    %dma_wait3A_738 = arith.constant 8 : i32
    %dma_wait3A_739 = arith.constant 0 : i32
    %dma_wait3A_740 = arith.constant 0 : i32
    %dma_wait3A_741 = arith.constant 0 : i32
    %dma_wait3A_742 = tpu.memref_slice %arg8[%dma_wait3A_739, %dma_wait3A_740, %dma_wait3A_741] : memref<4x400x64xf32, #tpu.memory_space<vmem>> -> memref<1x400x64xf32, #tpu.memory_space<vmem>>
    %dma_wait3A_743 = tpu.memref_squeeze %dma_wait3A_742 : memref<1x400x64xf32, #tpu.memory_space<vmem>> -> memref<400x64xf32, #tpu.memory_space<vmem>>
    %dma_wait3A_744 = arith.constant 0 : i32
    %dma_wait3A_745 = tpu.memref_slice %arg7[%dma_wait3A_737, %dma_wait3A_738, %dma_wait3A_744] : memref<1x16x400xi32, #tpu.memory_space<vmem>> -> memref<1x1x400xi32, #tpu.memory_space<vmem>>
    %dma_wait3A_746 = tpu.memref_squeeze %dma_wait3A_745 : memref<1x1x400xi32, #tpu.memory_space<vmem>> -> memref<400xi32, #tpu.memory_space<vmem>>
    %dma_wait3A_747 = arith.constant 0 : i32
    %dma_wait3A_748 = arith.constant 0 : i32
    %dma_wait3A_749 = tpu.memref_slice %arg4[%dma_wait3A_747, %dma_wait3A_748] : memref<100203x64xf32, #tpu.memory_space<hbm>> -> memref<100203x64xf32, #tpu.memory_space<hbm>>
    tpu.wait_indirect_dma semaphore(%arg13 : memref<!tpu.dma_semaphore, #tpu.memory_space<semaphore_mem>>) src(%dma_wait3A_749 : memref<100203x64xf32, #tpu.memory_space<hbm>>) dst(%dma_wait3A_743 : memref<400x64xf32, #tpu.memory_space<vmem>>)
    %add3A_750 = arith.constant 8 : i32
    %add3A_751 = arith.addi %mul3A_2, %add3A_750 : i32
    %mul3A_752 = arith.constant 400 : i32
    %mul3A_753 = arith.muli %add3A_751, %mul3A_752 : i32
    %dma_start3A_754 = arith.constant 0 : i32
    %dma_start3A_755 = arith.constant 0 : i32
    %dma_start3A_756 = arith.constant 0 : i32
    %dma_start3A_757 = tpu.memref_slice %arg8[%dma_start3A_754, %dma_start3A_755, %dma_start3A_756] : memref<4x400x64xf32, #tpu.memory_space<vmem>> -> memref<1x400x64xf32, #tpu.memory_space<vmem>>
    %dma_start3A_758 = tpu.memref_squeeze %dma_start3A_757 : memref<1x400x64xf32, #tpu.memory_space<vmem>> -> memref<400x64xf32, #tpu.memory_space<vmem>>
    %dma_start3A_759 = arith.constant 0 : i32
    %dma_start3A_760 = tpu.memref_slice %arg5[%mul3A_753, %dma_start3A_759] : memref<204800x64xf32, #tpu.memory_space<hbm>> -> memref<400x64xf32, #tpu.memory_space<hbm>>
    %dma_start3A_761 = arith.constant 0 : i32
    %dma_start3A_762 = tpu.memref_slice %arg5[%mul3A_753, %dma_start3A_761] : memref<204800x64xf32, #tpu.memory_space<hbm>> -> memref<400x64xf32, #tpu.memory_space<hbm>>
    %dma_start3A_763 = arith.constant 0 : i32
    %dma_start3A_764 = arith.constant 0 : i32
    %dma_start3A_765 = tpu.memref_slice %arg8[%dma_start3A_754, %dma_start3A_763, %dma_start3A_764] : memref<4x400x64xf32, #tpu.memory_space<vmem>> -> memref<1x400x64xf32, #tpu.memory_space<vmem>>
    %dma_start3A_766 = tpu.memref_squeeze %dma_start3A_765 : memref<1x400x64xf32, #tpu.memory_space<vmem>> -> memref<400x64xf32, #tpu.memory_space<vmem>>
    tpu.enqueue_dma source(%dma_start3A_766 : memref<400x64xf32, #tpu.memory_space<vmem>>) target(%dma_start3A_762 : memref<400x64xf32, #tpu.memory_space<hbm>>) target_semaphore(%arg17 : memref<!tpu.dma_semaphore, #tpu.memory_space<semaphore_mem>>)
    %add3A_767 = arith.constant 7 : i32
    %add3A_768 = arith.addi %mul3A_2, %add3A_767 : i32
    %mul3A_769 = arith.constant 400 : i32
    %mul3A_770 = arith.muli %add3A_768, %mul3A_769 : i32
    %dma_wait3A_771 = arith.constant 3 : i32
    %dma_wait3A_772 = arith.constant 0 : i32
    %dma_wait3A_773 = arith.constant 0 : i32
    %dma_wait3A_774 = tpu.memref_slice %arg8[%dma_wait3A_771, %dma_wait3A_772, %dma_wait3A_773] : memref<4x400x64xf32, #tpu.memory_space<vmem>> -> memref<1x400x64xf32, #tpu.memory_space<vmem>>
    %dma_wait3A_775 = tpu.memref_squeeze %dma_wait3A_774 : memref<1x400x64xf32, #tpu.memory_space<vmem>> -> memref<400x64xf32, #tpu.memory_space<vmem>>
    %dma_wait3A_776 = arith.constant 0 : i32
    %dma_wait3A_777 = tpu.memref_slice %arg5[%mul3A_770, %dma_wait3A_776] : memref<204800x64xf32, #tpu.memory_space<hbm>> -> memref<400x64xf32, #tpu.memory_space<hbm>>
    %dma_wait3A_778 = arith.constant 0 : i32
    %dma_wait3A_779 = tpu.memref_slice %arg5[%mul3A_770, %dma_wait3A_778] : memref<204800x64xf32, #tpu.memory_space<hbm>> -> memref<400x64xf32, #tpu.memory_space<hbm>>
    %dma_wait3A_780 = arith.constant 0 : i32
    %dma_wait3A_781 = arith.constant 0 : i32
    %dma_wait3A_782 = tpu.memref_slice %arg8[%dma_wait3A_771, %dma_wait3A_780, %dma_wait3A_781] : memref<4x400x64xf32, #tpu.memory_space<vmem>> -> memref<1x400x64xf32, #tpu.memory_space<vmem>>
    %dma_wait3A_783 = tpu.memref_squeeze %dma_wait3A_782 : memref<1x400x64xf32, #tpu.memory_space<vmem>> -> memref<400x64xf32, #tpu.memory_space<vmem>>
    tpu.wait_dma2 semaphore(%arg20 : memref<!tpu.dma_semaphore, #tpu.memory_space<semaphore_mem>>) src(%dma_wait3A_783 : memref<400x64xf32, #tpu.memory_space<vmem>>) dst(%dma_wait3A_779 : memref<400x64xf32, #tpu.memory_space<hbm>>)
    %dma_start3A_784 = arith.constant 0 : i32
    %dma_start3A_785 = arith.constant 11 : i32
    %dma_start3A_786 = arith.constant 3 : i32
    %dma_start3A_787 = arith.constant 0 : i32
    %dma_start3A_788 = arith.constant 0 : i32
    %dma_start3A_789 = tpu.memref_slice %arg8[%dma_start3A_786, %dma_start3A_787, %dma_start3A_788] : memref<4x400x64xf32, #tpu.memory_space<vmem>> -> memref<1x400x64xf32, #tpu.memory_space<vmem>>
    %dma_start3A_790 = tpu.memref_squeeze %dma_start3A_789 : memref<1x400x64xf32, #tpu.memory_space<vmem>> -> memref<400x64xf32, #tpu.memory_space<vmem>>
    %dma_start3A_791 = arith.constant 0 : i32
    %dma_start3A_792 = tpu.memref_slice %arg6[%dma_start3A_784, %dma_start3A_785, %dma_start3A_791] : memref<1x16x400xi32, #tpu.memory_space<vmem>> -> memref<1x1x400xi32, #tpu.memory_space<vmem>>
    %dma_start3A_793 = tpu.memref_squeeze %dma_start3A_792 : memref<1x1x400xi32, #tpu.memory_space<vmem>> -> memref<400xi32, #tpu.memory_space<vmem>>
    %dma_start3A_794 = arith.constant 0 : i32
    %dma_start3A_795 = arith.constant 0 : i32
    %dma_start3A_796 = tpu.memref_slice %arg4[%dma_start3A_794, %dma_start3A_795] : memref<100203x64xf32, #tpu.memory_space<hbm>> -> memref<100203x64xf32, #tpu.memory_space<hbm>>
    tpu.enqueue_indirect_dma source(%dma_start3A_796 : memref<100203x64xf32, #tpu.memory_space<hbm>>) target(%dma_start3A_790 : memref<400x64xf32, #tpu.memory_space<vmem>>) offsets(%dma_start3A_793 : memref<400xi32, #tpu.memory_space<vmem>>) semaphore(%arg12 : memref<!tpu.dma_semaphore, #tpu.memory_space<semaphore_mem>>)
    %dma_wait3A_797 = arith.constant 0 : i32
    %dma_wait3A_798 = arith.constant 9 : i32
    %dma_wait3A_799 = arith.constant 1 : i32
    %dma_wait3A_800 = arith.constant 0 : i32
    %dma_wait3A_801 = arith.constant 0 : i32
    %dma_wait3A_802 = tpu.memref_slice %arg8[%dma_wait3A_799, %dma_wait3A_800, %dma_wait3A_801] : memref<4x400x64xf32, #tpu.memory_space<vmem>> -> memref<1x400x64xf32, #tpu.memory_space<vmem>>
    %dma_wait3A_803 = tpu.memref_squeeze %dma_wait3A_802 : memref<1x400x64xf32, #tpu.memory_space<vmem>> -> memref<400x64xf32, #tpu.memory_space<vmem>>
    %dma_wait3A_804 = arith.constant 0 : i32
    %dma_wait3A_805 = tpu.memref_slice %arg6[%dma_wait3A_797, %dma_wait3A_798, %dma_wait3A_804] : memref<1x16x400xi32, #tpu.memory_space<vmem>> -> memref<1x1x400xi32, #tpu.memory_space<vmem>>
    %dma_wait3A_806 = tpu.memref_squeeze %dma_wait3A_805 : memref<1x1x400xi32, #tpu.memory_space<vmem>> -> memref<400xi32, #tpu.memory_space<vmem>>
    %dma_wait3A_807 = arith.constant 0 : i32
    %dma_wait3A_808 = arith.constant 0 : i32
    %dma_wait3A_809 = tpu.memref_slice %arg4[%dma_wait3A_807, %dma_wait3A_808] : memref<100203x64xf32, #tpu.memory_space<hbm>> -> memref<100203x64xf32, #tpu.memory_space<hbm>>
    tpu.wait_indirect_dma semaphore(%arg10 : memref<!tpu.dma_semaphore, #tpu.memory_space<semaphore_mem>>) src(%dma_wait3A_809 : memref<100203x64xf32, #tpu.memory_space<hbm>>) dst(%dma_wait3A_803 : memref<400x64xf32, #tpu.memory_space<vmem>>)
    %dma_start3A_810 = arith.constant 0 : i32
    %dma_start3A_811 = arith.constant 9 : i32
    %dma_start3A_812 = arith.constant 1 : i32
    %dma_start3A_813 = arith.constant 0 : i32
    %dma_start3A_814 = arith.constant 0 : i32
    %dma_start3A_815 = tpu.memref_slice %arg8[%dma_start3A_812, %dma_start3A_813, %dma_start3A_814] : memref<4x400x64xf32, #tpu.memory_space<vmem>> -> memref<1x400x64xf32, #tpu.memory_space<vmem>>
    %dma_start3A_816 = tpu.memref_squeeze %dma_start3A_815 : memref<1x400x64xf32, #tpu.memory_space<vmem>> -> memref<400x64xf32, #tpu.memory_space<vmem>>
    %dma_start3A_817 = arith.constant 0 : i32
    %dma_start3A_818 = tpu.memref_slice %arg7[%dma_start3A_810, %dma_start3A_811, %dma_start3A_817] : memref<1x16x400xi32, #tpu.memory_space<vmem>> -> memref<1x1x400xi32, #tpu.memory_space<vmem>>
    %dma_start3A_819 = tpu.memref_squeeze %dma_start3A_818 : memref<1x1x400xi32, #tpu.memory_space<vmem>> -> memref<400xi32, #tpu.memory_space<vmem>>
    %dma_start3A_820 = arith.constant 0 : i32
    %dma_start3A_821 = arith.constant 0 : i32
    %dma_start3A_822 = tpu.memref_slice %arg4[%dma_start3A_820, %dma_start3A_821] : memref<100203x64xf32, #tpu.memory_space<hbm>> -> memref<100203x64xf32, #tpu.memory_space<hbm>>
    tpu.enqueue_indirect_dma source(%dma_start3A_822 : memref<100203x64xf32, #tpu.memory_space<hbm>>) target(%dma_start3A_816 : memref<400x64xf32, #tpu.memory_space<vmem>>) offsets(%dma_start3A_819 : memref<400xi32, #tpu.memory_space<vmem>>) semaphore(%arg14 : memref<!tpu.dma_semaphore, #tpu.memory_space<semaphore_mem>>) {add = true}
    %dma_wait3A_823 = arith.constant 0 : i32
    %dma_wait3A_824 = arith.constant 9 : i32
    %dma_wait3A_825 = arith.constant 1 : i32
    %dma_wait3A_826 = arith.constant 0 : i32
    %dma_wait3A_827 = arith.constant 0 : i32
    %dma_wait3A_828 = tpu.memref_slice %arg8[%dma_wait3A_825, %dma_wait3A_826, %dma_wait3A_827] : memref<4x400x64xf32, #tpu.memory_space<vmem>> -> memref<1x400x64xf32, #tpu.memory_space<vmem>>
    %dma_wait3A_829 = tpu.memref_squeeze %dma_wait3A_828 : memref<1x400x64xf32, #tpu.memory_space<vmem>> -> memref<400x64xf32, #tpu.memory_space<vmem>>
    %dma_wait3A_830 = arith.constant 0 : i32
    %dma_wait3A_831 = tpu.memref_slice %arg7[%dma_wait3A_823, %dma_wait3A_824, %dma_wait3A_830] : memref<1x16x400xi32, #tpu.memory_space<vmem>> -> memref<1x1x400xi32, #tpu.memory_space<vmem>>
    %dma_wait3A_832 = tpu.memref_squeeze %dma_wait3A_831 : memref<1x1x400xi32, #tpu.memory_space<vmem>> -> memref<400xi32, #tpu.memory_space<vmem>>
    %dma_wait3A_833 = arith.constant 0 : i32
    %dma_wait3A_834 = arith.constant 0 : i32
    %dma_wait3A_835 = tpu.memref_slice %arg4[%dma_wait3A_833, %dma_wait3A_834] : memref<100203x64xf32, #tpu.memory_space<hbm>> -> memref<100203x64xf32, #tpu.memory_space<hbm>>
    tpu.wait_indirect_dma semaphore(%arg14 : memref<!tpu.dma_semaphore, #tpu.memory_space<semaphore_mem>>) src(%dma_wait3A_835 : memref<100203x64xf32, #tpu.memory_space<hbm>>) dst(%dma_wait3A_829 : memref<400x64xf32, #tpu.memory_space<vmem>>)
    %add3A_836 = arith.constant 9 : i32
    %add3A_837 = arith.addi %mul3A_2, %add3A_836 : i32
    %mul3A_838 = arith.constant 400 : i32
    %mul3A_839 = arith.muli %add3A_837, %mul3A_838 : i32
    %dma_start3A_840 = arith.constant 1 : i32
    %dma_start3A_841 = arith.constant 0 : i32
    %dma_start3A_842 = arith.constant 0 : i32
    %dma_start3A_843 = tpu.memref_slice %arg8[%dma_start3A_840, %dma_start3A_841, %dma_start3A_842] : memref<4x400x64xf32, #tpu.memory_space<vmem>> -> memref<1x400x64xf32, #tpu.memory_space<vmem>>
    %dma_start3A_844 = tpu.memref_squeeze %dma_start3A_843 : memref<1x400x64xf32, #tpu.memory_space<vmem>> -> memref<400x64xf32, #tpu.memory_space<vmem>>
    %dma_start3A_845 = arith.constant 0 : i32
    %dma_start3A_846 = tpu.memref_slice %arg5[%mul3A_839, %dma_start3A_845] : memref<204800x64xf32, #tpu.memory_space<hbm>> -> memref<400x64xf32, #tpu.memory_space<hbm>>
    %dma_start3A_847 = arith.constant 0 : i32
    %dma_start3A_848 = tpu.memref_slice %arg5[%mul3A_839, %dma_start3A_847] : memref<204800x64xf32, #tpu.memory_space<hbm>> -> memref<400x64xf32, #tpu.memory_space<hbm>>
    %dma_start3A_849 = arith.constant 0 : i32
    %dma_start3A_850 = arith.constant 0 : i32
    %dma_start3A_851 = tpu.memref_slice %arg8[%dma_start3A_840, %dma_start3A_849, %dma_start3A_850] : memref<4x400x64xf32, #tpu.memory_space<vmem>> -> memref<1x400x64xf32, #tpu.memory_space<vmem>>
    %dma_start3A_852 = tpu.memref_squeeze %dma_start3A_851 : memref<1x400x64xf32, #tpu.memory_space<vmem>> -> memref<400x64xf32, #tpu.memory_space<vmem>>
    tpu.enqueue_dma source(%dma_start3A_852 : memref<400x64xf32, #tpu.memory_space<vmem>>) target(%dma_start3A_848 : memref<400x64xf32, #tpu.memory_space<hbm>>) target_semaphore(%arg18 : memref<!tpu.dma_semaphore, #tpu.memory_space<semaphore_mem>>)
    %add3A_853 = arith.constant 8 : i32
    %add3A_854 = arith.addi %mul3A_2, %add3A_853 : i32
    %mul3A_855 = arith.constant 400 : i32
    %mul3A_856 = arith.muli %add3A_854, %mul3A_855 : i32
    %dma_wait3A_857 = arith.constant 0 : i32
    %dma_wait3A_858 = arith.constant 0 : i32
    %dma_wait3A_859 = arith.constant 0 : i32
    %dma_wait3A_860 = tpu.memref_slice %arg8[%dma_wait3A_857, %dma_wait3A_858, %dma_wait3A_859] : memref<4x400x64xf32, #tpu.memory_space<vmem>> -> memref<1x400x64xf32, #tpu.memory_space<vmem>>
    %dma_wait3A_861 = tpu.memref_squeeze %dma_wait3A_860 : memref<1x400x64xf32, #tpu.memory_space<vmem>> -> memref<400x64xf32, #tpu.memory_space<vmem>>
    %dma_wait3A_862 = arith.constant 0 : i32
    %dma_wait3A_863 = tpu.memref_slice %arg5[%mul3A_856, %dma_wait3A_862] : memref<204800x64xf32, #tpu.memory_space<hbm>> -> memref<400x64xf32, #tpu.memory_space<hbm>>
    %dma_wait3A_864 = arith.constant 0 : i32
    %dma_wait3A_865 = tpu.memref_slice %arg5[%mul3A_856, %dma_wait3A_864] : memref<204800x64xf32, #tpu.memory_space<hbm>> -> memref<400x64xf32, #tpu.memory_space<hbm>>
    %dma_wait3A_866 = arith.constant 0 : i32
    %dma_wait3A_867 = arith.constant 0 : i32
    %dma_wait3A_868 = tpu.memref_slice %arg8[%dma_wait3A_857, %dma_wait3A_866, %dma_wait3A_867] : memref<4x400x64xf32, #tpu.memory_space<vmem>> -> memref<1x400x64xf32, #tpu.memory_space<vmem>>
    %dma_wait3A_869 = tpu.memref_squeeze %dma_wait3A_868 : memref<1x400x64xf32, #tpu.memory_space<vmem>> -> memref<400x64xf32, #tpu.memory_space<vmem>>
    tpu.wait_dma2 semaphore(%arg17 : memref<!tpu.dma_semaphore, #tpu.memory_space<semaphore_mem>>) src(%dma_wait3A_869 : memref<400x64xf32, #tpu.memory_space<vmem>>) dst(%dma_wait3A_865 : memref<400x64xf32, #tpu.memory_space<hbm>>)
    %dma_start3A_870 = arith.constant 0 : i32
    %dma_start3A_871 = arith.constant 12 : i32
    %dma_start3A_872 = arith.constant 0 : i32
    %dma_start3A_873 = arith.constant 0 : i32
    %dma_start3A_874 = arith.constant 0 : i32
    %dma_start3A_875 = tpu.memref_slice %arg8[%dma_start3A_872, %dma_start3A_873, %dma_start3A_874] : memref<4x400x64xf32, #tpu.memory_space<vmem>> -> memref<1x400x64xf32, #tpu.memory_space<vmem>>
    %dma_start3A_876 = tpu.memref_squeeze %dma_start3A_875 : memref<1x400x64xf32, #tpu.memory_space<vmem>> -> memref<400x64xf32, #tpu.memory_space<vmem>>
    %dma_start3A_877 = arith.constant 0 : i32
    %dma_start3A_878 = tpu.memref_slice %arg6[%dma_start3A_870, %dma_start3A_871, %dma_start3A_877] : memref<1x16x400xi32, #tpu.memory_space<vmem>> -> memref<1x1x400xi32, #tpu.memory_space<vmem>>
    %dma_start3A_879 = tpu.memref_squeeze %dma_start3A_878 : memref<1x1x400xi32, #tpu.memory_space<vmem>> -> memref<400xi32, #tpu.memory_space<vmem>>
    %dma_start3A_880 = arith.constant 0 : i32
    %dma_start3A_881 = arith.constant 0 : i32
    %dma_start3A_882 = tpu.memref_slice %arg4[%dma_start3A_880, %dma_start3A_881] : memref<100203x64xf32, #tpu.memory_space<hbm>> -> memref<100203x64xf32, #tpu.memory_space<hbm>>
    tpu.enqueue_indirect_dma source(%dma_start3A_882 : memref<100203x64xf32, #tpu.memory_space<hbm>>) target(%dma_start3A_876 : memref<400x64xf32, #tpu.memory_space<vmem>>) offsets(%dma_start3A_879 : memref<400xi32, #tpu.memory_space<vmem>>) semaphore(%arg9 : memref<!tpu.dma_semaphore, #tpu.memory_space<semaphore_mem>>)
    %dma_wait3A_883 = arith.constant 0 : i32
    %dma_wait3A_884 = arith.constant 10 : i32
    %dma_wait3A_885 = arith.constant 2 : i32
    %dma_wait3A_886 = arith.constant 0 : i32
    %dma_wait3A_887 = arith.constant 0 : i32
    %dma_wait3A_888 = tpu.memref_slice %arg8[%dma_wait3A_885, %dma_wait3A_886, %dma_wait3A_887] : memref<4x400x64xf32, #tpu.memory_space<vmem>> -> memref<1x400x64xf32, #tpu.memory_space<vmem>>
    %dma_wait3A_889 = tpu.memref_squeeze %dma_wait3A_888 : memref<1x400x64xf32, #tpu.memory_space<vmem>> -> memref<400x64xf32, #tpu.memory_space<vmem>>
    %dma_wait3A_890 = arith.constant 0 : i32
    %dma_wait3A_891 = tpu.memref_slice %arg6[%dma_wait3A_883, %dma_wait3A_884, %dma_wait3A_890] : memref<1x16x400xi32, #tpu.memory_space<vmem>> -> memref<1x1x400xi32, #tpu.memory_space<vmem>>
    %dma_wait3A_892 = tpu.memref_squeeze %dma_wait3A_891 : memref<1x1x400xi32, #tpu.memory_space<vmem>> -> memref<400xi32, #tpu.memory_space<vmem>>
    %dma_wait3A_893 = arith.constant 0 : i32
    %dma_wait3A_894 = arith.constant 0 : i32
    %dma_wait3A_895 = tpu.memref_slice %arg4[%dma_wait3A_893, %dma_wait3A_894] : memref<100203x64xf32, #tpu.memory_space<hbm>> -> memref<100203x64xf32, #tpu.memory_space<hbm>>
    tpu.wait_indirect_dma semaphore(%arg11 : memref<!tpu.dma_semaphore, #tpu.memory_space<semaphore_mem>>) src(%dma_wait3A_895 : memref<100203x64xf32, #tpu.memory_space<hbm>>) dst(%dma_wait3A_889 : memref<400x64xf32, #tpu.memory_space<vmem>>)
    %dma_start3A_896 = arith.constant 0 : i32
    %dma_start3A_897 = arith.constant 10 : i32
    %dma_start3A_898 = arith.constant 2 : i32
    %dma_start3A_899 = arith.constant 0 : i32
    %dma_start3A_900 = arith.constant 0 : i32
    %dma_start3A_901 = tpu.memref_slice %arg8[%dma_start3A_898, %dma_start3A_899, %dma_start3A_900] : memref<4x400x64xf32, #tpu.memory_space<vmem>> -> memref<1x400x64xf32, #tpu.memory_space<vmem>>
    %dma_start3A_902 = tpu.memref_squeeze %dma_start3A_901 : memref<1x400x64xf32, #tpu.memory_space<vmem>> -> memref<400x64xf32, #tpu.memory_space<vmem>>
    %dma_start3A_903 = arith.constant 0 : i32
    %dma_start3A_904 = tpu.memref_slice %arg7[%dma_start3A_896, %dma_start3A_897, %dma_start3A_903] : memref<1x16x400xi32, #tpu.memory_space<vmem>> -> memref<1x1x400xi32, #tpu.memory_space<vmem>>
    %dma_start3A_905 = tpu.memref_squeeze %dma_start3A_904 : memref<1x1x400xi32, #tpu.memory_space<vmem>> -> memref<400xi32, #tpu.memory_space<vmem>>
    %dma_start3A_906 = arith.constant 0 : i32
    %dma_start3A_907 = arith.constant 0 : i32
    %dma_start3A_908 = tpu.memref_slice %arg4[%dma_start3A_906, %dma_start3A_907] : memref<100203x64xf32, #tpu.memory_space<hbm>> -> memref<100203x64xf32, #tpu.memory_space<hbm>>
    tpu.enqueue_indirect_dma source(%dma_start3A_908 : memref<100203x64xf32, #tpu.memory_space<hbm>>) target(%dma_start3A_902 : memref<400x64xf32, #tpu.memory_space<vmem>>) offsets(%dma_start3A_905 : memref<400xi32, #tpu.memory_space<vmem>>) semaphore(%arg15 : memref<!tpu.dma_semaphore, #tpu.memory_space<semaphore_mem>>) {add = true}
    %dma_wait3A_909 = arith.constant 0 : i32
    %dma_wait3A_910 = arith.constant 10 : i32
    %dma_wait3A_911 = arith.constant 2 : i32
    %dma_wait3A_912 = arith.constant 0 : i32
    %dma_wait3A_913 = arith.constant 0 : i32
    %dma_wait3A_914 = tpu.memref_slice %arg8[%dma_wait3A_911, %dma_wait3A_912, %dma_wait3A_913] : memref<4x400x64xf32, #tpu.memory_space<vmem>> -> memref<1x400x64xf32, #tpu.memory_space<vmem>>
    %dma_wait3A_915 = tpu.memref_squeeze %dma_wait3A_914 : memref<1x400x64xf32, #tpu.memory_space<vmem>> -> memref<400x64xf32, #tpu.memory_space<vmem>>
    %dma_wait3A_916 = arith.constant 0 : i32
    %dma_wait3A_917 = tpu.memref_slice %arg7[%dma_wait3A_909, %dma_wait3A_910, %dma_wait3A_916] : memref<1x16x400xi32, #tpu.memory_space<vmem>> -> memref<1x1x400xi32, #tpu.memory_space<vmem>>
    %dma_wait3A_918 = tpu.memref_squeeze %dma_wait3A_917 : memref<1x1x400xi32, #tpu.memory_space<vmem>> -> memref<400xi32, #tpu.memory_space<vmem>>
    %dma_wait3A_919 = arith.constant 0 : i32
    %dma_wait3A_920 = arith.constant 0 : i32
    %dma_wait3A_921 = tpu.memref_slice %arg4[%dma_wait3A_919, %dma_wait3A_920] : memref<100203x64xf32, #tpu.memory_space<hbm>> -> memref<100203x64xf32, #tpu.memory_space<hbm>>
    tpu.wait_indirect_dma semaphore(%arg15 : memref<!tpu.dma_semaphore, #tpu.memory_space<semaphore_mem>>) src(%dma_wait3A_921 : memref<100203x64xf32, #tpu.memory_space<hbm>>) dst(%dma_wait3A_915 : memref<400x64xf32, #tpu.memory_space<vmem>>)
    %add3A_922 = arith.constant 10 : i32
    %add3A_923 = arith.addi %mul3A_2, %add3A_922 : i32
    %mul3A_924 = arith.constant 400 : i32
    %mul3A_925 = arith.muli %add3A_923, %mul3A_924 : i32
    %dma_start3A_926 = arith.constant 2 : i32
    %dma_start3A_927 = arith.constant 0 : i32
    %dma_start3A_928 = arith.constant 0 : i32
    %dma_start3A_929 = tpu.memref_slice %arg8[%dma_start3A_926, %dma_start3A_927, %dma_start3A_928] : memref<4x400x64xf32, #tpu.memory_space<vmem>> -> memref<1x400x64xf32, #tpu.memory_space<vmem>>
    %dma_start3A_930 = tpu.memref_squeeze %dma_start3A_929 : memref<1x400x64xf32, #tpu.memory_space<vmem>> -> memref<400x64xf32, #tpu.memory_space<vmem>>
    %dma_start3A_931 = arith.constant 0 : i32
    %dma_start3A_932 = tpu.memref_slice %arg5[%mul3A_925, %dma_start3A_931] : memref<204800x64xf32, #tpu.memory_space<hbm>> -> memref<400x64xf32, #tpu.memory_space<hbm>>
    %dma_start3A_933 = arith.constant 0 : i32
    %dma_start3A_934 = tpu.memref_slice %arg5[%mul3A_925, %dma_start3A_933] : memref<204800x64xf32, #tpu.memory_space<hbm>> -> memref<400x64xf32, #tpu.memory_space<hbm>>
    %dma_start3A_935 = arith.constant 0 : i32
    %dma_start3A_936 = arith.constant 0 : i32
    %dma_start3A_937 = tpu.memref_slice %arg8[%dma_start3A_926, %dma_start3A_935, %dma_start3A_936] : memref<4x400x64xf32, #tpu.memory_space<vmem>> -> memref<1x400x64xf32, #tpu.memory_space<vmem>>
    %dma_start3A_938 = tpu.memref_squeeze %dma_start3A_937 : memref<1x400x64xf32, #tpu.memory_space<vmem>> -> memref<400x64xf32, #tpu.memory_space<vmem>>
    tpu.enqueue_dma source(%dma_start3A_938 : memref<400x64xf32, #tpu.memory_space<vmem>>) target(%dma_start3A_934 : memref<400x64xf32, #tpu.memory_space<hbm>>) target_semaphore(%arg19 : memref<!tpu.dma_semaphore, #tpu.memory_space<semaphore_mem>>)
    %add3A_939 = arith.constant 9 : i32
    %add3A_940 = arith.addi %mul3A_2, %add3A_939 : i32
    %mul3A_941 = arith.constant 400 : i32
    %mul3A_942 = arith.muli %add3A_940, %mul3A_941 : i32
    %dma_wait3A_943 = arith.constant 1 : i32
    %dma_wait3A_944 = arith.constant 0 : i32
    %dma_wait3A_945 = arith.constant 0 : i32
    %dma_wait3A_946 = tpu.memref_slice %arg8[%dma_wait3A_943, %dma_wait3A_944, %dma_wait3A_945] : memref<4x400x64xf32, #tpu.memory_space<vmem>> -> memref<1x400x64xf32, #tpu.memory_space<vmem>>
    %dma_wait3A_947 = tpu.memref_squeeze %dma_wait3A_946 : memref<1x400x64xf32, #tpu.memory_space<vmem>> -> memref<400x64xf32, #tpu.memory_space<vmem>>
    %dma_wait3A_948 = arith.constant 0 : i32
    %dma_wait3A_949 = tpu.memref_slice %arg5[%mul3A_942, %dma_wait3A_948] : memref<204800x64xf32, #tpu.memory_space<hbm>> -> memref<400x64xf32, #tpu.memory_space<hbm>>
    %dma_wait3A_950 = arith.constant 0 : i32
    %dma_wait3A_951 = tpu.memref_slice %arg5[%mul3A_942, %dma_wait3A_950] : memref<204800x64xf32, #tpu.memory_space<hbm>> -> memref<400x64xf32, #tpu.memory_space<hbm>>
    %dma_wait3A_952 = arith.constant 0 : i32
    %dma_wait3A_953 = arith.constant 0 : i32
    %dma_wait3A_954 = tpu.memref_slice %arg8[%dma_wait3A_943, %dma_wait3A_952, %dma_wait3A_953] : memref<4x400x64xf32, #tpu.memory_space<vmem>> -> memref<1x400x64xf32, #tpu.memory_space<vmem>>
    %dma_wait3A_955 = tpu.memref_squeeze %dma_wait3A_954 : memref<1x400x64xf32, #tpu.memory_space<vmem>> -> memref<400x64xf32, #tpu.memory_space<vmem>>
    tpu.wait_dma2 semaphore(%arg18 : memref<!tpu.dma_semaphore, #tpu.memory_space<semaphore_mem>>) src(%dma_wait3A_955 : memref<400x64xf32, #tpu.memory_space<vmem>>) dst(%dma_wait3A_951 : memref<400x64xf32, #tpu.memory_space<hbm>>)
    %dma_start3A_956 = arith.constant 0 : i32
    %dma_start3A_957 = arith.constant 13 : i32
    %dma_start3A_958 = arith.constant 1 : i32
    %dma_start3A_959 = arith.constant 0 : i32
    %dma_start3A_960 = arith.constant 0 : i32
    %dma_start3A_961 = tpu.memref_slice %arg8[%dma_start3A_958, %dma_start3A_959, %dma_start3A_960] : memref<4x400x64xf32, #tpu.memory_space<vmem>> -> memref<1x400x64xf32, #tpu.memory_space<vmem>>
    %dma_start3A_962 = tpu.memref_squeeze %dma_start3A_961 : memref<1x400x64xf32, #tpu.memory_space<vmem>> -> memref<400x64xf32, #tpu.memory_space<vmem>>
    %dma_start3A_963 = arith.constant 0 : i32
    %dma_start3A_964 = tpu.memref_slice %arg6[%dma_start3A_956, %dma_start3A_957, %dma_start3A_963] : memref<1x16x400xi32, #tpu.memory_space<vmem>> -> memref<1x1x400xi32, #tpu.memory_space<vmem>>
    %dma_start3A_965 = tpu.memref_squeeze %dma_start3A_964 : memref<1x1x400xi32, #tpu.memory_space<vmem>> -> memref<400xi32, #tpu.memory_space<vmem>>
    %dma_start3A_966 = arith.constant 0 : i32
    %dma_start3A_967 = arith.constant 0 : i32
    %dma_start3A_968 = tpu.memref_slice %arg4[%dma_start3A_966, %dma_start3A_967] : memref<100203x64xf32, #tpu.memory_space<hbm>> -> memref<100203x64xf32, #tpu.memory_space<hbm>>
    tpu.enqueue_indirect_dma source(%dma_start3A_968 : memref<100203x64xf32, #tpu.memory_space<hbm>>) target(%dma_start3A_962 : memref<400x64xf32, #tpu.memory_space<vmem>>) offsets(%dma_start3A_965 : memref<400xi32, #tpu.memory_space<vmem>>) semaphore(%arg10 : memref<!tpu.dma_semaphore, #tpu.memory_space<semaphore_mem>>)
    %dma_wait3A_969 = arith.constant 0 : i32
    %dma_wait3A_970 = arith.constant 11 : i32
    %dma_wait3A_971 = arith.constant 3 : i32
    %dma_wait3A_972 = arith.constant 0 : i32
    %dma_wait3A_973 = arith.constant 0 : i32
    %dma_wait3A_974 = tpu.memref_slice %arg8[%dma_wait3A_971, %dma_wait3A_972, %dma_wait3A_973] : memref<4x400x64xf32, #tpu.memory_space<vmem>> -> memref<1x400x64xf32, #tpu.memory_space<vmem>>
    %dma_wait3A_975 = tpu.memref_squeeze %dma_wait3A_974 : memref<1x400x64xf32, #tpu.memory_space<vmem>> -> memref<400x64xf32, #tpu.memory_space<vmem>>
    %dma_wait3A_976 = arith.constant 0 : i32
    %dma_wait3A_977 = tpu.memref_slice %arg6[%dma_wait3A_969, %dma_wait3A_970, %dma_wait3A_976] : memref<1x16x400xi32, #tpu.memory_space<vmem>> -> memref<1x1x400xi32, #tpu.memory_space<vmem>>
    %dma_wait3A_978 = tpu.memref_squeeze %dma_wait3A_977 : memref<1x1x400xi32, #tpu.memory_space<vmem>> -> memref<400xi32, #tpu.memory_space<vmem>>
    %dma_wait3A_979 = arith.constant 0 : i32
    %dma_wait3A_980 = arith.constant 0 : i32
    %dma_wait3A_981 = tpu.memref_slice %arg4[%dma_wait3A_979, %dma_wait3A_980] : memref<100203x64xf32, #tpu.memory_space<hbm>> -> memref<100203x64xf32, #tpu.memory_space<hbm>>
    tpu.wait_indirect_dma semaphore(%arg12 : memref<!tpu.dma_semaphore, #tpu.memory_space<semaphore_mem>>) src(%dma_wait3A_981 : memref<100203x64xf32, #tpu.memory_space<hbm>>) dst(%dma_wait3A_975 : memref<400x64xf32, #tpu.memory_space<vmem>>)
    %dma_start3A_982 = arith.constant 0 : i32
    %dma_start3A_983 = arith.constant 11 : i32
    %dma_start3A_984 = arith.constant 3 : i32
    %dma_start3A_985 = arith.constant 0 : i32
    %dma_start3A_986 = arith.constant 0 : i32
    %dma_start3A_987 = tpu.memref_slice %arg8[%dma_start3A_984, %dma_start3A_985, %dma_start3A_986] : memref<4x400x64xf32, #tpu.memory_space<vmem>> -> memref<1x400x64xf32, #tpu.memory_space<vmem>>
    %dma_start3A_988 = tpu.memref_squeeze %dma_start3A_987 : memref<1x400x64xf32, #tpu.memory_space<vmem>> -> memref<400x64xf32, #tpu.memory_space<vmem>>
    %dma_start3A_989 = arith.constant 0 : i32
    %dma_start3A_990 = tpu.memref_slice %arg7[%dma_start3A_982, %dma_start3A_983, %dma_start3A_989] : memref<1x16x400xi32, #tpu.memory_space<vmem>> -> memref<1x1x400xi32, #tpu.memory_space<vmem>>
    %dma_start3A_991 = tpu.memref_squeeze %dma_start3A_990 : memref<1x1x400xi32, #tpu.memory_space<vmem>> -> memref<400xi32, #tpu.memory_space<vmem>>
    %dma_start3A_992 = arith.constant 0 : i32
    %dma_start3A_993 = arith.constant 0 : i32
    %dma_start3A_994 = tpu.memref_slice %arg4[%dma_start3A_992, %dma_start3A_993] : memref<100203x64xf32, #tpu.memory_space<hbm>> -> memref<100203x64xf32, #tpu.memory_space<hbm>>
    tpu.enqueue_indirect_dma source(%dma_start3A_994 : memref<100203x64xf32, #tpu.memory_space<hbm>>) target(%dma_start3A_988 : memref<400x64xf32, #tpu.memory_space<vmem>>) offsets(%dma_start3A_991 : memref<400xi32, #tpu.memory_space<vmem>>) semaphore(%arg16 : memref<!tpu.dma_semaphore, #tpu.memory_space<semaphore_mem>>) {add = true}
    %dma_wait3A_995 = arith.constant 0 : i32
    %dma_wait3A_996 = arith.constant 11 : i32
    %dma_wait3A_997 = arith.constant 3 : i32
    %dma_wait3A_998 = arith.constant 0 : i32
    %dma_wait3A_999 = arith.constant 0 : i32
    %dma_wait3A_1000 = tpu.memref_slice %arg8[%dma_wait3A_997, %dma_wait3A_998, %dma_wait3A_999] : memref<4x400x64xf32, #tpu.memory_space<vmem>> -> memref<1x400x64xf32, #tpu.memory_space<vmem>>
    %dma_wait3A_1001 = tpu.memref_squeeze %dma_wait3A_1000 : memref<1x400x64xf32, #tpu.memory_space<vmem>> -> memref<400x64xf32, #tpu.memory_space<vmem>>
    %dma_wait3A_1002 = arith.constant 0 : i32
    %dma_wait3A_1003 = tpu.memref_slice %arg7[%dma_wait3A_995, %dma_wait3A_996, %dma_wait3A_1002] : memref<1x16x400xi32, #tpu.memory_space<vmem>> -> memref<1x1x400xi32, #tpu.memory_space<vmem>>
    %dma_wait3A_1004 = tpu.memref_squeeze %dma_wait3A_1003 : memref<1x1x400xi32, #tpu.memory_space<vmem>> -> memref<400xi32, #tpu.memory_space<vmem>>
    %dma_wait3A_1005 = arith.constant 0 : i32
    %dma_wait3A_1006 = arith.constant 0 : i32
    %dma_wait3A_1007 = tpu.memref_slice %arg4[%dma_wait3A_1005, %dma_wait3A_1006] : memref<100203x64xf32, #tpu.memory_space<hbm>> -> memref<100203x64xf32, #tpu.memory_space<hbm>>
    tpu.wait_indirect_dma semaphore(%arg16 : memref<!tpu.dma_semaphore, #tpu.memory_space<semaphore_mem>>) src(%dma_wait3A_1007 : memref<100203x64xf32, #tpu.memory_space<hbm>>) dst(%dma_wait3A_1001 : memref<400x64xf32, #tpu.memory_space<vmem>>)
    %add3A_1008 = arith.constant 11 : i32
    %add3A_1009 = arith.addi %mul3A_2, %add3A_1008 : i32
    %mul3A_1010 = arith.constant 400 : i32
    %mul3A_1011 = arith.muli %add3A_1009, %mul3A_1010 : i32
    %dma_start3A_1012 = arith.constant 3 : i32
    %dma_start3A_1013 = arith.constant 0 : i32
    %dma_start3A_1014 = arith.constant 0 : i32
    %dma_start3A_1015 = tpu.memref_slice %arg8[%dma_start3A_1012, %dma_start3A_1013, %dma_start3A_1014] : memref<4x400x64xf32, #tpu.memory_space<vmem>> -> memref<1x400x64xf32, #tpu.memory_space<vmem>>
    %dma_start3A_1016 = tpu.memref_squeeze %dma_start3A_1015 : memref<1x400x64xf32, #tpu.memory_space<vmem>> -> memref<400x64xf32, #tpu.memory_space<vmem>>
    %dma_start3A_1017 = arith.constant 0 : i32
    %dma_start3A_1018 = tpu.memref_slice %arg5[%mul3A_1011, %dma_start3A_1017] : memref<204800x64xf32, #tpu.memory_space<hbm>> -> memref<400x64xf32, #tpu.memory_space<hbm>>
    %dma_start3A_1019 = arith.constant 0 : i32
    %dma_start3A_1020 = tpu.memref_slice %arg5[%mul3A_1011, %dma_start3A_1019] : memref<204800x64xf32, #tpu.memory_space<hbm>> -> memref<400x64xf32, #tpu.memory_space<hbm>>
    %dma_start3A_1021 = arith.constant 0 : i32
    %dma_start3A_1022 = arith.constant 0 : i32
    %dma_start3A_1023 = tpu.memref_slice %arg8[%dma_start3A_1012, %dma_start3A_1021, %dma_start3A_1022] : memref<4x400x64xf32, #tpu.memory_space<vmem>> -> memref<1x400x64xf32, #tpu.memory_space<vmem>>
    %dma_start3A_1024 = tpu.memref_squeeze %dma_start3A_1023 : memref<1x400x64xf32, #tpu.memory_space<vmem>> -> memref<400x64xf32, #tpu.memory_space<vmem>>
    tpu.enqueue_dma source(%dma_start3A_1024 : memref<400x64xf32, #tpu.memory_space<vmem>>) target(%dma_start3A_1020 : memref<400x64xf32, #tpu.memory_space<hbm>>) target_semaphore(%arg20 : memref<!tpu.dma_semaphore, #tpu.memory_space<semaphore_mem>>)
    %add3A_1025 = arith.constant 10 : i32
    %add3A_1026 = arith.addi %mul3A_2, %add3A_1025 : i32
    %mul3A_1027 = arith.constant 400 : i32
    %mul3A_1028 = arith.muli %add3A_1026, %mul3A_1027 : i32
    %dma_wait3A_1029 = arith.constant 2 : i32
    %dma_wait3A_1030 = arith.constant 0 : i32
    %dma_wait3A_1031 = arith.constant 0 : i32
    %dma_wait3A_1032 = tpu.memref_slice %arg8[%dma_wait3A_1029, %dma_wait3A_1030, %dma_wait3A_1031] : memref<4x400x64xf32, #tpu.memory_space<vmem>> -> memref<1x400x64xf32, #tpu.memory_space<vmem>>
    %dma_wait3A_1033 = tpu.memref_squeeze %dma_wait3A_1032 : memref<1x400x64xf32, #tpu.memory_space<vmem>> -> memref<400x64xf32, #tpu.memory_space<vmem>>
    %dma_wait3A_1034 = arith.constant 0 : i32
    %dma_wait3A_1035 = tpu.memref_slice %arg5[%mul3A_1028, %dma_wait3A_1034] : memref<204800x64xf32, #tpu.memory_space<hbm>> -> memref<400x64xf32, #tpu.memory_space<hbm>>
    %dma_wait3A_1036 = arith.constant 0 : i32
    %dma_wait3A_1037 = tpu.memref_slice %arg5[%mul3A_1028, %dma_wait3A_1036] : memref<204800x64xf32, #tpu.memory_space<hbm>> -> memref<400x64xf32, #tpu.memory_space<hbm>>
    %dma_wait3A_1038 = arith.constant 0 : i32
    %dma_wait3A_1039 = arith.constant 0 : i32
    %dma_wait3A_1040 = tpu.memref_slice %arg8[%dma_wait3A_1029, %dma_wait3A_1038, %dma_wait3A_1039] : memref<4x400x64xf32, #tpu.memory_space<vmem>> -> memref<1x400x64xf32, #tpu.memory_space<vmem>>
    %dma_wait3A_1041 = tpu.memref_squeeze %dma_wait3A_1040 : memref<1x400x64xf32, #tpu.memory_space<vmem>> -> memref<400x64xf32, #tpu.memory_space<vmem>>
    tpu.wait_dma2 semaphore(%arg19 : memref<!tpu.dma_semaphore, #tpu.memory_space<semaphore_mem>>) src(%dma_wait3A_1041 : memref<400x64xf32, #tpu.memory_space<vmem>>) dst(%dma_wait3A_1037 : memref<400x64xf32, #tpu.memory_space<hbm>>)
    %dma_start3A_1042 = arith.constant 0 : i32
    %dma_start3A_1043 = arith.constant 14 : i32
    %dma_start3A_1044 = arith.constant 2 : i32
    %dma_start3A_1045 = arith.constant 0 : i32
    %dma_start3A_1046 = arith.constant 0 : i32
    %dma_start3A_1047 = tpu.memref_slice %arg8[%dma_start3A_1044, %dma_start3A_1045, %dma_start3A_1046] : memref<4x400x64xf32, #tpu.memory_space<vmem>> -> memref<1x400x64xf32, #tpu.memory_space<vmem>>
    %dma_start3A_1048 = tpu.memref_squeeze %dma_start3A_1047 : memref<1x400x64xf32, #tpu.memory_space<vmem>> -> memref<400x64xf32, #tpu.memory_space<vmem>>
    %dma_start3A_1049 = arith.constant 0 : i32
    %dma_start3A_1050 = tpu.memref_slice %arg6[%dma_start3A_1042, %dma_start3A_1043, %dma_start3A_1049] : memref<1x16x400xi32, #tpu.memory_space<vmem>> -> memref<1x1x400xi32, #tpu.memory_space<vmem>>
    %dma_start3A_1051 = tpu.memref_squeeze %dma_start3A_1050 : memref<1x1x400xi32, #tpu.memory_space<vmem>> -> memref<400xi32, #tpu.memory_space<vmem>>
    %dma_start3A_1052 = arith.constant 0 : i32
    %dma_start3A_1053 = arith.constant 0 : i32
    %dma_start3A_1054 = tpu.memref_slice %arg4[%dma_start3A_1052, %dma_start3A_1053] : memref<100203x64xf32, #tpu.memory_space<hbm>> -> memref<100203x64xf32, #tpu.memory_space<hbm>>
    tpu.enqueue_indirect_dma source(%dma_start3A_1054 : memref<100203x64xf32, #tpu.memory_space<hbm>>) target(%dma_start3A_1048 : memref<400x64xf32, #tpu.memory_space<vmem>>) offsets(%dma_start3A_1051 : memref<400xi32, #tpu.memory_space<vmem>>) semaphore(%arg11 : memref<!tpu.dma_semaphore, #tpu.memory_space<semaphore_mem>>)
    %dma_wait3A_1055 = arith.constant 0 : i32
    %dma_wait3A_1056 = arith.constant 12 : i32
    %dma_wait3A_1057 = arith.constant 0 : i32
    %dma_wait3A_1058 = arith.constant 0 : i32
    %dma_wait3A_1059 = arith.constant 0 : i32
    %dma_wait3A_1060 = tpu.memref_slice %arg8[%dma_wait3A_1057, %dma_wait3A_1058, %dma_wait3A_1059] : memref<4x400x64xf32, #tpu.memory_space<vmem>> -> memref<1x400x64xf32, #tpu.memory_space<vmem>>
    %dma_wait3A_1061 = tpu.memref_squeeze %dma_wait3A_1060 : memref<1x400x64xf32, #tpu.memory_space<vmem>> -> memref<400x64xf32, #tpu.memory_space<vmem>>
    %dma_wait3A_1062 = arith.constant 0 : i32
    %dma_wait3A_1063 = tpu.memref_slice %arg6[%dma_wait3A_1055, %dma_wait3A_1056, %dma_wait3A_1062] : memref<1x16x400xi32, #tpu.memory_space<vmem>> -> memref<1x1x400xi32, #tpu.memory_space<vmem>>
    %dma_wait3A_1064 = tpu.memref_squeeze %dma_wait3A_1063 : memref<1x1x400xi32, #tpu.memory_space<vmem>> -> memref<400xi32, #tpu.memory_space<vmem>>
    %dma_wait3A_1065 = arith.constant 0 : i32
    %dma_wait3A_1066 = arith.constant 0 : i32
    %dma_wait3A_1067 = tpu.memref_slice %arg4[%dma_wait3A_1065, %dma_wait3A_1066] : memref<100203x64xf32, #tpu.memory_space<hbm>> -> memref<100203x64xf32, #tpu.memory_space<hbm>>
    tpu.wait_indirect_dma semaphore(%arg9 : memref<!tpu.dma_semaphore, #tpu.memory_space<semaphore_mem>>) src(%dma_wait3A_1067 : memref<100203x64xf32, #tpu.memory_space<hbm>>) dst(%dma_wait3A_1061 : memref<400x64xf32, #tpu.memory_space<vmem>>)
    %dma_start3A_1068 = arith.constant 0 : i32
    %dma_start3A_1069 = arith.constant 12 : i32
    %dma_start3A_1070 = arith.constant 0 : i32
    %dma_start3A_1071 = arith.constant 0 : i32
    %dma_start3A_1072 = arith.constant 0 : i32
    %dma_start3A_1073 = tpu.memref_slice %arg8[%dma_start3A_1070, %dma_start3A_1071, %dma_start3A_1072] : memref<4x400x64xf32, #tpu.memory_space<vmem>> -> memref<1x400x64xf32, #tpu.memory_space<vmem>>
    %dma_start3A_1074 = tpu.memref_squeeze %dma_start3A_1073 : memref<1x400x64xf32, #tpu.memory_space<vmem>> -> memref<400x64xf32, #tpu.memory_space<vmem>>
    %dma_start3A_1075 = arith.constant 0 : i32
    %dma_start3A_1076 = tpu.memref_slice %arg7[%dma_start3A_1068, %dma_start3A_1069, %dma_start3A_1075] : memref<1x16x400xi32, #tpu.memory_space<vmem>> -> memref<1x1x400xi32, #tpu.memory_space<vmem>>
    %dma_start3A_1077 = tpu.memref_squeeze %dma_start3A_1076 : memref<1x1x400xi32, #tpu.memory_space<vmem>> -> memref<400xi32, #tpu.memory_space<vmem>>
    %dma_start3A_1078 = arith.constant 0 : i32
    %dma_start3A_1079 = arith.constant 0 : i32
    %dma_start3A_1080 = tpu.memref_slice %arg4[%dma_start3A_1078, %dma_start3A_1079] : memref<100203x64xf32, #tpu.memory_space<hbm>> -> memref<100203x64xf32, #tpu.memory_space<hbm>>
    tpu.enqueue_indirect_dma source(%dma_start3A_1080 : memref<100203x64xf32, #tpu.memory_space<hbm>>) target(%dma_start3A_1074 : memref<400x64xf32, #tpu.memory_space<vmem>>) offsets(%dma_start3A_1077 : memref<400xi32, #tpu.memory_space<vmem>>) semaphore(%arg13 : memref<!tpu.dma_semaphore, #tpu.memory_space<semaphore_mem>>) {add = true}
    %dma_wait3A_1081 = arith.constant 0 : i32
    %dma_wait3A_1082 = arith.constant 12 : i32
    %dma_wait3A_1083 = arith.constant 0 : i32
    %dma_wait3A_1084 = arith.constant 0 : i32
    %dma_wait3A_1085 = arith.constant 0 : i32
    %dma_wait3A_1086 = tpu.memref_slice %arg8[%dma_wait3A_1083, %dma_wait3A_1084, %dma_wait3A_1085] : memref<4x400x64xf32, #tpu.memory_space<vmem>> -> memref<1x400x64xf32, #tpu.memory_space<vmem>>
    %dma_wait3A_1087 = tpu.memref_squeeze %dma_wait3A_1086 : memref<1x400x64xf32, #tpu.memory_space<vmem>> -> memref<400x64xf32, #tpu.memory_space<vmem>>
    %dma_wait3A_1088 = arith.constant 0 : i32
    %dma_wait3A_1089 = tpu.memref_slice %arg7[%dma_wait3A_1081, %dma_wait3A_1082, %dma_wait3A_1088] : memref<1x16x400xi32, #tpu.memory_space<vmem>> -> memref<1x1x400xi32, #tpu.memory_space<vmem>>
    %dma_wait3A_1090 = tpu.memref_squeeze %dma_wait3A_1089 : memref<1x1x400xi32, #tpu.memory_space<vmem>> -> memref<400xi32, #tpu.memory_space<vmem>>
    %dma_wait3A_1091 = arith.constant 0 : i32
    %dma_wait3A_1092 = arith.constant 0 : i32
    %dma_wait3A_1093 = tpu.memref_slice %arg4[%dma_wait3A_1091, %dma_wait3A_1092] : memref<100203x64xf32, #tpu.memory_space<hbm>> -> memref<100203x64xf32, #tpu.memory_space<hbm>>
    tpu.wait_indirect_dma semaphore(%arg13 : memref<!tpu.dma_semaphore, #tpu.memory_space<semaphore_mem>>) src(%dma_wait3A_1093 : memref<100203x64xf32, #tpu.memory_space<hbm>>) dst(%dma_wait3A_1087 : memref<400x64xf32, #tpu.memory_space<vmem>>)
    %add3A_1094 = arith.constant 12 : i32
    %add3A_1095 = arith.addi %mul3A_2, %add3A_1094 : i32
    %mul3A_1096 = arith.constant 400 : i32
    %mul3A_1097 = arith.muli %add3A_1095, %mul3A_1096 : i32
    %dma_start3A_1098 = arith.constant 0 : i32
    %dma_start3A_1099 = arith.constant 0 : i32
    %dma_start3A_1100 = arith.constant 0 : i32
    %dma_start3A_1101 = tpu.memref_slice %arg8[%dma_start3A_1098, %dma_start3A_1099, %dma_start3A_1100] : memref<4x400x64xf32, #tpu.memory_space<vmem>> -> memref<1x400x64xf32, #tpu.memory_space<vmem>>
    %dma_start3A_1102 = tpu.memref_squeeze %dma_start3A_1101 : memref<1x400x64xf32, #tpu.memory_space<vmem>> -> memref<400x64xf32, #tpu.memory_space<vmem>>
    %dma_start3A_1103 = arith.constant 0 : i32
    %dma_start3A_1104 = tpu.memref_slice %arg5[%mul3A_1097, %dma_start3A_1103] : memref<204800x64xf32, #tpu.memory_space<hbm>> -> memref<400x64xf32, #tpu.memory_space<hbm>>
    %dma_start3A_1105 = arith.constant 0 : i32
    %dma_start3A_1106 = tpu.memref_slice %arg5[%mul3A_1097, %dma_start3A_1105] : memref<204800x64xf32, #tpu.memory_space<hbm>> -> memref<400x64xf32, #tpu.memory_space<hbm>>
    %dma_start3A_1107 = arith.constant 0 : i32
    %dma_start3A_1108 = arith.constant 0 : i32
    %dma_start3A_1109 = tpu.memref_slice %arg8[%dma_start3A_1098, %dma_start3A_1107, %dma_start3A_1108] : memref<4x400x64xf32, #tpu.memory_space<vmem>> -> memref<1x400x64xf32, #tpu.memory_space<vmem>>
    %dma_start3A_1110 = tpu.memref_squeeze %dma_start3A_1109 : memref<1x400x64xf32, #tpu.memory_space<vmem>> -> memref<400x64xf32, #tpu.memory_space<vmem>>
    tpu.enqueue_dma source(%dma_start3A_1110 : memref<400x64xf32, #tpu.memory_space<vmem>>) target(%dma_start3A_1106 : memref<400x64xf32, #tpu.memory_space<hbm>>) target_semaphore(%arg17 : memref<!tpu.dma_semaphore, #tpu.memory_space<semaphore_mem>>)
    %add3A_1111 = arith.constant 11 : i32
    %add3A_1112 = arith.addi %mul3A_2, %add3A_1111 : i32
    %mul3A_1113 = arith.constant 400 : i32
    %mul3A_1114 = arith.muli %add3A_1112, %mul3A_1113 : i32
    %dma_wait3A_1115 = arith.constant 3 : i32
    %dma_wait3A_1116 = arith.constant 0 : i32
    %dma_wait3A_1117 = arith.constant 0 : i32
    %dma_wait3A_1118 = tpu.memref_slice %arg8[%dma_wait3A_1115, %dma_wait3A_1116, %dma_wait3A_1117] : memref<4x400x64xf32, #tpu.memory_space<vmem>> -> memref<1x400x64xf32, #tpu.memory_space<vmem>>
    %dma_wait3A_1119 = tpu.memref_squeeze %dma_wait3A_1118 : memref<1x400x64xf32, #tpu.memory_space<vmem>> -> memref<400x64xf32, #tpu.memory_space<vmem>>
    %dma_wait3A_1120 = arith.constant 0 : i32
    %dma_wait3A_1121 = tpu.memref_slice %arg5[%mul3A_1114, %dma_wait3A_1120] : memref<204800x64xf32, #tpu.memory_space<hbm>> -> memref<400x64xf32, #tpu.memory_space<hbm>>
    %dma_wait3A_1122 = arith.constant 0 : i32
    %dma_wait3A_1123 = tpu.memref_slice %arg5[%mul3A_1114, %dma_wait3A_1122] : memref<204800x64xf32, #tpu.memory_space<hbm>> -> memref<400x64xf32, #tpu.memory_space<hbm>>
    %dma_wait3A_1124 = arith.constant 0 : i32
    %dma_wait3A_1125 = arith.constant 0 : i32
    %dma_wait3A_1126 = tpu.memref_slice %arg8[%dma_wait3A_1115, %dma_wait3A_1124, %dma_wait3A_1125] : memref<4x400x64xf32, #tpu.memory_space<vmem>> -> memref<1x400x64xf32, #tpu.memory_space<vmem>>
    %dma_wait3A_1127 = tpu.memref_squeeze %dma_wait3A_1126 : memref<1x400x64xf32, #tpu.memory_space<vmem>> -> memref<400x64xf32, #tpu.memory_space<vmem>>
    tpu.wait_dma2 semaphore(%arg20 : memref<!tpu.dma_semaphore, #tpu.memory_space<semaphore_mem>>) src(%dma_wait3A_1127 : memref<400x64xf32, #tpu.memory_space<vmem>>) dst(%dma_wait3A_1123 : memref<400x64xf32, #tpu.memory_space<hbm>>)
    %dma_start3A_1128 = arith.constant 0 : i32
    %dma_start3A_1129 = arith.constant 15 : i32
    %dma_start3A_1130 = arith.constant 3 : i32
    %dma_start3A_1131 = arith.constant 0 : i32
    %dma_start3A_1132 = arith.constant 0 : i32
    %dma_start3A_1133 = tpu.memref_slice %arg8[%dma_start3A_1130, %dma_start3A_1131, %dma_start3A_1132] : memref<4x400x64xf32, #tpu.memory_space<vmem>> -> memref<1x400x64xf32, #tpu.memory_space<vmem>>
    %dma_start3A_1134 = tpu.memref_squeeze %dma_start3A_1133 : memref<1x400x64xf32, #tpu.memory_space<vmem>> -> memref<400x64xf32, #tpu.memory_space<vmem>>
    %dma_start3A_1135 = arith.constant 0 : i32
    %dma_start3A_1136 = tpu.memref_slice %arg6[%dma_start3A_1128, %dma_start3A_1129, %dma_start3A_1135] : memref<1x16x400xi32, #tpu.memory_space<vmem>> -> memref<1x1x400xi32, #tpu.memory_space<vmem>>
    %dma_start3A_1137 = tpu.memref_squeeze %dma_start3A_1136 : memref<1x1x400xi32, #tpu.memory_space<vmem>> -> memref<400xi32, #tpu.memory_space<vmem>>
    %dma_start3A_1138 = arith.constant 0 : i32
    %dma_start3A_1139 = arith.constant 0 : i32
    %dma_start3A_1140 = tpu.memref_slice %arg4[%dma_start3A_1138, %dma_start3A_1139] : memref<100203x64xf32, #tpu.memory_space<hbm>> -> memref<100203x64xf32, #tpu.memory_space<hbm>>
    tpu.enqueue_indirect_dma source(%dma_start3A_1140 : memref<100203x64xf32, #tpu.memory_space<hbm>>) target(%dma_start3A_1134 : memref<400x64xf32, #tpu.memory_space<vmem>>) offsets(%dma_start3A_1137 : memref<400xi32, #tpu.memory_space<vmem>>) semaphore(%arg12 : memref<!tpu.dma_semaphore, #tpu.memory_space<semaphore_mem>>)
    %dma_wait3A_1141 = arith.constant 0 : i32
    %dma_wait3A_1142 = arith.constant 13 : i32
    %dma_wait3A_1143 = arith.constant 1 : i32
    %dma_wait3A_1144 = arith.constant 0 : i32
    %dma_wait3A_1145 = arith.constant 0 : i32
    %dma_wait3A_1146 = tpu.memref_slice %arg8[%dma_wait3A_1143, %dma_wait3A_1144, %dma_wait3A_1145] : memref<4x400x64xf32, #tpu.memory_space<vmem>> -> memref<1x400x64xf32, #tpu.memory_space<vmem>>
    %dma_wait3A_1147 = tpu.memref_squeeze %dma_wait3A_1146 : memref<1x400x64xf32, #tpu.memory_space<vmem>> -> memref<400x64xf32, #tpu.memory_space<vmem>>
    %dma_wait3A_1148 = arith.constant 0 : i32
    %dma_wait3A_1149 = tpu.memref_slice %arg6[%dma_wait3A_1141, %dma_wait3A_1142, %dma_wait3A_1148] : memref<1x16x400xi32, #tpu.memory_space<vmem>> -> memref<1x1x400xi32, #tpu.memory_space<vmem>>
    %dma_wait3A_1150 = tpu.memref_squeeze %dma_wait3A_1149 : memref<1x1x400xi32, #tpu.memory_space<vmem>> -> memref<400xi32, #tpu.memory_space<vmem>>
    %dma_wait3A_1151 = arith.constant 0 : i32
    %dma_wait3A_1152 = arith.constant 0 : i32
    %dma_wait3A_1153 = tpu.memref_slice %arg4[%dma_wait3A_1151, %dma_wait3A_1152] : memref<100203x64xf32, #tpu.memory_space<hbm>> -> memref<100203x64xf32, #tpu.memory_space<hbm>>
    tpu.wait_indirect_dma semaphore(%arg10 : memref<!tpu.dma_semaphore, #tpu.memory_space<semaphore_mem>>) src(%dma_wait3A_1153 : memref<100203x64xf32, #tpu.memory_space<hbm>>) dst(%dma_wait3A_1147 : memref<400x64xf32, #tpu.memory_space<vmem>>)
    %dma_start3A_1154 = arith.constant 0 : i32
    %dma_start3A_1155 = arith.constant 13 : i32
    %dma_start3A_1156 = arith.constant 1 : i32
    %dma_start3A_1157 = arith.constant 0 : i32
    %dma_start3A_1158 = arith.constant 0 : i32
    %dma_start3A_1159 = tpu.memref_slice %arg8[%dma_start3A_1156, %dma_start3A_1157, %dma_start3A_1158] : memref<4x400x64xf32, #tpu.memory_space<vmem>> -> memref<1x400x64xf32, #tpu.memory_space<vmem>>
    %dma_start3A_1160 = tpu.memref_squeeze %dma_start3A_1159 : memref<1x400x64xf32, #tpu.memory_space<vmem>> -> memref<400x64xf32, #tpu.memory_space<vmem>>
    %dma_start3A_1161 = arith.constant 0 : i32
    %dma_start3A_1162 = tpu.memref_slice %arg7[%dma_start3A_1154, %dma_start3A_1155, %dma_start3A_1161] : memref<1x16x400xi32, #tpu.memory_space<vmem>> -> memref<1x1x400xi32, #tpu.memory_space<vmem>>
    %dma_start3A_1163 = tpu.memref_squeeze %dma_start3A_1162 : memref<1x1x400xi32, #tpu.memory_space<vmem>> -> memref<400xi32, #tpu.memory_space<vmem>>
    %dma_start3A_1164 = arith.constant 0 : i32
    %dma_start3A_1165 = arith.constant 0 : i32
    %dma_start3A_1166 = tpu.memref_slice %arg4[%dma_start3A_1164, %dma_start3A_1165] : memref<100203x64xf32, #tpu.memory_space<hbm>> -> memref<100203x64xf32, #tpu.memory_space<hbm>>
    tpu.enqueue_indirect_dma source(%dma_start3A_1166 : memref<100203x64xf32, #tpu.memory_space<hbm>>) target(%dma_start3A_1160 : memref<400x64xf32, #tpu.memory_space<vmem>>) offsets(%dma_start3A_1163 : memref<400xi32, #tpu.memory_space<vmem>>) semaphore(%arg14 : memref<!tpu.dma_semaphore, #tpu.memory_space<semaphore_mem>>) {add = true}
    %dma_wait3A_1167 = arith.constant 0 : i32
    %dma_wait3A_1168 = arith.constant 13 : i32
    %dma_wait3A_1169 = arith.constant 1 : i32
    %dma_wait3A_1170 = arith.constant 0 : i32
    %dma_wait3A_1171 = arith.constant 0 : i32
    %dma_wait3A_1172 = tpu.memref_slice %arg8[%dma_wait3A_1169, %dma_wait3A_1170, %dma_wait3A_1171] : memref<4x400x64xf32, #tpu.memory_space<vmem>> -> memref<1x400x64xf32, #tpu.memory_space<vmem>>
    %dma_wait3A_1173 = tpu.memref_squeeze %dma_wait3A_1172 : memref<1x400x64xf32, #tpu.memory_space<vmem>> -> memref<400x64xf32, #tpu.memory_space<vmem>>
    %dma_wait3A_1174 = arith.constant 0 : i32
    %dma_wait3A_1175 = tpu.memref_slice %arg7[%dma_wait3A_1167, %dma_wait3A_1168, %dma_wait3A_1174] : memref<1x16x400xi32, #tpu.memory_space<vmem>> -> memref<1x1x400xi32, #tpu.memory_space<vmem>>
    %dma_wait3A_1176 = tpu.memref_squeeze %dma_wait3A_1175 : memref<1x1x400xi32, #tpu.memory_space<vmem>> -> memref<400xi32, #tpu.memory_space<vmem>>
    %dma_wait3A_1177 = arith.constant 0 : i32
    %dma_wait3A_1178 = arith.constant 0 : i32
    %dma_wait3A_1179 = tpu.memref_slice %arg4[%dma_wait3A_1177, %dma_wait3A_1178] : memref<100203x64xf32, #tpu.memory_space<hbm>> -> memref<100203x64xf32, #tpu.memory_space<hbm>>
    tpu.wait_indirect_dma semaphore(%arg14 : memref<!tpu.dma_semaphore, #tpu.memory_space<semaphore_mem>>) src(%dma_wait3A_1179 : memref<100203x64xf32, #tpu.memory_space<hbm>>) dst(%dma_wait3A_1173 : memref<400x64xf32, #tpu.memory_space<vmem>>)
    %add3A_1180 = arith.constant 13 : i32
    %add3A_1181 = arith.addi %mul3A_2, %add3A_1180 : i32
    %mul3A_1182 = arith.constant 400 : i32
    %mul3A_1183 = arith.muli %add3A_1181, %mul3A_1182 : i32
    %dma_start3A_1184 = arith.constant 1 : i32
    %dma_start3A_1185 = arith.constant 0 : i32
    %dma_start3A_1186 = arith.constant 0 : i32
    %dma_start3A_1187 = tpu.memref_slice %arg8[%dma_start3A_1184, %dma_start3A_1185, %dma_start3A_1186] : memref<4x400x64xf32, #tpu.memory_space<vmem>> -> memref<1x400x64xf32, #tpu.memory_space<vmem>>
    %dma_start3A_1188 = tpu.memref_squeeze %dma_start3A_1187 : memref<1x400x64xf32, #tpu.memory_space<vmem>> -> memref<400x64xf32, #tpu.memory_space<vmem>>
    %dma_start3A_1189 = arith.constant 0 : i32
    %dma_start3A_1190 = tpu.memref_slice %arg5[%mul3A_1183, %dma_start3A_1189] : memref<204800x64xf32, #tpu.memory_space<hbm>> -> memref<400x64xf32, #tpu.memory_space<hbm>>
    %dma_start3A_1191 = arith.constant 0 : i32
    %dma_start3A_1192 = tpu.memref_slice %arg5[%mul3A_1183, %dma_start3A_1191] : memref<204800x64xf32, #tpu.memory_space<hbm>> -> memref<400x64xf32, #tpu.memory_space<hbm>>
    %dma_start3A_1193 = arith.constant 0 : i32
    %dma_start3A_1194 = arith.constant 0 : i32
    %dma_start3A_1195 = tpu.memref_slice %arg8[%dma_start3A_1184, %dma_start3A_1193, %dma_start3A_1194] : memref<4x400x64xf32, #tpu.memory_space<vmem>> -> memref<1x400x64xf32, #tpu.memory_space<vmem>>
    %dma_start3A_1196 = tpu.memref_squeeze %dma_start3A_1195 : memref<1x400x64xf32, #tpu.memory_space<vmem>> -> memref<400x64xf32, #tpu.memory_space<vmem>>
    tpu.enqueue_dma source(%dma_start3A_1196 : memref<400x64xf32, #tpu.memory_space<vmem>>) target(%dma_start3A_1192 : memref<400x64xf32, #tpu.memory_space<hbm>>) target_semaphore(%arg18 : memref<!tpu.dma_semaphore, #tpu.memory_space<semaphore_mem>>)
    %dma_wait3A_1197 = arith.constant 0 : i32
    %dma_wait3A_1198 = arith.constant 14 : i32
    %dma_wait3A_1199 = arith.constant 2 : i32
    %dma_wait3A_1200 = arith.constant 0 : i32
    %dma_wait3A_1201 = arith.constant 0 : i32
    %dma_wait3A_1202 = tpu.memref_slice %arg8[%dma_wait3A_1199, %dma_wait3A_1200, %dma_wait3A_1201] : memref<4x400x64xf32, #tpu.memory_space<vmem>> -> memref<1x400x64xf32, #tpu.memory_space<vmem>>
    %dma_wait3A_1203 = tpu.memref_squeeze %dma_wait3A_1202 : memref<1x400x64xf32, #tpu.memory_space<vmem>> -> memref<400x64xf32, #tpu.memory_space<vmem>>
    %dma_wait3A_1204 = arith.constant 0 : i32
    %dma_wait3A_1205 = tpu.memref_slice %arg6[%dma_wait3A_1197, %dma_wait3A_1198, %dma_wait3A_1204] : memref<1x16x400xi32, #tpu.memory_space<vmem>> -> memref<1x1x400xi32, #tpu.memory_space<vmem>>
    %dma_wait3A_1206 = tpu.memref_squeeze %dma_wait3A_1205 : memref<1x1x400xi32, #tpu.memory_space<vmem>> -> memref<400xi32, #tpu.memory_space<vmem>>
    %dma_wait3A_1207 = arith.constant 0 : i32
    %dma_wait3A_1208 = arith.constant 0 : i32
    %dma_wait3A_1209 = tpu.memref_slice %arg4[%dma_wait3A_1207, %dma_wait3A_1208] : memref<100203x64xf32, #tpu.memory_space<hbm>> -> memref<100203x64xf32, #tpu.memory_space<hbm>>
    tpu.wait_indirect_dma semaphore(%arg11 : memref<!tpu.dma_semaphore, #tpu.memory_space<semaphore_mem>>) src(%dma_wait3A_1209 : memref<100203x64xf32, #tpu.memory_space<hbm>>) dst(%dma_wait3A_1203 : memref<400x64xf32, #tpu.memory_space<vmem>>)
    %dma_start3A_1210 = arith.constant 0 : i32
    %dma_start3A_1211 = arith.constant 14 : i32
    %dma_start3A_1212 = arith.constant 2 : i32
    %dma_start3A_1213 = arith.constant 0 : i32
    %dma_start3A_1214 = arith.constant 0 : i32
    %dma_start3A_1215 = tpu.memref_slice %arg8[%dma_start3A_1212, %dma_start3A_1213, %dma_start3A_1214] : memref<4x400x64xf32, #tpu.memory_space<vmem>> -> memref<1x400x64xf32, #tpu.memory_space<vmem>>
    %dma_start3A_1216 = tpu.memref_squeeze %dma_start3A_1215 : memref<1x400x64xf32, #tpu.memory_space<vmem>> -> memref<400x64xf32, #tpu.memory_space<vmem>>
    %dma_start3A_1217 = arith.constant 0 : i32
    %dma_start3A_1218 = tpu.memref_slice %arg7[%dma_start3A_1210, %dma_start3A_1211, %dma_start3A_1217] : memref<1x16x400xi32, #tpu.memory_space<vmem>> -> memref<1x1x400xi32, #tpu.memory_space<vmem>>
    %dma_start3A_1219 = tpu.memref_squeeze %dma_start3A_1218 : memref<1x1x400xi32, #tpu.memory_space<vmem>> -> memref<400xi32, #tpu.memory_space<vmem>>
    %dma_start3A_1220 = arith.constant 0 : i32
    %dma_start3A_1221 = arith.constant 0 : i32
    %dma_start3A_1222 = tpu.memref_slice %arg4[%dma_start3A_1220, %dma_start3A_1221] : memref<100203x64xf32, #tpu.memory_space<hbm>> -> memref<100203x64xf32, #tpu.memory_space<hbm>>
    tpu.enqueue_indirect_dma source(%dma_start3A_1222 : memref<100203x64xf32, #tpu.memory_space<hbm>>) target(%dma_start3A_1216 : memref<400x64xf32, #tpu.memory_space<vmem>>) offsets(%dma_start3A_1219 : memref<400xi32, #tpu.memory_space<vmem>>) semaphore(%arg15 : memref<!tpu.dma_semaphore, #tpu.memory_space<semaphore_mem>>) {add = true}
    %dma_wait3A_1223 = arith.constant 0 : i32
    %dma_wait3A_1224 = arith.constant 14 : i32
    %dma_wait3A_1225 = arith.constant 2 : i32
    %dma_wait3A_1226 = arith.constant 0 : i32
    %dma_wait3A_1227 = arith.constant 0 : i32
    %dma_wait3A_1228 = tpu.memref_slice %arg8[%dma_wait3A_1225, %dma_wait3A_1226, %dma_wait3A_1227] : memref<4x400x64xf32, #tpu.memory_space<vmem>> -> memref<1x400x64xf32, #tpu.memory_space<vmem>>
    %dma_wait3A_1229 = tpu.memref_squeeze %dma_wait3A_1228 : memref<1x400x64xf32, #tpu.memory_space<vmem>> -> memref<400x64xf32, #tpu.memory_space<vmem>>
    %dma_wait3A_1230 = arith.constant 0 : i32
    %dma_wait3A_1231 = tpu.memref_slice %arg7[%dma_wait3A_1223, %dma_wait3A_1224, %dma_wait3A_1230] : memref<1x16x400xi32, #tpu.memory_space<vmem>> -> memref<1x1x400xi32, #tpu.memory_space<vmem>>
    %dma_wait3A_1232 = tpu.memref_squeeze %dma_wait3A_1231 : memref<1x1x400xi32, #tpu.memory_space<vmem>> -> memref<400xi32, #tpu.memory_space<vmem>>
    %dma_wait3A_1233 = arith.constant 0 : i32
    %dma_wait3A_1234 = arith.constant 0 : i32
    %dma_wait3A_1235 = tpu.memref_slice %arg4[%dma_wait3A_1233, %dma_wait3A_1234] : memref<100203x64xf32, #tpu.memory_space<hbm>> -> memref<100203x64xf32, #tpu.memory_space<hbm>>
    tpu.wait_indirect_dma semaphore(%arg15 : memref<!tpu.dma_semaphore, #tpu.memory_space<semaphore_mem>>) src(%dma_wait3A_1235 : memref<100203x64xf32, #tpu.memory_space<hbm>>) dst(%dma_wait3A_1229 : memref<400x64xf32, #tpu.memory_space<vmem>>)
    %add3A_1236 = arith.constant 14 : i32
    %add3A_1237 = arith.addi %mul3A_2, %add3A_1236 : i32
    %mul3A_1238 = arith.constant 400 : i32
    %mul3A_1239 = arith.muli %add3A_1237, %mul3A_1238 : i32
    %dma_start3A_1240 = arith.constant 2 : i32
    %dma_start3A_1241 = arith.constant 0 : i32
    %dma_start3A_1242 = arith.constant 0 : i32
    %dma_start3A_1243 = tpu.memref_slice %arg8[%dma_start3A_1240, %dma_start3A_1241, %dma_start3A_1242] : memref<4x400x64xf32, #tpu.memory_space<vmem>> -> memref<1x400x64xf32, #tpu.memory_space<vmem>>
    %dma_start3A_1244 = tpu.memref_squeeze %dma_start3A_1243 : memref<1x400x64xf32, #tpu.memory_space<vmem>> -> memref<400x64xf32, #tpu.memory_space<vmem>>
    %dma_start3A_1245 = arith.constant 0 : i32
    %dma_start3A_1246 = tpu.memref_slice %arg5[%mul3A_1239, %dma_start3A_1245] : memref<204800x64xf32, #tpu.memory_space<hbm>> -> memref<400x64xf32, #tpu.memory_space<hbm>>
    %dma_start3A_1247 = arith.constant 0 : i32
    %dma_start3A_1248 = tpu.memref_slice %arg5[%mul3A_1239, %dma_start3A_1247] : memref<204800x64xf32, #tpu.memory_space<hbm>> -> memref<400x64xf32, #tpu.memory_space<hbm>>
    %dma_start3A_1249 = arith.constant 0 : i32
    %dma_start3A_1250 = arith.constant 0 : i32
    %dma_start3A_1251 = tpu.memref_slice %arg8[%dma_start3A_1240, %dma_start3A_1249, %dma_start3A_1250] : memref<4x400x64xf32, #tpu.memory_space<vmem>> -> memref<1x400x64xf32, #tpu.memory_space<vmem>>
    %dma_start3A_1252 = tpu.memref_squeeze %dma_start3A_1251 : memref<1x400x64xf32, #tpu.memory_space<vmem>> -> memref<400x64xf32, #tpu.memory_space<vmem>>
    tpu.enqueue_dma source(%dma_start3A_1252 : memref<400x64xf32, #tpu.memory_space<vmem>>) target(%dma_start3A_1248 : memref<400x64xf32, #tpu.memory_space<hbm>>) target_semaphore(%arg19 : memref<!tpu.dma_semaphore, #tpu.memory_space<semaphore_mem>>)
    %dma_wait3A_1253 = arith.constant 0 : i32
    %dma_wait3A_1254 = arith.constant 15 : i32
    %dma_wait3A_1255 = arith.constant 3 : i32
    %dma_wait3A_1256 = arith.constant 0 : i32
    %dma_wait3A_1257 = arith.constant 0 : i32
    %dma_wait3A_1258 = tpu.memref_slice %arg8[%dma_wait3A_1255, %dma_wait3A_1256, %dma_wait3A_1257] : memref<4x400x64xf32, #tpu.memory_space<vmem>> -> memref<1x400x64xf32, #tpu.memory_space<vmem>>
    %dma_wait3A_1259 = tpu.memref_squeeze %dma_wait3A_1258 : memref<1x400x64xf32, #tpu.memory_space<vmem>> -> memref<400x64xf32, #tpu.memory_space<vmem>>
    %dma_wait3A_1260 = arith.constant 0 : i32
    %dma_wait3A_1261 = tpu.memref_slice %arg6[%dma_wait3A_1253, %dma_wait3A_1254, %dma_wait3A_1260] : memref<1x16x400xi32, #tpu.memory_space<vmem>> -> memref<1x1x400xi32, #tpu.memory_space<vmem>>
    %dma_wait3A_1262 = tpu.memref_squeeze %dma_wait3A_1261 : memref<1x1x400xi32, #tpu.memory_space<vmem>> -> memref<400xi32, #tpu.memory_space<vmem>>
    %dma_wait3A_1263 = arith.constant 0 : i32
    %dma_wait3A_1264 = arith.constant 0 : i32
    %dma_wait3A_1265 = tpu.memref_slice %arg4[%dma_wait3A_1263, %dma_wait3A_1264] : memref<100203x64xf32, #tpu.memory_space<hbm>> -> memref<100203x64xf32, #tpu.memory_space<hbm>>
    tpu.wait_indirect_dma semaphore(%arg12 : memref<!tpu.dma_semaphore, #tpu.memory_space<semaphore_mem>>) src(%dma_wait3A_1265 : memref<100203x64xf32, #tpu.memory_space<hbm>>) dst(%dma_wait3A_1259 : memref<400x64xf32, #tpu.memory_space<vmem>>)
    %dma_start3A_1266 = arith.constant 0 : i32
    %dma_start3A_1267 = arith.constant 15 : i32
    %dma_start3A_1268 = arith.constant 3 : i32
    %dma_start3A_1269 = arith.constant 0 : i32
    %dma_start3A_1270 = arith.constant 0 : i32
    %dma_start3A_1271 = tpu.memref_slice %arg8[%dma_start3A_1268, %dma_start3A_1269, %dma_start3A_1270] : memref<4x400x64xf32, #tpu.memory_space<vmem>> -> memref<1x400x64xf32, #tpu.memory_space<vmem>>
    %dma_start3A_1272 = tpu.memref_squeeze %dma_start3A_1271 : memref<1x400x64xf32, #tpu.memory_space<vmem>> -> memref<400x64xf32, #tpu.memory_space<vmem>>
    %dma_start3A_1273 = arith.constant 0 : i32
    %dma_start3A_1274 = tpu.memref_slice %arg7[%dma_start3A_1266, %dma_start3A_1267, %dma_start3A_1273] : memref<1x16x400xi32, #tpu.memory_space<vmem>> -> memref<1x1x400xi32, #tpu.memory_space<vmem>>
    %dma_start3A_1275 = tpu.memref_squeeze %dma_start3A_1274 : memref<1x1x400xi32, #tpu.memory_space<vmem>> -> memref<400xi32, #tpu.memory_space<vmem>>
    %dma_start3A_1276 = arith.constant 0 : i32
    %dma_start3A_1277 = arith.constant 0 : i32
    %dma_start3A_1278 = tpu.memref_slice %arg4[%dma_start3A_1276, %dma_start3A_1277] : memref<100203x64xf32, #tpu.memory_space<hbm>> -> memref<100203x64xf32, #tpu.memory_space<hbm>>
    tpu.enqueue_indirect_dma source(%dma_start3A_1278 : memref<100203x64xf32, #tpu.memory_space<hbm>>) target(%dma_start3A_1272 : memref<400x64xf32, #tpu.memory_space<vmem>>) offsets(%dma_start3A_1275 : memref<400xi32, #tpu.memory_space<vmem>>) semaphore(%arg16 : memref<!tpu.dma_semaphore, #tpu.memory_space<semaphore_mem>>) {add = true}
    %dma_wait3A_1279 = arith.constant 0 : i32
    %dma_wait3A_1280 = arith.constant 15 : i32
    %dma_wait3A_1281 = arith.constant 3 : i32
    %dma_wait3A_1282 = arith.constant 0 : i32
    %dma_wait3A_1283 = arith.constant 0 : i32
    %dma_wait3A_1284 = tpu.memref_slice %arg8[%dma_wait3A_1281, %dma_wait3A_1282, %dma_wait3A_1283] : memref<4x400x64xf32, #tpu.memory_space<vmem>> -> memref<1x400x64xf32, #tpu.memory_space<vmem>>
    %dma_wait3A_1285 = tpu.memref_squeeze %dma_wait3A_1284 : memref<1x400x64xf32, #tpu.memory_space<vmem>> -> memref<400x64xf32, #tpu.memory_space<vmem>>
    %dma_wait3A_1286 = arith.constant 0 : i32
    %dma_wait3A_1287 = tpu.memref_slice %arg7[%dma_wait3A_1279, %dma_wait3A_1280, %dma_wait3A_1286] : memref<1x16x400xi32, #tpu.memory_space<vmem>> -> memref<1x1x400xi32, #tpu.memory_space<vmem>>
    %dma_wait3A_1288 = tpu.memref_squeeze %dma_wait3A_1287 : memref<1x1x400xi32, #tpu.memory_space<vmem>> -> memref<400xi32, #tpu.memory_space<vmem>>
    %dma_wait3A_1289 = arith.constant 0 : i32
    %dma_wait3A_1290 = arith.constant 0 : i32
    %dma_wait3A_1291 = tpu.memref_slice %arg4[%dma_wait3A_1289, %dma_wait3A_1290] : memref<100203x64xf32, #tpu.memory_space<hbm>> -> memref<100203x64xf32, #tpu.memory_space<hbm>>
    tpu.wait_indirect_dma semaphore(%arg16 : memref<!tpu.dma_semaphore, #tpu.memory_space<semaphore_mem>>) src(%dma_wait3A_1291 : memref<100203x64xf32, #tpu.memory_space<hbm>>) dst(%dma_wait3A_1285 : memref<400x64xf32, #tpu.memory_space<vmem>>)
    %add3A_1292 = arith.constant 15 : i32
    %add3A_1293 = arith.addi %mul3A_2, %add3A_1292 : i32
    %mul3A_1294 = arith.constant 400 : i32
    %mul3A_1295 = arith.muli %add3A_1293, %mul3A_1294 : i32
    %dma_start3A_1296 = arith.constant 3 : i32
    %dma_start3A_1297 = arith.constant 0 : i32
    %dma_start3A_1298 = arith.constant 0 : i32
    %dma_start3A_1299 = tpu.memref_slice %arg8[%dma_start3A_1296, %dma_start3A_1297, %dma_start3A_1298] : memref<4x400x64xf32, #tpu.memory_space<vmem>> -> memref<1x400x64xf32, #tpu.memory_space<vmem>>
    %dma_start3A_1300 = tpu.memref_squeeze %dma_start3A_1299 : memref<1x400x64xf32, #tpu.memory_space<vmem>> -> memref<400x64xf32, #tpu.memory_space<vmem>>
    %dma_start3A_1301 = arith.constant 0 : i32
    %dma_start3A_1302 = tpu.memref_slice %arg5[%mul3A_1295, %dma_start3A_1301] : memref<204800x64xf32, #tpu.memory_space<hbm>> -> memref<400x64xf32, #tpu.memory_space<hbm>>
    %dma_start3A_1303 = arith.constant 0 : i32
    %dma_start3A_1304 = tpu.memref_slice %arg5[%mul3A_1295, %dma_start3A_1303] : memref<204800x64xf32, #tpu.memory_space<hbm>> -> memref<400x64xf32, #tpu.memory_space<hbm>>
    %dma_start3A_1305 = arith.constant 0 : i32
    %dma_start3A_1306 = arith.constant 0 : i32
    %dma_start3A_1307 = tpu.memref_slice %arg8[%dma_start3A_1296, %dma_start3A_1305, %dma_start3A_1306] : memref<4x400x64xf32, #tpu.memory_space<vmem>> -> memref<1x400x64xf32, #tpu.memory_space<vmem>>
    %dma_start3A_1308 = tpu.memref_squeeze %dma_start3A_1307 : memref<1x400x64xf32, #tpu.memory_space<vmem>> -> memref<400x64xf32, #tpu.memory_space<vmem>>
    tpu.enqueue_dma source(%dma_start3A_1308 : memref<400x64xf32, #tpu.memory_space<vmem>>) target(%dma_start3A_1304 : memref<400x64xf32, #tpu.memory_space<hbm>>) target_semaphore(%arg20 : memref<!tpu.dma_semaphore, #tpu.memory_space<semaphore_mem>>)
    %add3A_1309 = arith.constant 12 : i32
    %add3A_1310 = arith.addi %mul3A_2, %add3A_1309 : i32
    %mul3A_1311 = arith.constant 400 : i32
    %mul3A_1312 = arith.muli %add3A_1310, %mul3A_1311 : i32
    %dma_wait3A_1313 = arith.constant 0 : i32
    %dma_wait3A_1314 = arith.constant 0 : i32
    %dma_wait3A_1315 = arith.constant 0 : i32
    %dma_wait3A_1316 = tpu.memref_slice %arg8[%dma_wait3A_1313, %dma_wait3A_1314, %dma_wait3A_1315] : memref<4x400x64xf32, #tpu.memory_space<vmem>> -> memref<1x400x64xf32, #tpu.memory_space<vmem>>
    %dma_wait3A_1317 = tpu.memref_squeeze %dma_wait3A_1316 : memref<1x400x64xf32, #tpu.memory_space<vmem>> -> memref<400x64xf32, #tpu.memory_space<vmem>>
    %dma_wait3A_1318 = arith.constant 0 : i32
    %dma_wait3A_1319 = tpu.memref_slice %arg5[%mul3A_1312, %dma_wait3A_1318] : memref<204800x64xf32, #tpu.memory_space<hbm>> -> memref<400x64xf32, #tpu.memory_space<hbm>>
    %dma_wait3A_1320 = arith.constant 0 : i32
    %dma_wait3A_1321 = tpu.memref_slice %arg5[%mul3A_1312, %dma_wait3A_1320] : memref<204800x64xf32, #tpu.memory_space<hbm>> -> memref<400x64xf32, #tpu.memory_space<hbm>>
    %dma_wait3A_1322 = arith.constant 0 : i32
    %dma_wait3A_1323 = arith.constant 0 : i32
    %dma_wait3A_1324 = tpu.memref_slice %arg8[%dma_wait3A_1313, %dma_wait3A_1322, %dma_wait3A_1323] : memref<4x400x64xf32, #tpu.memory_space<vmem>> -> memref<1x400x64xf32, #tpu.memory_space<vmem>>
    %dma_wait3A_1325 = tpu.memref_squeeze %dma_wait3A_1324 : memref<1x400x64xf32, #tpu.memory_space<vmem>> -> memref<400x64xf32, #tpu.memory_space<vmem>>
    tpu.wait_dma2 semaphore(%arg17 : memref<!tpu.dma_semaphore, #tpu.memory_space<semaphore_mem>>) src(%dma_wait3A_1325 : memref<400x64xf32, #tpu.memory_space<vmem>>) dst(%dma_wait3A_1321 : memref<400x64xf32, #tpu.memory_space<hbm>>)
    %add3A_1326 = arith.constant 13 : i32
    %add3A_1327 = arith.addi %mul3A_2, %add3A_1326 : i32
    %mul3A_1328 = arith.constant 400 : i32
    %mul3A_1329 = arith.muli %add3A_1327, %mul3A_1328 : i32
    %dma_wait3A_1330 = arith.constant 1 : i32
    %dma_wait3A_1331 = arith.constant 0 : i32
    %dma_wait3A_1332 = arith.constant 0 : i32
    %dma_wait3A_1333 = tpu.memref_slice %arg8[%dma_wait3A_1330, %dma_wait3A_1331, %dma_wait3A_1332] : memref<4x400x64xf32, #tpu.memory_space<vmem>> -> memref<1x400x64xf32, #tpu.memory_space<vmem>>
    %dma_wait3A_1334 = tpu.memref_squeeze %dma_wait3A_1333 : memref<1x400x64xf32, #tpu.memory_space<vmem>> -> memref<400x64xf32, #tpu.memory_space<vmem>>
    %dma_wait3A_1335 = arith.constant 0 : i32
    %dma_wait3A_1336 = tpu.memref_slice %arg5[%mul3A_1329, %dma_wait3A_1335] : memref<204800x64xf32, #tpu.memory_space<hbm>> -> memref<400x64xf32, #tpu.memory_space<hbm>>
    %dma_wait3A_1337 = arith.constant 0 : i32
    %dma_wait3A_1338 = tpu.memref_slice %arg5[%mul3A_1329, %dma_wait3A_1337] : memref<204800x64xf32, #tpu.memory_space<hbm>> -> memref<400x64xf32, #tpu.memory_space<hbm>>
    %dma_wait3A_1339 = arith.constant 0 : i32
    %dma_wait3A_1340 = arith.constant 0 : i32
    %dma_wait3A_1341 = tpu.memref_slice %arg8[%dma_wait3A_1330, %dma_wait3A_1339, %dma_wait3A_1340] : memref<4x400x64xf32, #tpu.memory_space<vmem>> -> memref<1x400x64xf32, #tpu.memory_space<vmem>>
    %dma_wait3A_1342 = tpu.memref_squeeze %dma_wait3A_1341 : memref<1x400x64xf32, #tpu.memory_space<vmem>> -> memref<400x64xf32, #tpu.memory_space<vmem>>
    tpu.wait_dma2 semaphore(%arg18 : memref<!tpu.dma_semaphore, #tpu.memory_space<semaphore_mem>>) src(%dma_wait3A_1342 : memref<400x64xf32, #tpu.memory_space<vmem>>) dst(%dma_wait3A_1338 : memref<400x64xf32, #tpu.memory_space<hbm>>)
    %add3A_1343 = arith.constant 14 : i32
    %add3A_1344 = arith.addi %mul3A_2, %add3A_1343 : i32
    %mul3A_1345 = arith.constant 400 : i32
    %mul3A_1346 = arith.muli %add3A_1344, %mul3A_1345 : i32
    %dma_wait3A_1347 = arith.constant 2 : i32
    %dma_wait3A_1348 = arith.constant 0 : i32
    %dma_wait3A_1349 = arith.constant 0 : i32
    %dma_wait3A_1350 = tpu.memref_slice %arg8[%dma_wait3A_1347, %dma_wait3A_1348, %dma_wait3A_1349] : memref<4x400x64xf32, #tpu.memory_space<vmem>> -> memref<1x400x64xf32, #tpu.memory_space<vmem>>
    %dma_wait3A_1351 = tpu.memref_squeeze %dma_wait3A_1350 : memref<1x400x64xf32, #tpu.memory_space<vmem>> -> memref<400x64xf32, #tpu.memory_space<vmem>>
    %dma_wait3A_1352 = arith.constant 0 : i32
    %dma_wait3A_1353 = tpu.memref_slice %arg5[%mul3A_1346, %dma_wait3A_1352] : memref<204800x64xf32, #tpu.memory_space<hbm>> -> memref<400x64xf32, #tpu.memory_space<hbm>>
    %dma_wait3A_1354 = arith.constant 0 : i32
    %dma_wait3A_1355 = tpu.memref_slice %arg5[%mul3A_1346, %dma_wait3A_1354] : memref<204800x64xf32, #tpu.memory_space<hbm>> -> memref<400x64xf32, #tpu.memory_space<hbm>>
    %dma_wait3A_1356 = arith.constant 0 : i32
    %dma_wait3A_1357 = arith.constant 0 : i32
    %dma_wait3A_1358 = tpu.memref_slice %arg8[%dma_wait3A_1347, %dma_wait3A_1356, %dma_wait3A_1357] : memref<4x400x64xf32, #tpu.memory_space<vmem>> -> memref<1x400x64xf32, #tpu.memory_space<vmem>>
    %dma_wait3A_1359 = tpu.memref_squeeze %dma_wait3A_1358 : memref<1x400x64xf32, #tpu.memory_space<vmem>> -> memref<400x64xf32, #tpu.memory_space<vmem>>
    tpu.wait_dma2 semaphore(%arg19 : memref<!tpu.dma_semaphore, #tpu.memory_space<semaphore_mem>>) src(%dma_wait3A_1359 : memref<400x64xf32, #tpu.memory_space<vmem>>) dst(%dma_wait3A_1355 : memref<400x64xf32, #tpu.memory_space<hbm>>)
    %add3A_1360 = arith.constant 15 : i32
    %add3A_1361 = arith.addi %mul3A_2, %add3A_1360 : i32
    %mul3A_1362 = arith.constant 400 : i32
    %mul3A_1363 = arith.muli %add3A_1361, %mul3A_1362 : i32
    %dma_wait3A_1364 = arith.constant 3 : i32
    %dma_wait3A_1365 = arith.constant 0 : i32
    %dma_wait3A_1366 = arith.constant 0 : i32
    %dma_wait3A_1367 = tpu.memref_slice %arg8[%dma_wait3A_1364, %dma_wait3A_1365, %dma_wait3A_1366] : memref<4x400x64xf32, #tpu.memory_space<vmem>> -> memref<1x400x64xf32, #tpu.memory_space<vmem>>
    %dma_wait3A_1368 = tpu.memref_squeeze %dma_wait3A_1367 : memref<1x400x64xf32, #tpu.memory_space<vmem>> -> memref<400x64xf32, #tpu.memory_space<vmem>>
    %dma_wait3A_1369 = arith.constant 0 : i32
    %dma_wait3A_1370 = tpu.memref_slice %arg5[%mul3A_1363, %dma_wait3A_1369] : memref<204800x64xf32, #tpu.memory_space<hbm>> -> memref<400x64xf32, #tpu.memory_space<hbm>>
    %dma_wait3A_1371 = arith.constant 0 : i32
    %dma_wait3A_1372 = tpu.memref_slice %arg5[%mul3A_1363, %dma_wait3A_1371] : memref<204800x64xf32, #tpu.memory_space<hbm>> -> memref<400x64xf32, #tpu.memory_space<hbm>>
    %dma_wait3A_1373 = arith.constant 0 : i32
    %dma_wait3A_1374 = arith.constant 0 : i32
    %dma_wait3A_1375 = tpu.memref_slice %arg8[%dma_wait3A_1364, %dma_wait3A_1373, %dma_wait3A_1374] : memref<4x400x64xf32, #tpu.memory_space<vmem>> -> memref<1x400x64xf32, #tpu.memory_space<vmem>>
    %dma_wait3A_1376 = tpu.memref_squeeze %dma_wait3A_1375 : memref<1x400x64xf32, #tpu.memory_space<vmem>> -> memref<400x64xf32, #tpu.memory_space<vmem>>
    tpu.wait_dma2 semaphore(%arg20 : memref<!tpu.dma_semaphore, #tpu.memory_space<semaphore_mem>>) src(%dma_wait3A_1376 : memref<400x64xf32, #tpu.memory_space<vmem>>) dst(%dma_wait3A_1372 : memref<400x64xf32, #tpu.memory_space<hbm>>)
    return
  }
}

</mosaic_0001>

<sc_bundles>
// kernel: kernel.3.cloned.1.call-start
scs
__scs_entry_jumppad:
0x0: {  	(pc) =	sbr.rel $0x88, $3  }
0x1: {  	(tag) =	ssettag $0x0;
	lr =	simm.s32 $0x1  }
0x2: {  	[smem:$0x3F9F] =	sst lr;
	_ =	strace $0xD0000000  }
0x3: {  	_ = 	snop  }
0x4: {  	_ = 	snop  }
0x5: {  	_ = 	snop  }
0x6: {  	_ = 	snop  }
0x7: {  	_ = 	snop  }
__scs_overlays_trampoline_lowered:
0x8: {  	[smem:$0x3FAE] =	sst s0  }
0x9: {  	[smem:$0x3FAF] =	sst s1  }
0xa: {  	[smem:$0x3FB0] =	sst s2  }
0xb: {  	[smem:$0x3FB1] =	sst s3  }
0xc: {  	[smem:$0x3FB2] =	sst s4  }
0xd: {  	[smem:$0x3FB3] =	sst s5  }
0xe: {  	[smem:$0x3FB4] =	sst s6  }
0xf: {  	[smem:$0x3FB5] =	sst s7  }
0x10: {  	[smem:$0x3FB6] =	sst s8  }
0x11: {  	[smem:$0x3FB7] =	sst s9;
	s0 =	simm.s32 @!p0 $0x0  }
0x12: {  	s1 =	sld [smem:$0x3F9D];
	s0 =	simm.s32 @p0 $0x1  }
0x13: {  	[smem:$0x3FB8] =	sst s0;
	s0 =	simm.s32 @!p1 $0x0  }
0x14: {  	s2 =	sld [smem:$0x3F9C];
	s0 =	simm.s32 @p1 $0x1  }
0x15: {  	[smem:$0x3FB9] =	sst s0;
	s0 =	simm.s32 @!p2 $0x0  }
0x16: {  	s3 =	sld [smem:$0x3FDB];
	s0 =	simm.s32 @p2 $0x1  }
0x17: {  	s4 =	simm.s32 $0x1BF5;
	[smem:$0x3FBB] =	sst s0  }
0x18: {  	s0 =	sld [smem:$0x3F9E];
	_ =	swait.ge [sflag:s4], $0x0  }
0x19: {  	s7 =	sld [smem:$0x3F9F]  }
0x1a: {  	s8 =	sadd.s32 $0xFFFFE003, lr  }
0x1b: {  	s9 =	sadd.s32 $0xFFFFFEF7, lr;
	s5 =	simm.s32 $0xFFFFFFFF;
	p2 =	slt.u32 s8, $0xFFFFF086  }
0x1c: {  	p1 =	slt.u32 s9, $0xF7A;
	s5 =	simm.s32 @!p2 $0x0  }
0x1d: {  	s5 =	simm.s32 @p1 $0x1;
	p0 =	seq.s32 s7, s2  }
0x1e: {  	s7 =	smul.u32 @!p0 $0xF7A, s2;
	p2 =	seq.s32 @!p0 s5, $0x0  }
0x1f: {  	s9 =	smul.u32 $0xF7A, s1;
	s8 =	simm.s32 @!p0 $0x1BF5;
	p2 =	por !p2, p0  }
0x20: {  	[sflag:s8] =	ssyncset.s32 @!p0 $0xFFFFF086;
	s6 =	sadd.s32 @!p0 s3, s7;
	s7 =	simm.s32 @!p0 $0x108  }
0x21: {  	s3 =	sadd.s32 s3, s9;
	s6 =	sadd.s32 @!p0 $0x88, s6;
	s7 =	simm.s32 @p2 $0x1082  }
0x22: {  	[simem:s7], [sflag:s8] =	dma.local @!p0 [hbm:s6], $0xF7A  }
0x23: {  	s9 =	sor.u32 $0xD0000000, s2;
	s6 =	simm.s32 $0x108;
	_ =	swait.ge @!p0 [sflag:s8], $0x0  }
0x24: {  	s3 =	sadd.s32 $0x88, s3;
	s6 =	simm.s32 @!p1 $0x1082;
	[sflag:s4] =	ssyncset.s32 $0xFFFFF086  }
0x25: {  	[simem:s6], [sflag:s4] =	dma.local [hbm:s3], $0xF7A  }
0x26: {  	[smem:$0x3F9F] =	sst s1;
	(tag) =	ssettag s2;
	_ =	strace s9  }
0x27: {  	s1 =	sld [smem:$0x3FAF]  }
0x28: {  	s2 =	sld [smem:$0x3FB0]  }
0x29: {  	s4 =	sld [smem:$0x3FB2]  }
0x2a: {  	p0 =	seq.s32 s5, $0x0;
	s5 =	sld [smem:$0x3FB3]  }
0x2b: {  	s6 =	sld [smem:$0x3FB4]  }
0x2c: {  	s7 =	sld [smem:$0x3FB5]  }
0x2d: {  	s3 =	simm.s32 $0x108;
	s8 =	sld [smem:$0x3FB6]  }
0x2e: {  	s3 =	simm.s32 @!p0 $0x1082;
	s9 =	sld [smem:$0x3FB7]  }
0x2f: {  	lr =	sadd.s32 s0, s3;
	s0 =	sld [smem:$0x3FAE]  }
0x30: {  	s3 =	sld [smem:$0x3FB1]  }
0x31: {  	[smem:$0x3FBA] =	sst s10  }
0x32: {  	s10 =	sld [smem:$0x3FB8];
	_ =	sdelay $0x3  }
0x33: {  	p0 =	seq.s32 s10, $0x1;
	s10 =	sld [smem:$0x3FBA];
	_ =	sdelay $0x3  }
0x34: {  	[smem:$0x3FBA] =	sst s10  }
0x35: {  	s10 =	sld [smem:$0x3FB9];
	_ =	sdelay $0x3  }
0x36: {  	p1 =	seq.s32 s10, $0x1;
	s10 =	sld [smem:$0x3FBA];
	_ =	sdelay $0x3  }
0x37: {  	[smem:$0x3FBA] =	sst s10  }
0x38: {  	s10 =	sld [smem:$0x3FBB]  }
0x39: {  	_ = 	snop;
	(pc) =	sbr.ind lr, $3  }
0x3a: {  	_ = 	snop  }
0x3b: {  	_ = 	snop  }
0x3c: {  	p2 =	seq.s32 s10, $0x1;
	s10 =	sld [smem:$0x3FBA]  }
0x3d: {  	_ =	shalt  }
0x3e: {  	_ =	shalt  }
0x3f: {  	_ =	shalt  }
0x40: {  	_ =	shalt  }
0x41: {  	_ =	shalt  }
0x42: {  	_ =	shalt  }
0x43: {  	_ =	shalt  }
0x44: {  	_ =	shalt  }
0x45: {  	_ =	shalt  }
0x46: {  	_ =	shalt  }
0x47: {  	_ =	shalt  }
0x48: {  	_ =	shalt  }
0x49: {  	_ =	shalt  }
0x4a: {  	_ =	shalt  }
0x4b: {  	_ =	shalt  }
0x4c: {  	_ =	shalt  }
0x4d: {  	_ =	shalt  }
0x4e: {  	_ =	shalt  }
0x4f: {  	_ =	shalt  }
0x50: {  	_ =	shalt  }
0x51: {  	_ =	shalt  }
0x52: {  	_ =	shalt  }
0x53: {  	_ =	shalt  }
0x54: {  	_ =	shalt  }
0x55: {  	_ =	shalt  }
0x56: {  	_ =	shalt  }
0x57: {  	_ =	shalt  }
0x58: {  	_ =	shalt  }
0x59: {  	_ =	shalt  }
0x5a: {  	_ =	shalt  }
0x5b: {  	_ =	shalt  }
0x5c: {  	_ =	shalt  }
0x5d: {  	_ =	shalt  }
0x5e: {  	_ =	shalt  }
0x5f: {  	_ =	shalt  }
0x60: {  	_ =	shalt  }
0x61: {  	_ =	shalt  }
0x62: {  	_ =	shalt  }
0x63: {  	_ =	shalt  }
0x64: {  	_ =	shalt  }
0x65: {  	_ =	shalt  }
0x66: {  	_ =	shalt  }
0x67: {  	_ =	shalt  }
0x68: {  	_ =	shalt  }
0x69: {  	_ =	shalt  }
0x6a: {  	_ =	shalt  }
0x6b: {  	_ =	shalt  }
0x6c: {  	_ =	shalt  }
0x6d: {  	_ =	shalt  }
0x6e: {  	_ =	shalt  }
0x6f: {  	_ =	shalt  }
0x70: {  	_ =	shalt  }
0x71: {  	_ =	shalt  }
0x72: {  	_ =	shalt  }
0x73: {  	_ =	shalt  }
0x74: {  	_ =	shalt  }
0x75: {  	_ =	shalt  }
0x76: {  	_ =	shalt  }
0x77: {  	_ =	shalt  }
0x78: {  	_ =	shalt  }
0x79: {  	_ =	shalt  }
0x7a: {  	_ =	shalt  }
0x7b: {  	_ =	shalt  }
0x7c: {  	_ =	shalt  }
0x7d: {  	_ =	shalt  }
0x7e: {  	_ =	shalt  }
0x7f: {  	_ =	shalt  }
0x80: {  	_ =	shalt  }
0x81: {  	_ =	shalt  }
0x82: {  	_ =	shalt  }
0x83: {  	_ =	shalt  }
0x84: {  	_ =	shalt  }
0x85: {  	_ =	shalt  }
0x86: {  	_ =	shalt  }
0x87: {  	_ =	shalt  }
.Lfunc_end0:
.L_simem_size_0:
called_computation.1_lowered:
.L_overlay_start_0:
0x88: {  	s2 =	sld [smem:$0x3FD9]  }
0x89: {  	s3 =	sld [smem:$0x3FFE];
	_ =	sdelay $0x1  }
0x8a: {  	s1 =	srdreg.scid  }
0x8b: {  	s0 =	sand.u32 $0x1, s1  }
0x8c: {  	s14 =	sshll.u32 s0, $0xA;
	s2 =	sadd.s32 s3, s2  }
0x8d: {  	s2 =	sadd.s32 s2, s14  }
0x8e: {  	[smem:$0x3FC6] =	sst s2  }
0x8f: {  	_ = 	snop  }
0x90: {  	s2 =	sld [smem:$0x3FD0];
	_ =	sdelay $0x2  }
0x91: {  	s15 =	simm.s32 $0xA;
	s4 =	simm.s32 $0x10  }
0x92: {  	[smem:s4], [sflag:s15] =	dma.local [hbm:s2], $0x1  }
0x93: {  	_ =	swait.eq [sflag:s15], $0x1  }
0x94: {  	[sflag:s15] =	ssyncset.done $0x0  }
0x95: {  	s16 =	sld [smem:$0x10];
	[sflag:s15] =	ssyncadd.s32 $0xFFFFFFFF  }
0x96: {  	s17 =	sld [smem:$0x11];
	(tm) =	ssettm $0x1  }
0x97: {  	s18 =	sld [smem:$0x3FFB];
	_ =	sdelay $0x3  }
0x98: {  	_ =	strace s18  }
0x99: {  	s4 =	sld [smem:$0x3FFC];
	_ =	sdelay $0x3  }
0x9a: {  	_ =	strace s4  }
0x9b: {  	s4 =	sld [smem:$0x3FFD];
	_ =	sdelay $0x3  }
0x9c: {  	_ =	strace s4  }
0x9d: {  	_ =	strace $0x8FFFFFFF  }
0x9e: {  	s19 =	sld [smem:$0x3FDB];
	_ =	sdelay $0x1  }
0x9f: {  	s5 =	simm.s32 $_scs_section_size  }
0xa0: {  	s6 =	simm.s32 $_size__tile_overlayer_lowered;
	s7 =	simm.s32 $_tile_overlayer_lowered  }
0xa1: {  	s22 =	simm.s32 $0x1BFF;
	s21 =	sshll.u32 s7, $0x1;
	s4 =	sadd.s32 s5, s19  }
0xa2: {  	s8 =	simm.s32 $0x0;
	s20 =	sshll.u32 s6, $0x1;
	s6 =	sadd.s32 s21, s4  }
0xa3: {  	[timem:s8], [sflag:s22] =	dma.local [hbm:s6], s20  }
0xa4: {  	_ =	swait.ge [sflag:s22], s20  }
0xa5: {  	s5 =	ssub.s32 $0x0, s20;
	[sflag:s22] =	ssyncset.done $0x0  }
0xa6: {  	[sflag:s22] =	ssyncadd.s32 s5;
	_ =	sdelay $0x1  }
0xa7: {  	s23 =	simm.s32 $0x1B8B  }
0xa8: {  	_ =	swait.ge [sflag:s23], $0x1  }
0xa9: {  	[sflag:s23] =	ssyncset.done $0x0  }
0xaa: {  	s25 =	simm.s32 $0x1B8E;
	s24 =	sld [smem:$0x3FFE];
	[sflag:s23] =	ssyncadd.s32 $0xFFFFFFFF  }
0xab: {  	s26 =	simm.s32 $execute0_lowered;
	[smem:$0x3FD2] =	sst s25  }
0xac: {  	s6 =	sshll.u32 s26, $0x1;
	_ =	strace $0x80000046;
	[dreg:$0x1] =	wrdreg $0xFFFFFFFF  }
0xad: {  	s28 =	simm.s32 $_size_execute0_lowered;
	s4 =	sadd.s32 s4, s6;
	[dreg:$0x0] =	wrdreg $0x0  }
0xae: {  	s6 =	sshll.u32 s28, $0x1;
	[dreg:$0x2] =	wrdreg s4  }
0xaf: {  	[dreg:$0x3] =	wrdreg s6  }
0xb0: {  	[dreg:$0x4] =	wrdreg $0xC0  }
0xb1: {  	_ =	task [dreg:s8], $0x5FFFF  }
0xb2: {  	[dreg:$0x1] =	wrdreg $0xFFFFFFFF  }
0xb3: {  	[dreg:$0x0] =	wrdreg $0x60  }
0xb4: {  	[dreg:$0x2] =	wrdreg s24  }
0xb5: {  	[dreg:$0x3] =	wrdreg s17  }
0xb6: {  	[dreg:$0x4] =	wrdreg s16  }
0xb7: {  	[dreg:$0x5] =	wrdreg $0x9  }
0xb8: {  	_ =	task.clear_ibuf [dreg:s8], $0x6FFFF;
	_ =	strace $0x90000046  }
0xb9: {  	s29 =	simm.s32 $0x9;
	_ =	strace $0x80000048  }
0xba: {  	_ =	swait.ge [sflag:s29], $0x1  }
0xbb: {  	[sflag:s29] =	ssyncadd.s32 $0xFFFFFFFF  }
0xbc: {  	_ =	strace $0x90000048  }
0xbd: {  	_ =	sfence  }
0xbe: {  	s30 =	sld [smem:$0x0];
	_ =	sdelay $0x2  }
0xbf: {  	s31 =	sshll.u32 s1, $0xD;
	s1 =	sshrl.u32 s1, $0x2  }
0xc0: {  	s3 =	sand.u32 $0x4000, s31;
	s1 =	sadd.s32 s1, s30  }
0xc1: {  	s0 =	sor.u32 s3, s0;
	s1 =	sshll.u32 s1, $0x11  }
0xc2: {  	s0 =	sor.u32 s1, s0  }
0xc3: {  	s0 =	sadd.s32 $0x8F2B, s0  }
0xc4: {  	[sflag:s0] =	ssyncadd.remote.s32 $0x1  }
0xc5: {  	_ =	sfence.sel $0xFFFF  }
0xc6: {  	[dreg:$0x0] =	wrdreg $0xFFFFFFFF;
	(pc) =	sbr.abs _section_cstart, $3  }
0xc7: {  	[dreg:$0x1] =	wrdreg $0xFFFFFFFF  }
0xc8: {  	_ =	task.clear_ibuf [dreg:s8], $0x2FFFF;
	_ =	strace $0x9FFFFFFF  }
0xc9: {  	(tm) =	ssettm $0x7FFFFFFF  }
tec
execute0_lowered:
.L_overlay_start_1:
0x0: {  	(tag) =	ssettag $0x1  }
0x1: {  	s0 =	srdreg.scid  }
0x2: {  	s21 =	stileid.u32;
	s1 =	rddreg [dreg:$0x0]  }
0x3: {  	s2 =	rddreg [dreg:$0x1];
	s0 =	sand.u32 $0x1, s0;
	s3 =	sshll.u32 s21, $0x1  }
0x4: {  	s5 =	rddreg [dreg:$0x2];
	s23 =	simm.s32 $0x320;
	s4 =	sor.u32 s0, s3  }
0x5: {  	s25 =	simm.s32 $0x4B0;
	s3 =	simm.s32 $0x0;
	s6 =	smul.u32 $0x320, s4  }
0x6: {  	s0 =	ssub.s32 $0x2, s0;
	[smem:$0x7FF] =	sst s3;
	s26 =	smul.u32 $0x64000, s4  }
0x7: {  	s4 =	smul.u32 $0xC800, s4;
	_ =	strace $0x80000047;
	[dreg:$0x16] =	wrdreg s23  }
0x8: {  	s24 =	sshrl.u32 s0, $0x1;
	[dreg:$0x17] =	wrdreg s25;
	s23 =	simm.s32 $0x1130  }
0x9: {  	s0 =	ssub.s32 s0, s24;
	s24 =	simm.s32 $0x2710;
	[smem:$0x7FA] =	sst s23  }
0xa: {  	s25 =	simm.s32 $0x12C0;
	[smem:$0x7FB] =	sst s24  }
0xb: {  	s1 =	sadd.s32 s6, s1;
	s4 =	sadd.s32 s5, s4;
	[smem:$0x7FC] =	sst s25  }
0xc: {  	s6 =	sshrl.u32 s26, $0x3;
	s26 =	simm.s32 $0x1A90;
	[dreg:$0x6] =	wrdreg s4  }
0xd: {  	s7 =	sadd.s32 $0x7000, s1;
	[dreg:$0x18] =	wrdreg s26  }
0xe: {  	s1 =	sadd.s32 $0xC00, s1;
	[dreg:$0x4] =	wrdreg s7  }
0xf: {  	s4 =	simm.s32 $0x640;
	[dreg:$0x5] =	wrdreg s1  }
0x10: {  	s6 =	sadd.s32 s5, s6;
	s5 =	simm.s32 $0x1C20;
	[dreg:$0x19] =	wrdreg s4  }
0x11: {  	s26 =	simm.s32 $0x28A0;
	[dreg:$0x1a] =	wrdreg s5  }
0x12: {  	s7 =	sadd.s32 $0xC80, s6;
	[smem:$0x7FD] =	sst s26  }
0x13: {  	s8 =	sadd.s32 $0x1900, s6;
	[dreg:$0x7] =	wrdreg s7  }
0x14: {  	s9 =	sadd.s32 $0x2580, s6;
	[dreg:$0x8] =	wrdreg s8  }
0x15: {  	s10 =	sadd.s32 $0x3200, s6;
	[dreg:$0x9] =	wrdreg s9  }
0x16: {  	s11 =	sadd.s32 $0x3E80, s6;
	[dreg:$0xa] =	wrdreg s10  }
0x17: {  	s12 =	sadd.s32 $0x4B00, s6;
	[dreg:$0xb] =	wrdreg s11  }
0x18: {  	s31 =	simm.s32 $0xD;
	s13 =	sadd.s32 $0x5780, s6;
	[dreg:$0xc] =	wrdreg s12  }
0x19: {  	s30 =	simm.s32 $0x1900;
	s14 =	sadd.s32 $0x6400, s6;
	[dreg:$0xd] =	wrdreg s13  }
0x1a: {  	s29 =	simm.s32 $0x2A30;
	s15 =	sadd.s32 $0x7080, s6;
	[dreg:$0xe] =	wrdreg s14  }
0x1b: {  	p0 =	por $0x0, $0x0;
	s16 =	sadd.s32 $0x7D00, s6;
	[dreg:$0xf] =	wrdreg s15  }
0x1c: {  	s28 =	simm.s32 $0x15E0;
	s17 =	sadd.s32 $0x8980, s6;
	[dreg:$0x10] =	wrdreg s16  }
0x1d: {  	s0 =	smax.u32 s0, $0x1;
	s18 =	sadd.s32 $0x9600, s6;
	[dreg:$0x11] =	wrdreg s17  }
0x1e: {  	s25 =	simm.s32 $0x1770;
	s19 =	sadd.s32 $0xA280, s6;
	[dreg:$0x12] =	wrdreg s18  }
0x1f: {  	s24 =	simm.s32 $0x2D50;
	s20 =	sadd.s32 $0xAF00, s6;
	[dreg:$0x13] =	wrdreg s19  }
0x20: {  	s23 =	simm.s32 $0x2EE0;
	s22 =	sadd.s32 $0xBB80, s6;
	[dreg:$0x14] =	wrdreg s20  }
0x21: {  	p1 =	sne.s32 s0, $0x1;
	s6 =	simm.s32 $0x7D0;
	[dreg:$0x15] =	wrdreg s22  }
0x22: {  	s4 =	simm.s32 $0x190;
	s5 =	simm.s32 $0xFA00;
	[dreg:$0x1b] =	wrdreg s6  }
0x23: {  	s1 =	sadd.s32 $0xFFFFFFFF, s0;
	s7 =	simm.s32 $0x1DB0;
	s0 =	rddreg [dreg:$0x4]  }
0x24: {  	s26 =	simm.s32 $0x2BC0;
	s8 =	simm.s32 $0x960;
	[dreg:$0x1c] =	wrdreg s7  }
0x25: {  	s10 =	simm.s32 $0x3200;
	s9 =	simm.s32 $0x1F40;
	[dreg:$0x1d] =	wrdreg s8  }
0x26: {  	s11 =	simm.s32 $0xAF0;
	s20 =	simm.s32 $0x1;
	[dreg:$0x1e] =	wrdreg s9  }
0x27: {  	s12 =	simm.s32 $0x20D0;
	s19 =	simm.s32 $0x5;
	[dreg:$0x1f] =	wrdreg s11  }
0x28: {  	s13 =	simm.s32 $0xC80;
	s6 =	simm.s32 $0x15E00;
	[smem:$0x7F3] =	sst s12  }
0x29: {  	s14 =	simm.s32 $0x2260;
	s16 =	simm.s32 $0x2;
	[smem:$0x7F4] =	sst s13  }
0x2a: {  	s15 =	simm.s32 $0xE10;
	s17 =	simm.s32 $0x23F0;
	[smem:$0x7F5] =	sst s14  }
0x2b: {  	s18 =	simm.s32 $0xFA0;
	s22 =	simm.s32 $0x2580;
	[smem:$0x7F6] =	sst s15  }
.Ltmp0:
0x2c: {  	s7 =	simm.s32 $0x9600;
	[smem:$0x7F7] =	sst s17;
	(pc) =	sbr.rel @!p1 .LBB2_1-.Ltmp0, $4  }
0x2d: {  	s13 =	simm.s32 $0x6;
	s8 =	simm.s32 $0x9;
	[smem:$0x7F8] =	sst s18  }
0x2e: {  	s17 =	simm.s32 $0x3;
	s14 =	simm.s32 $0x7;
	[smem:$0x7F9] =	sst s22  }
0x2f: {  	s9 =	simm.s32 $0xA;
	s18 =	simm.s32 $0x4;
	s15 =	simm.s32 $0x8  }
0x30: {  	s12 =	simm.s32 $0xB;
	s11 =	simm.s32 $0xC;
	s22 =	simm.s32 $0x3070  }
0x31: {  	[tilespmem:s3], [sflag:$0xD] =	stream.linear.gather [hbm4b:s0+s3], $0x1900, $0x38;
	[tilespmem:$0x1C200] =	vst v63  }
0x32: {  	_ =	swait.ge [sflag:s31], $0x1900  }
0x33: {  	[sflag:s31] =	ssyncset.done $0x0  }
0x34: {  	s21 =	rddreg [dreg:$0x5];
	[sflag:s31] =	ssyncadd.s32 $0xFFFFE700  }
0x35: {  	[tilespmem:s30], [sflag:$0xD] =	stream.linear.gather [hbm4b:s21+s3], $0x1900, $0x38;
	[tilespmem:$0x1C200] =	vst v63  }
0x36: {  	_ =	swait.ge [sflag:s31], $0x1900  }
0x37: {  	[sflag:s31] =	ssyncset.done $0x0  }
0x38: {  	[sflag:s31] =	ssyncadd.s32 $0xFFFFE700  }
0x39: {  	[tilespmem:s10], [sflag:$0x1] =	stream.indirect.gather [hbm4b:s2+s4], $0x40, s3, s4, $0xb8;
	[tilespmem:$0x1C200] =	vst v63  }
0x3a: {  	_ = 	snop  }
0x3b: {  	[tilespmem:s7], [sflag:$0x2] =	stream.indirect.gather [hbm4b:s2+s4], $0x40, s4, s4, $0xb8;
	[tilespmem:$0x1C200] =	vst v63  }
0x3c: {  	s21 =	rddreg [dreg:$0x16]  }
0x3d: {  	[tilespmem:s5], [sflag:$0x3] =	stream.indirect.gather [hbm4b:s2+s4], $0x40, s21, s4, $0xb8;
	[tilespmem:$0x1C200] =	vst v63  }
0x3e: {  	_ =	swait.ge [sflag:s20], $0x6400  }
0x3f: {  	[sflag:s20] =	ssyncset.done $0x0  }
0x40: {  	[sflag:s20] =	ssyncadd.s32 $0xFFFF9C00  }
0x41: {  	[tilespmem:s10], [sflag:$0x5] =	stream.indirect.gather.add.f32 [hbm:s2], $0x40, s30, s4, $0xb8;
	[tilespmem:$0x1C200] =	vst v63  }
0x42: {  	_ =	swait.ge [sflag:s19], $0x6400  }
0x43: {  	[sflag:s19] =	ssyncset.done $0x0  }
0x44: {  	s0 =	rddreg [dreg:$0x6];
	[sflag:s19] =	ssyncadd.s32 $0xFFFF9C00  }
0x45: {  	[hbm4b:s0+s3] =	stream.linear.scatter [tilespmem:s10], [sflag:$0x9], $0x6400, $0x38;
	[tilespmem:$0x1C200] =	vst v63  }
0x46: {  	s21 =	smov.u32 s1;
	s1 =	rddreg [dreg:$0x17]  }
0x47: {  	[tilespmem:s6], [sflag:$0x4] =	stream.indirect.gather [hbm4b:s2+s4], $0x40, s1, s4, $0xb8;
	[tilespmem:$0x1C200] =	vst v63  }
0x48: {  	_ =	swait.ge [sflag:s16], $0x6400  }
0x49: {  	[sflag:s16] =	ssyncset.done $0x0  }
0x4a: {  	s1 =	rddreg [dreg:$0x18];
	[sflag:s16] =	ssyncadd.s32 $0xFFFF9C00  }
0x4b: {  	[tilespmem:s7], [sflag:$0x6] =	stream.indirect.gather.add.f32 [hbm:s2], $0x40, s1, s4, $0xb8;
	[tilespmem:$0x1C200] =	vst v63  }
0x4c: {  	_ =	swait.ge [sflag:s13], $0x6400  }
0x4d: {  	[sflag:s13] =	ssyncset.done $0x0  }
0x4e: {  	s1 =	rddreg [dreg:$0x7];
	[sflag:s13] =	ssyncadd.s32 $0xFFFF9C00  }
0x4f: {  	[hbm4b:s1+s3] =	stream.linear.scatter [tilespmem:s7], [sflag:$0xA], $0x6400, $0x38;
	[tilespmem:$0x1C200] =	vst v63  }
0x50: {  	_ =	swait.ge [sflag:s8], $0x6400  }
0x51: {  	[sflag:s8] =	ssyncset.done $0x0  }
0x52: {  	s1 =	rddreg [dreg:$0x19];
	[sflag:s8] =	ssyncadd.s32 $0xFFFF9C00  }
0x53: {  	[tilespmem:s10], [sflag:$0x1] =	stream.indirect.gather [hbm4b:s2+s4], $0x40, s1, s4, $0xb8;
	[tilespmem:$0x1C200] =	vst v63  }
0x54: {  	_ =	swait.ge [sflag:s17], $0x6400  }
0x55: {  	[sflag:s17] =	ssyncset.done $0x0  }
0x56: {  	s1 =	rddreg [dreg:$0x1a];
	[sflag:s17] =	ssyncadd.s32 $0xFFFF9C00  }
0x57: {  	[tilespmem:s5], [sflag:$0x7] =	stream.indirect.gather.add.f32 [hbm:s2], $0x40, s1, s4, $0xb8;
	[tilespmem:$0x1C200] =	vst v63  }
0x58: {  	_ =	swait.ge [sflag:s14], $0x6400  }
0x59: {  	[sflag:s14] =	ssyncset.done $0x0  }
0x5a: {  	s1 =	rddreg [dreg:$0x8];
	[sflag:s14] =	ssyncadd.s32 $0xFFFF9C00  }
0x5b: {  	[hbm4b:s1+s3] =	stream.linear.scatter [tilespmem:s5], [sflag:$0xB], $0x6400, $0x38;
	[tilespmem:$0x1C200] =	vst v63  }
0x5c: {  	_ =	swait.ge [sflag:s9], $0x6400  }
0x5d: {  	[sflag:s9] =	ssyncset.done $0x0  }
0x5e: {  	s1 =	rddreg [dreg:$0x1b];
	[sflag:s9] =	ssyncadd.s32 $0xFFFF9C00  }
0x5f: {  	[tilespmem:s7], [sflag:$0x2] =	stream.indirect.gather [hbm4b:s2+s4], $0x40, s1, s4, $0xb8;
	[tilespmem:$0x1C200] =	vst v63  }
0x60: {  	_ =	swait.ge [sflag:s18], $0x6400  }
0x61: {  	[sflag:s18] =	ssyncset.done $0x0  }
0x62: {  	s1 =	rddreg [dreg:$0x1c];
	[sflag:s18] =	ssyncadd.s32 $0xFFFF9C00  }
0x63: {  	[tilespmem:s6], [sflag:$0x8] =	stream.indirect.gather.add.f32 [hbm:s2], $0x40, s1, s4, $0xb8;
	[tilespmem:$0x1C200] =	vst v63  }
0x64: {  	_ =	swait.ge [sflag:s15], $0x6400  }
0x65: {  	[sflag:s15] =	ssyncset.done $0x0  }
0x66: {  	s1 =	rddreg [dreg:$0x9];
	[sflag:s15] =	ssyncadd.s32 $0xFFFF9C00  }
0x67: {  	[hbm4b:s1+s3] =	stream.linear.scatter [tilespmem:s6], [sflag:$0xC], $0x6400, $0x38;
	[tilespmem:$0x1C200] =	vst v63  }
0x68: {  	_ =	swait.ge [sflag:s12], $0x6400  }
0x69: {  	[sflag:s12] =	ssyncset.done $0x0  }
0x6a: {  	s1 =	rddreg [dreg:$0x1d];
	[sflag:s12] =	ssyncadd.s32 $0xFFFF9C00  }
0x6b: {  	[tilespmem:s5], [sflag:$0x3] =	stream.indirect.gather [hbm4b:s2+s4], $0x40, s1, s4, $0xb8;
	[tilespmem:$0x1C200] =	vst v63  }
0x6c: {  	_ =	swait.ge [sflag:s20], $0x6400  }
0x6d: {  	[sflag:s20] =	ssyncset.done $0x0  }
0x6e: {  	s1 =	rddreg [dreg:$0x1e];
	[sflag:s20] =	ssyncadd.s32 $0xFFFF9C00  }
0x6f: {  	[tilespmem:s10], [sflag:$0x5] =	stream.indirect.gather.add.f32 [hbm:s2], $0x40, s1, s4, $0xb8;
	[tilespmem:$0x1C200] =	vst v63  }
0x70: {  	_ =	swait.ge [sflag:s19], $0x6400  }
0x71: {  	[sflag:s19] =	ssyncset.done $0x0  }
0x72: {  	s1 =	rddreg [dreg:$0xa];
	[sflag:s19] =	ssyncadd.s32 $0xFFFF9C00  }
0x73: {  	[hbm4b:s1+s3] =	stream.linear.scatter [tilespmem:s10], [sflag:$0x9], $0x6400, $0x38;
	[tilespmem:$0x1C200] =	vst v63  }
0x74: {  	_ =	swait.ge [sflag:s11], $0x6400  }
0x75: {  	[sflag:s11] =	ssyncset.done $0x0  }
0x76: {  	s1 =	rddreg [dreg:$0x1f];
	[sflag:s11] =	ssyncadd.s32 $0xFFFF9C00  }
0x77: {  	[tilespmem:s6], [sflag:$0x4] =	stream.indirect.gather [hbm4b:s2+s4], $0x40, s1, s4, $0xb8;
	[tilespmem:$0x1C200] =	vst v63  }
0x78: {  	_ =	swait.ge [sflag:s16], $0x6400  }
0x79: {  	s1 =	sld [smem:$0x7F3]  }
0x7a: {  	[sflag:s16] =	ssyncset.done $0x0  }
0x7b: {  	[sflag:s16] =	ssyncadd.s32 $0xFFFF9C00  }
0x7c: {  	[tilespmem:s7], [sflag:$0x6] =	stream.indirect.gather.add.f32 [hbm:s2], $0x40, s1, s4, $0xb8;
	[tilespmem:$0x1C200] =	vst v63  }
0x7d: {  	_ =	swait.ge [sflag:s13], $0x6400  }
0x7e: {  	[sflag:s13] =	ssyncset.done $0x0  }
0x7f: {  	s1 =	rddreg [dreg:$0xb];
	[sflag:s13] =	ssyncadd.s32 $0xFFFF9C00  }
0x80: {  	[hbm4b:s1+s3] =	stream.linear.scatter [tilespmem:s7], [sflag:$0xA], $0x6400, $0x38;
	[tilespmem:$0x1C200] =	vst v63  }
0x81: {  	_ =	swait.ge [sflag:s8], $0x6400  }
0x82: {  	s1 =	sld [smem:$0x7F4]  }
0x83: {  	[sflag:s8] =	ssyncset.done $0x0  }
0x84: {  	[sflag:s8] =	ssyncadd.s32 $0xFFFF9C00  }
0x85: {  	[tilespmem:s10], [sflag:$0x1] =	stream.indirect.gather [hbm4b:s2+s4], $0x40, s1, s4, $0xb8;
	[tilespmem:$0x1C200] =	vst v63  }
0x86: {  	_ =	swait.ge [sflag:s17], $0x6400  }
0x87: {  	s1 =	sld [smem:$0x7F5]  }
0x88: {  	[sflag:s17] =	ssyncset.done $0x0  }
0x89: {  	[sflag:s17] =	ssyncadd.s32 $0xFFFF9C00  }
0x8a: {  	[tilespmem:s5], [sflag:$0x7] =	stream.indirect.gather.add.f32 [hbm:s2], $0x40, s1, s4, $0xb8;
	[tilespmem:$0x1C200] =	vst v63  }
0x8b: {  	_ =	swait.ge [sflag:s14], $0x6400  }
0x8c: {  	[sflag:s14] =	ssyncset.done $0x0  }
0x8d: {  	s1 =	rddreg [dreg:$0xc];
	[sflag:s14] =	ssyncadd.s32 $0xFFFF9C00  }
0x8e: {  	[hbm4b:s1+s3] =	stream.linear.scatter [tilespmem:s5], [sflag:$0xB], $0x6400, $0x38;
	[tilespmem:$0x1C200] =	vst v63  }
0x8f: {  	_ =	swait.ge [sflag:s9], $0x6400  }
0x90: {  	s1 =	sld [smem:$0x7F6]  }
0x91: {  	[sflag:s9] =	ssyncset.done $0x0  }
0x92: {  	[sflag:s9] =	ssyncadd.s32 $0xFFFF9C00  }
0x93: {  	[tilespmem:s7], [sflag:$0x2] =	stream.indirect.gather [hbm4b:s2+s4], $0x40, s1, s4, $0xb8;
	[tilespmem:$0x1C200] =	vst v63  }
0x94: {  	_ =	swait.ge [sflag:s18], $0x6400  }
0x95: {  	s1 =	sld [smem:$0x7F7]  }
0x96: {  	[sflag:s18] =	ssyncset.done $0x0  }
0x97: {  	[sflag:s18] =	ssyncadd.s32 $0xFFFF9C00  }
0x98: {  	[tilespmem:s6], [sflag:$0x8] =	stream.indirect.gather.add.f32 [hbm:s2], $0x40, s1, s4, $0xb8;
	[tilespmem:$0x1C200] =	vst v63  }
0x99: {  	_ =	swait.ge [sflag:s15], $0x6400  }
0x9a: {  	[sflag:s15] =	ssyncset.done $0x0  }
0x9b: {  	s1 =	rddreg [dreg:$0xd];
	[sflag:s15] =	ssyncadd.s32 $0xFFFF9C00  }
0x9c: {  	[hbm4b:s1+s3] =	stream.linear.scatter [tilespmem:s6], [sflag:$0xC], $0x6400, $0x38;
	[tilespmem:$0x1C200] =	vst v63  }
0x9d: {  	_ =	swait.ge [sflag:s12], $0x6400  }
0x9e: {  	s1 =	sld [smem:$0x7F8]  }
0x9f: {  	[sflag:s12] =	ssyncset.done $0x0  }
0xa0: {  	[sflag:s12] =	ssyncadd.s32 $0xFFFF9C00  }
0xa1: {  	[tilespmem:s5], [sflag:$0x3] =	stream.indirect.gather [hbm4b:s2+s4], $0x40, s1, s4, $0xb8;
	[tilespmem:$0x1C200] =	vst v63  }
0xa2: {  	_ =	swait.ge [sflag:s20], $0x6400  }
0xa3: {  	s1 =	sld [smem:$0x7F9]  }
0xa4: {  	[sflag:s20] =	ssyncset.done $0x0  }
0xa5: {  	[sflag:s20] =	ssyncadd.s32 $0xFFFF9C00  }
0xa6: {  	[tilespmem:s10], [sflag:$0x5] =	stream.indirect.gather.add.f32 [hbm:s2], $0x40, s1, s4, $0xb8;
	[tilespmem:$0x1C200] =	vst v63  }
0xa7: {  	_ =	swait.ge [sflag:s19], $0x6400  }
0xa8: {  	[sflag:s19] =	ssyncset.done $0x0  }
0xa9: {  	s1 =	rddreg [dreg:$0xe];
	[sflag:s19] =	ssyncadd.s32 $0xFFFF9C00  }
0xaa: {  	[hbm4b:s1+s3] =	stream.linear.scatter [tilespmem:s10], [sflag:$0x9], $0x6400, $0x38;
	[tilespmem:$0x1C200] =	vst v63  }
0xab: {  	_ =	swait.ge [sflag:s11], $0x6400  }
0xac: {  	s1 =	sld [smem:$0x7FA]  }
0xad: {  	[sflag:s11] =	ssyncset.done $0x0  }
0xae: {  	[sflag:s11] =	ssyncadd.s32 $0xFFFF9C00  }
0xaf: {  	[tilespmem:s6], [sflag:$0x4] =	stream.indirect.gather [hbm4b:s2+s4], $0x40, s1, s4, $0xb8;
	[tilespmem:$0x1C200] =	vst v63  }
0xb0: {  	_ =	swait.ge [sflag:s16], $0x6400  }
0xb1: {  	s1 =	sld [smem:$0x7FB]  }
0xb2: {  	[sflag:s16] =	ssyncset.done $0x0  }
0xb3: {  	[sflag:s16] =	ssyncadd.s32 $0xFFFF9C00  }
0xb4: {  	[tilespmem:s7], [sflag:$0x6] =	stream.indirect.gather.add.f32 [hbm:s2], $0x40, s1, s4, $0xb8;
	[tilespmem:$0x1C200] =	vst v63  }
0xb5: {  	_ =	swait.ge [sflag:s13], $0x6400  }
0xb6: {  	[sflag:s13] =	ssyncset.done $0x0  }
0xb7: {  	s1 =	rddreg [dreg:$0xf];
	[sflag:s13] =	ssyncadd.s32 $0xFFFF9C00  }
0xb8: {  	[hbm4b:s1+s3] =	stream.linear.scatter [tilespmem:s7], [sflag:$0xA], $0x6400, $0x38;
	[tilespmem:$0x1C200] =	vst v63  }
0xb9: {  	_ =	swait.ge [sflag:s8], $0x6400  }
0xba: {  	s1 =	sld [smem:$0x7FC]  }
0xbb: {  	[sflag:s8] =	ssyncset.done $0x0  }
0xbc: {  	[sflag:s8] =	ssyncadd.s32 $0xFFFF9C00  }
0xbd: {  	[tilespmem:s10], [sflag:$0x1] =	stream.indirect.gather [hbm4b:s2+s4], $0x40, s1, s4, $0xb8;
	[tilespmem:$0x1C200] =	vst v63  }
0xbe: {  	_ =	swait.ge [sflag:s17], $0x6400  }
0xbf: {  	s1 =	sld [smem:$0x7FD]  }
0xc0: {  	[sflag:s17] =	ssyncset.done $0x0  }
0xc1: {  	[sflag:s17] =	ssyncadd.s32 $0xFFFF9C00  }
0xc2: {  	[tilespmem:s5], [sflag:$0x7] =	stream.indirect.gather.add.f32 [hbm:s2], $0x40, s1, s4, $0xb8;
	[tilespmem:$0x1C200] =	vst v63  }
0xc3: {  	_ =	swait.ge [sflag:s14], $0x6400  }
0xc4: {  	[sflag:s14] =	ssyncset.done $0x0  }
0xc5: {  	s1 =	rddreg [dreg:$0x10];
	[sflag:s14] =	ssyncadd.s32 $0xFFFF9C00  }
0xc6: {  	[hbm4b:s1+s3] =	stream.linear.scatter [tilespmem:s5], [sflag:$0xB], $0x6400, $0x38;
	[tilespmem:$0x1C200] =	vst v63  }
0xc7: {  	_ =	swait.ge [sflag:s9], $0x6400  }
0xc8: {  	[sflag:s9] =	ssyncset.done $0x0  }
0xc9: {  	s1 =	simm.s32 $0x1450;
	[sflag:s9] =	ssyncadd.s32 $0xFFFF9C00  }
0xca: {  	[tilespmem:s7], [sflag:$0x2] =	stream.indirect.gather [hbm4b:s2+s4], $0x40, s1, s4, $0xb8;
	[tilespmem:$0x1C200] =	vst v63  }
0xcb: {  	_ =	swait.ge [sflag:s18], $0x6400  }
0xcc: {  	[sflag:s18] =	ssyncset.done $0x0  }
0xcd: {  	[sflag:s18] =	ssyncadd.s32 $0xFFFF9C00  }
0xce: {  	[tilespmem:s6], [sflag:$0x8] =	stream.indirect.gather.add.f32 [hbm:s2], $0x40, s29, s4, $0xb8;
	[tilespmem:$0x1C200] =	vst v63  }
0xcf: {  	_ =	swait.ge [sflag:s15], $0x6400  }
0xd0: {  	[sflag:s15] =	ssyncset.done $0x0  }
0xd1: {  	s1 =	rddreg [dreg:$0x11];
	[sflag:s15] =	ssyncadd.s32 $0xFFFF9C00  }
0xd2: {  	[hbm4b:s1+s3] =	stream.linear.scatter [tilespmem:s6], [sflag:$0xC], $0x6400, $0x38;
	[tilespmem:$0x1C200] =	vst v63  }
0xd3: {  	_ =	swait.ge [sflag:s12], $0x6400  }
0xd4: {  	[sflag:s12] =	ssyncset.done $0x0  }
0xd5: {  	[sflag:s12] =	ssyncadd.s32 $0xFFFF9C00  }
0xd6: {  	[tilespmem:s5], [sflag:$0x3] =	stream.indirect.gather [hbm4b:s2+s4], $0x40, s28, s4, $0xb8;
	[tilespmem:$0x1C200] =	vst v63  }
0xd7: {  	_ =	swait.ge [sflag:s20], $0x6400  }
0xd8: {  	[sflag:s20] =	ssyncset.done $0x0  }
0xd9: {  	[sflag:s20] =	ssyncadd.s32 $0xFFFF9C00  }
0xda: {  	[tilespmem:s10], [sflag:$0x5] =	stream.indirect.gather.add.f32 [hbm:s2], $0x40, s26, s4, $0xb8;
	[tilespmem:$0x1C200] =	vst v63  }
0xdb: {  	_ =	swait.ge [sflag:s19], $0x6400  }
0xdc: {  	[sflag:s19] =	ssyncset.done $0x0  }
0xdd: {  	s1 =	rddreg [dreg:$0x12];
	[sflag:s19] =	ssyncadd.s32 $0xFFFF9C00  }
0xde: {  	[hbm4b:s1+s3] =	stream.linear.scatter [tilespmem:s10], [sflag:$0x9], $0x6400, $0x38;
	[tilespmem:$0x1C200] =	vst v63  }
0xdf: {  	_ =	swait.ge [sflag:s11], $0x6400  }
0xe0: {  	[sflag:s11] =	ssyncset.done $0x0  }
0xe1: {  	[sflag:s11] =	ssyncadd.s32 $0xFFFF9C00  }
0xe2: {  	[tilespmem:s6], [sflag:$0x4] =	stream.indirect.gather [hbm4b:s2+s4], $0x40, s25, s4, $0xb8;
	[tilespmem:$0x1C200] =	vst v63  }
0xe3: {  	_ =	swait.ge [sflag:s16], $0x6400  }
0xe4: {  	[sflag:s16] =	ssyncset.done $0x0  }
0xe5: {  	[sflag:s16] =	ssyncadd.s32 $0xFFFF9C00  }
0xe6: {  	[tilespmem:s7], [sflag:$0x6] =	stream.indirect.gather.add.f32 [hbm:s2], $0x40, s24, s4, $0xb8;
	[tilespmem:$0x1C200] =	vst v63  }
0xe7: {  	_ =	swait.ge [sflag:s13], $0x6400  }
0xe8: {  	[sflag:s13] =	ssyncset.done $0x0  }
0xe9: {  	s1 =	rddreg [dreg:$0x13];
	[sflag:s13] =	ssyncadd.s32 $0xFFFF9C00  }
0xea: {  	[hbm4b:s1+s3] =	stream.linear.scatter [tilespmem:s7], [sflag:$0xA], $0x6400, $0x38;
	[tilespmem:$0x1C200] =	vst v63  }
0xeb: {  	_ =	swait.ge [sflag:s17], $0x6400  }
0xec: {  	[sflag:s17] =	ssyncset.done $0x0  }
0xed: {  	[sflag:s17] =	ssyncadd.s32 $0xFFFF9C00  }
0xee: {  	[tilespmem:s5], [sflag:$0x7] =	stream.indirect.gather.add.f32 [hbm:s2], $0x40, s23, s4, $0xb8;
	[tilespmem:$0x1C200] =	vst v63  }
0xef: {  	_ =	swait.ge [sflag:s14], $0x6400  }
0xf0: {  	[sflag:s14] =	ssyncset.done $0x0  }
0xf1: {  	s1 =	rddreg [dreg:$0x14];
	[sflag:s14] =	ssyncadd.s32 $0xFFFF9C00  }
0xf2: {  	[hbm4b:s1+s3] =	stream.linear.scatter [tilespmem:s5], [sflag:$0xB], $0x6400, $0x38;
	[tilespmem:$0x1C200] =	vst v63  }
0xf3: {  	_ =	swait.ge [sflag:s18], $0x6400  }
0xf4: {  	[sflag:s18] =	ssyncset.done $0x0  }
0xf5: {  	[sflag:s18] =	ssyncadd.s32 $0xFFFF9C00  }
0xf6: {  	[tilespmem:s6], [sflag:$0x8] =	stream.indirect.gather.add.f32 [hbm:s2], $0x40, s22, s4, $0xb8;
	[tilespmem:$0x1C200] =	vst v63  }
0xf7: {  	_ =	swait.ge [sflag:s15], $0x6400  }
0xf8: {  	[sflag:s15] =	ssyncset.done $0x0  }
0xf9: {  	s1 =	rddreg [dreg:$0x15];
	[sflag:s15] =	ssyncadd.s32 $0xFFFF9C00  }
0xfa: {  	[hbm4b:s1+s3] =	stream.linear.scatter [tilespmem:s6], [sflag:$0xC], $0x6400, $0x38;
	[tilespmem:$0x1C200] =	vst v63  }
0xfb: {  	_ =	swait.ge [sflag:s8], $0x6400  }
0xfc: {  	[sflag:s8] =	ssyncset.done $0x0  }
0xfd: {  	[sflag:s8] =	ssyncadd.s32 $0xFFFF9C00  }
0xfe: {  	_ =	swait.ge [sflag:s9], $0x6400  }
0xff: {  	[sflag:s9] =	ssyncset.done $0x0  }
0x100: {  	p1 =	sne.s32 s21, $0x1;
	[sflag:s9] =	ssyncadd.s32 $0xFFFF9C00  }
.Ltmp1:
0x101: {  	_ =	swait.ge [sflag:s12], $0x6400;
	(pc) =	sbr.rel @!p1 .LBB2_3-.Ltmp1, $4  }
0x102: {  	[sflag:s12] =	ssyncset.done $0x0  }
0x103: {  	[sflag:s12] =	ssyncadd.s32 $0xFFFF9C00  }
0x104: {  	p0 =	por $0x1, $0x1;
	_ =	swait.ge [sflag:s11], $0x6400  }
0x105: {  	s1 =	sadd.s32 $0xFFFFFFFF, s21;
	s0 =	rddreg [dreg:$0x4];
	[sflag:s11] =	ssyncset.done $0x0  }
.LBB2_4:
0x106: {  	[sflag:s11] =	ssyncadd.s32 $0xFFFF9C00  }
0x107: {  	[tilespmem:s3], [sflag:$0xD] =	stream.linear.gather [hbm4b:s0+s3], $0x1900, $0x38;
	[tilespmem:$0x1C200] =	vst v63  }
0x108: {  	_ =	swait.ge [sflag:s31], $0x1900  }
0x109: {  	[sflag:s31] =	ssyncset.done $0x0  }
0x10a: {  	s21 =	rddreg [dreg:$0x5];
	[sflag:s31] =	ssyncadd.s32 $0xFFFFE700  }
0x10b: {  	[tilespmem:s30], [sflag:$0xD] =	stream.linear.gather [hbm4b:s21+s3], $0x1900, $0x38;
	[tilespmem:$0x1C200] =	vst v63  }
0x10c: {  	_ =	swait.ge [sflag:s31], $0x1900  }
0x10d: {  	[sflag:s31] =	ssyncset.done $0x0  }
0x10e: {  	[sflag:s31] =	ssyncadd.s32 $0xFFFFE700  }
0x10f: {  	[tilespmem:s10], [sflag:$0x1] =	stream.indirect.gather [hbm4b:s2+s4], $0x40, s3, s4, $0xb8;
	[tilespmem:$0x1C200] =	vst v63  }
0x110: {  	_ = 	snop  }
0x111: {  	[tilespmem:s7], [sflag:$0x2] =	stream.indirect.gather [hbm4b:s2+s4], $0x40, s4, s4, $0xb8;
	[tilespmem:$0x1C200] =	vst v63  }
0x112: {  	s21 =	rddreg [dreg:$0x16]  }
0x113: {  	[tilespmem:s5], [sflag:$0x3] =	stream.indirect.gather [hbm4b:s2+s4], $0x40, s21, s4, $0xb8;
	[tilespmem:$0x1C200] =	vst v63  }
0x114: {  	_ =	swait.ge [sflag:s20], $0x6400  }
0x115: {  	[sflag:s20] =	ssyncset.done $0x0  }
0x116: {  	[sflag:s20] =	ssyncadd.s32 $0xFFFF9C00  }
0x117: {  	[tilespmem:s10], [sflag:$0x5] =	stream.indirect.gather.add.f32 [hbm:s2], $0x40, s30, s4, $0xb8;
	[tilespmem:$0x1C200] =	vst v63  }
0x118: {  	_ =	swait.ge [sflag:s19], $0x6400  }
0x119: {  	[sflag:s19] =	ssyncset.done $0x0  }
0x11a: {  	s0 =	rddreg [dreg:$0x6];
	[sflag:s19] =	ssyncadd.s32 $0xFFFF9C00  }
0x11b: {  	[hbm4b:s0+s3] =	stream.linear.scatter [tilespmem:s10], [sflag:$0x9], $0x6400, $0x38;
	[tilespmem:$0x1C200] =	vst v63  }
0x11c: {  	s21 =	rddreg [dreg:$0x17]  }
0x11d: {  	[tilespmem:s6], [sflag:$0x4] =	stream.indirect.gather [hbm4b:s2+s4], $0x40, s21, s4, $0xb8;
	[tilespmem:$0x1C200] =	vst v63  }
0x11e: {  	_ =	swait.ge [sflag:s16], $0x6400  }
0x11f: {  	[sflag:s16] =	ssyncset.done $0x0  }
0x120: {  	s21 =	rddreg [dreg:$0x18];
	[sflag:s16] =	ssyncadd.s32 $0xFFFF9C00  }
0x121: {  	[tilespmem:s7], [sflag:$0x6] =	stream.indirect.gather.add.f32 [hbm:s2], $0x40, s21, s4, $0xb8;
	[tilespmem:$0x1C200] =	vst v63  }
0x122: {  	_ =	swait.ge [sflag:s13], $0x6400  }
0x123: {  	[sflag:s13] =	ssyncset.done $0x0  }
0x124: {  	s21 =	rddreg [dreg:$0x7];
	[sflag:s13] =	ssyncadd.s32 $0xFFFF9C00  }
0x125: {  	[hbm4b:s21+s3] =	stream.linear.scatter [tilespmem:s7], [sflag:$0xA], $0x6400, $0x38;
	[tilespmem:$0x1C200] =	vst v63  }
0x126: {  	_ =	swait.ge [sflag:s8], $0x6400  }
0x127: {  	[sflag:s8] =	ssyncset.done $0x0  }
0x128: {  	s21 =	rddreg [dreg:$0x19];
	[sflag:s8] =	ssyncadd.s32 $0xFFFF9C00  }
0x129: {  	[tilespmem:s10], [sflag:$0x1] =	stream.indirect.gather [hbm4b:s2+s4], $0x40, s21, s4, $0xb8;
	[tilespmem:$0x1C200] =	vst v63  }
0x12a: {  	_ =	swait.ge [sflag:s17], $0x6400  }
0x12b: {  	[sflag:s17] =	ssyncset.done $0x0  }
0x12c: {  	s21 =	rddreg [dreg:$0x1a];
	[sflag:s17] =	ssyncadd.s32 $0xFFFF9C00  }
0x12d: {  	[tilespmem:s5], [sflag:$0x7] =	stream.indirect.gather.add.f32 [hbm:s2], $0x40, s21, s4, $0xb8;
	[tilespmem:$0x1C200] =	vst v63  }
0x12e: {  	_ =	swait.ge [sflag:s14], $0x6400  }
0x12f: {  	[sflag:s14] =	ssyncset.done $0x0  }
0x130: {  	s21 =	rddreg [dreg:$0x8];
	[sflag:s14] =	ssyncadd.s32 $0xFFFF9C00  }
0x131: {  	[hbm4b:s21+s3] =	stream.linear.scatter [tilespmem:s5], [sflag:$0xB], $0x6400, $0x38;
	[tilespmem:$0x1C200] =	vst v63  }
0x132: {  	_ =	swait.ge [sflag:s9], $0x6400  }
0x133: {  	[sflag:s9] =	ssyncset.done $0x0  }
0x134: {  	s21 =	rddreg [dreg:$0x1b];
	[sflag:s9] =	ssyncadd.s32 $0xFFFF9C00  }
0x135: {  	[tilespmem:s7], [sflag:$0x2] =	stream.indirect.gather [hbm4b:s2+s4], $0x40, s21, s4, $0xb8;
	[tilespmem:$0x1C200] =	vst v63  }
0x136: {  	_ =	swait.ge [sflag:s18], $0x6400  }
0x137: {  	[sflag:s18] =	ssyncset.done $0x0  }
0x138: {  	s21 =	rddreg [dreg:$0x1c];
	[sflag:s18] =	ssyncadd.s32 $0xFFFF9C00  }
0x139: {  	[tilespmem:s6], [sflag:$0x8] =	stream.indirect.gather.add.f32 [hbm:s2], $0x40, s21, s4, $0xb8;
	[tilespmem:$0x1C200] =	vst v63  }
0x13a: {  	_ =	swait.ge [sflag:s15], $0x6400  }
0x13b: {  	[sflag:s15] =	ssyncset.done $0x0  }
0x13c: {  	s21 =	rddreg [dreg:$0x9];
	[sflag:s15] =	ssyncadd.s32 $0xFFFF9C00  }
0x13d: {  	[hbm4b:s21+s3] =	stream.linear.scatter [tilespmem:s6], [sflag:$0xC], $0x6400, $0x38;
	[tilespmem:$0x1C200] =	vst v63  }
0x13e: {  	_ =	swait.ge [sflag:s12], $0x6400  }
0x13f: {  	[sflag:s12] =	ssyncset.done $0x0  }
0x140: {  	s21 =	rddreg [dreg:$0x1d];
	[sflag:s12] =	ssyncadd.s32 $0xFFFF9C00  }
0x141: {  	[tilespmem:s5], [sflag:$0x3] =	stream.indirect.gather [hbm4b:s2+s4], $0x40, s21, s4, $0xb8;
	[tilespmem:$0x1C200] =	vst v63  }
0x142: {  	_ =	swait.ge [sflag:s20], $0x6400  }
0x143: {  	[sflag:s20] =	ssyncset.done $0x0  }
0x144: {  	s21 =	rddreg [dreg:$0x1e];
	[sflag:s20] =	ssyncadd.s32 $0xFFFF9C00  }
0x145: {  	[tilespmem:s10], [sflag:$0x5] =	stream.indirect.gather.add.f32 [hbm:s2], $0x40, s21, s4, $0xb8;
	[tilespmem:$0x1C200] =	vst v63  }
0x146: {  	_ =	swait.ge [sflag:s19], $0x6400  }
0x147: {  	[sflag:s19] =	ssyncset.done $0x0  }
0x148: {  	s21 =	rddreg [dreg:$0xa];
	[sflag:s19] =	ssyncadd.s32 $0xFFFF9C00  }
0x149: {  	[hbm4b:s21+s3] =	stream.linear.scatter [tilespmem:s10], [sflag:$0x9], $0x6400, $0x38;
	[tilespmem:$0x1C200] =	vst v63  }
0x14a: {  	_ =	swait.ge [sflag:s11], $0x6400  }
0x14b: {  	[sflag:s11] =	ssyncset.done $0x0  }
0x14c: {  	s21 =	rddreg [dreg:$0x1f];
	[sflag:s11] =	ssyncadd.s32 $0xFFFF9C00  }
0x14d: {  	[tilespmem:s6], [sflag:$0x4] =	stream.indirect.gather [hbm4b:s2+s4], $0x40, s21, s4, $0xb8;
	[tilespmem:$0x1C200] =	vst v63  }
0x14e: {  	_ =	swait.ge [sflag:s16], $0x6400  }
0x14f: {  	s21 =	sld [smem:$0x7F3]  }
0x150: {  	[sflag:s16] =	ssyncset.done $0x0  }
0x151: {  	[sflag:s16] =	ssyncadd.s32 $0xFFFF9C00  }
0x152: {  	[tilespmem:s7], [sflag:$0x6] =	stream.indirect.gather.add.f32 [hbm:s2], $0x40, s21, s4, $0xb8;
	[tilespmem:$0x1C200] =	vst v63  }
0x153: {  	_ =	swait.ge [sflag:s13], $0x6400  }
0x154: {  	[sflag:s13] =	ssyncset.done $0x0  }
0x155: {  	s21 =	rddreg [dreg:$0xb];
	[sflag:s13] =	ssyncadd.s32 $0xFFFF9C00  }
0x156: {  	[hbm4b:s21+s3] =	stream.linear.scatter [tilespmem:s7], [sflag:$0xA], $0x6400, $0x38;
	[tilespmem:$0x1C200] =	vst v63  }
0x157: {  	_ =	swait.ge [sflag:s8], $0x6400  }
0x158: {  	s21 =	sld [smem:$0x7F4]  }
0x159: {  	[sflag:s8] =	ssyncset.done $0x0  }
0x15a: {  	[sflag:s8] =	ssyncadd.s32 $0xFFFF9C00  }
0x15b: {  	[tilespmem:s10], [sflag:$0x1] =	stream.indirect.gather [hbm4b:s2+s4], $0x40, s21, s4, $0xb8;
	[tilespmem:$0x1C200] =	vst v63  }
0x15c: {  	_ =	swait.ge [sflag:s17], $0x6400  }
0x15d: {  	s21 =	sld [smem:$0x7F5]  }
0x15e: {  	[sflag:s17] =	ssyncset.done $0x0  }
0x15f: {  	[sflag:s17] =	ssyncadd.s32 $0xFFFF9C00  }
0x160: {  	[tilespmem:s5], [sflag:$0x7] =	stream.indirect.gather.add.f32 [hbm:s2], $0x40, s21, s4, $0xb8;
	[tilespmem:$0x1C200] =	vst v63  }
0x161: {  	_ =	swait.ge [sflag:s14], $0x6400  }
0x162: {  	[sflag:s14] =	ssyncset.done $0x0  }
0x163: {  	s21 =	rddreg [dreg:$0xc];
	[sflag:s14] =	ssyncadd.s32 $0xFFFF9C00  }
0x164: {  	[hbm4b:s21+s3] =	stream.linear.scatter [tilespmem:s5], [sflag:$0xB], $0x6400, $0x38;
	[tilespmem:$0x1C200] =	vst v63  }
0x165: {  	_ =	swait.ge [sflag:s9], $0x6400  }
0x166: {  	s21 =	sld [smem:$0x7F6]  }
0x167: {  	[sflag:s9] =	ssyncset.done $0x0  }
0x168: {  	[sflag:s9] =	ssyncadd.s32 $0xFFFF9C00  }
0x169: {  	[tilespmem:s7], [sflag:$0x2] =	stream.indirect.gather [hbm4b:s2+s4], $0x40, s21, s4, $0xb8;
	[tilespmem:$0x1C200] =	vst v63  }
0x16a: {  	_ =	swait.ge [sflag:s18], $0x6400  }
0x16b: {  	s21 =	sld [smem:$0x7F7]  }
0x16c: {  	[sflag:s18] =	ssyncset.done $0x0  }
0x16d: {  	[sflag:s18] =	ssyncadd.s32 $0xFFFF9C00  }
0x16e: {  	[tilespmem:s6], [sflag:$0x8] =	stream.indirect.gather.add.f32 [hbm:s2], $0x40, s21, s4, $0xb8;
	[tilespmem:$0x1C200] =	vst v63  }
0x16f: {  	_ =	swait.ge [sflag:s15], $0x6400  }
0x170: {  	[sflag:s15] =	ssyncset.done $0x0  }
0x171: {  	s21 =	rddreg [dreg:$0xd];
	[sflag:s15] =	ssyncadd.s32 $0xFFFF9C00  }
0x172: {  	[hbm4b:s21+s3] =	stream.linear.scatter [tilespmem:s6], [sflag:$0xC], $0x6400, $0x38;
	[tilespmem:$0x1C200] =	vst v63  }
0x173: {  	_ =	swait.ge [sflag:s12], $0x6400  }
0x174: {  	s21 =	sld [smem:$0x7F8]  }
0x175: {  	[sflag:s12] =	ssyncset.done $0x0  }
0x176: {  	[sflag:s12] =	ssyncadd.s32 $0xFFFF9C00  }
0x177: {  	[tilespmem:s5], [sflag:$0x3] =	stream.indirect.gather [hbm4b:s2+s4], $0x40, s21, s4, $0xb8;
	[tilespmem:$0x1C200] =	vst v63  }
0x178: {  	_ =	swait.ge [sflag:s20], $0x6400  }
0x179: {  	s21 =	sld [smem:$0x7F9]  }
0x17a: {  	[sflag:s20] =	ssyncset.done $0x0  }
0x17b: {  	[sflag:s20] =	ssyncadd.s32 $0xFFFF9C00  }
0x17c: {  	[tilespmem:s10], [sflag:$0x5] =	stream.indirect.gather.add.f32 [hbm:s2], $0x40, s21, s4, $0xb8;
	[tilespmem:$0x1C200] =	vst v63  }
0x17d: {  	_ =	swait.ge [sflag:s19], $0x6400  }
0x17e: {  	[sflag:s19] =	ssyncset.done $0x0  }
0x17f: {  	s21 =	rddreg [dreg:$0xe];
	[sflag:s19] =	ssyncadd.s32 $0xFFFF9C00  }
0x180: {  	[hbm4b:s21+s3] =	stream.linear.scatter [tilespmem:s10], [sflag:$0x9], $0x6400, $0x38;
	[tilespmem:$0x1C200] =	vst v63  }
0x181: {  	_ =	swait.ge [sflag:s11], $0x6400  }
0x182: {  	s21 =	sld [smem:$0x7FA]  }
0x183: {  	[sflag:s11] =	ssyncset.done $0x0  }
0x184: {  	[sflag:s11] =	ssyncadd.s32 $0xFFFF9C00  }
0x185: {  	[tilespmem:s6], [sflag:$0x4] =	stream.indirect.gather [hbm4b:s2+s4], $0x40, s21, s4, $0xb8;
	[tilespmem:$0x1C200] =	vst v63  }
0x186: {  	_ =	swait.ge [sflag:s16], $0x6400  }
0x187: {  	s21 =	sld [smem:$0x7FB]  }
0x188: {  	[sflag:s16] =	ssyncset.done $0x0  }
0x189: {  	[sflag:s16] =	ssyncadd.s32 $0xFFFF9C00  }
0x18a: {  	[tilespmem:s7], [sflag:$0x6] =	stream.indirect.gather.add.f32 [hbm:s2], $0x40, s21, s4, $0xb8;
	[tilespmem:$0x1C200] =	vst v63  }
0x18b: {  	_ =	swait.ge [sflag:s13], $0x6400  }
0x18c: {  	[sflag:s13] =	ssyncset.done $0x0  }
0x18d: {  	s21 =	rddreg [dreg:$0xf];
	[sflag:s13] =	ssyncadd.s32 $0xFFFF9C00  }
0x18e: {  	[hbm4b:s21+s3] =	stream.linear.scatter [tilespmem:s7], [sflag:$0xA], $0x6400, $0x38;
	[tilespmem:$0x1C200] =	vst v63  }
0x18f: {  	_ =	swait.ge [sflag:s8], $0x6400  }
0x190: {  	s21 =	sld [smem:$0x7FC]  }
0x191: {  	[sflag:s8] =	ssyncset.done $0x0  }
0x192: {  	[sflag:s8] =	ssyncadd.s32 $0xFFFF9C00  }
0x193: {  	[tilespmem:s10], [sflag:$0x1] =	stream.indirect.gather [hbm4b:s2+s4], $0x40, s21, s4, $0xb8;
	[tilespmem:$0x1C200] =	vst v63  }
0x194: {  	_ =	swait.ge [sflag:s17], $0x6400  }
0x195: {  	s21 =	sld [smem:$0x7FD]  }
0x196: {  	[sflag:s17] =	ssyncset.done $0x0  }
0x197: {  	[sflag:s17] =	ssyncadd.s32 $0xFFFF9C00  }
0x198: {  	[tilespmem:s5], [sflag:$0x7] =	stream.indirect.gather.add.f32 [hbm:s2], $0x40, s21, s4, $0xb8;
	[tilespmem:$0x1C200] =	vst v63  }
0x199: {  	_ =	swait.ge [sflag:s14], $0x6400  }
0x19a: {  	[sflag:s14] =	ssyncset.done $0x0  }
0x19b: {  	s21 =	rddreg [dreg:$0x10];
	[sflag:s14] =	ssyncadd.s32 $0xFFFF9C00  }
0x19c: {  	[hbm4b:s21+s3] =	stream.linear.scatter [tilespmem:s5], [sflag:$0xB], $0x6400, $0x38;
	[tilespmem:$0x1C200] =	vst v63  }
0x19d: {  	_ =	swait.ge [sflag:s9], $0x6400  }
0x19e: {  	[sflag:s9] =	ssyncset.done $0x0  }
0x19f: {  	s21 =	simm.s32 $0x1450;
	[sflag:s9] =	ssyncadd.s32 $0xFFFF9C00  }
0x1a0: {  	[tilespmem:s7], [sflag:$0x2] =	stream.indirect.gather [hbm4b:s2+s4], $0x40, s21, s4, $0xb8;
	[tilespmem:$0x1C200] =	vst v63  }
0x1a1: {  	_ =	swait.ge [sflag:s18], $0x6400  }
0x1a2: {  	[sflag:s18] =	ssyncset.done $0x0  }
0x1a3: {  	[sflag:s18] =	ssyncadd.s32 $0xFFFF9C00  }
0x1a4: {  	[tilespmem:s6], [sflag:$0x8] =	stream.indirect.gather.add.f32 [hbm:s2], $0x40, s29, s4, $0xb8;
	[tilespmem:$0x1C200] =	vst v63  }
0x1a5: {  	_ =	swait.ge [sflag:s15], $0x6400  }
0x1a6: {  	[sflag:s15] =	ssyncset.done $0x0  }
0x1a7: {  	s21 =	rddreg [dreg:$0x11];
	[sflag:s15] =	ssyncadd.s32 $0xFFFF9C00  }
0x1a8: {  	[hbm4b:s21+s3] =	stream.linear.scatter [tilespmem:s6], [sflag:$0xC], $0x6400, $0x38;
	[tilespmem:$0x1C200] =	vst v63  }
0x1a9: {  	_ =	swait.ge [sflag:s12], $0x6400  }
0x1aa: {  	[sflag:s12] =	ssyncset.done $0x0  }
0x1ab: {  	[sflag:s12] =	ssyncadd.s32 $0xFFFF9C00  }
0x1ac: {  	[tilespmem:s5], [sflag:$0x3] =	stream.indirect.gather [hbm4b:s2+s4], $0x40, s28, s4, $0xb8;
	[tilespmem:$0x1C200] =	vst v63  }
0x1ad: {  	_ =	swait.ge [sflag:s20], $0x6400  }
0x1ae: {  	[sflag:s20] =	ssyncset.done $0x0  }
0x1af: {  	[sflag:s20] =	ssyncadd.s32 $0xFFFF9C00  }
0x1b0: {  	[tilespmem:s10], [sflag:$0x5] =	stream.indirect.gather.add.f32 [hbm:s2], $0x40, s26, s4, $0xb8;
	[tilespmem:$0x1C200] =	vst v63  }
0x1b1: {  	_ =	swait.ge [sflag:s19], $0x6400  }
0x1b2: {  	[sflag:s19] =	ssyncset.done $0x0  }
0x1b3: {  	s21 =	rddreg [dreg:$0x12];
	[sflag:s19] =	ssyncadd.s32 $0xFFFF9C00  }
0x1b4: {  	[hbm4b:s21+s3] =	stream.linear.scatter [tilespmem:s10], [sflag:$0x9], $0x6400, $0x38;
	[tilespmem:$0x1C200] =	vst v63  }
0x1b5: {  	_ =	swait.ge [sflag:s11], $0x6400  }
0x1b6: {  	[sflag:s11] =	ssyncset.done $0x0  }
0x1b7: {  	[sflag:s11] =	ssyncadd.s32 $0xFFFF9C00  }
0x1b8: {  	[tilespmem:s6], [sflag:$0x4] =	stream.indirect.gather [hbm4b:s2+s4], $0x40, s25, s4, $0xb8;
	[tilespmem:$0x1C200] =	vst v63  }
0x1b9: {  	_ =	swait.ge [sflag:s16], $0x6400  }
0x1ba: {  	[sflag:s16] =	ssyncset.done $0x0  }
0x1bb: {  	[sflag:s16] =	ssyncadd.s32 $0xFFFF9C00  }
0x1bc: {  	[tilespmem:s7], [sflag:$0x6] =	stream.indirect.gather.add.f32 [hbm:s2], $0x40, s24, s4, $0xb8;
	[tilespmem:$0x1C200] =	vst v63  }
0x1bd: {  	_ =	swait.ge [sflag:s13], $0x6400  }
0x1be: {  	[sflag:s13] =	ssyncset.done $0x0  }
0x1bf: {  	s21 =	rddreg [dreg:$0x13];
	[sflag:s13] =	ssyncadd.s32 $0xFFFF9C00  }
0x1c0: {  	[hbm4b:s21+s3] =	stream.linear.scatter [tilespmem:s7], [sflag:$0xA], $0x6400, $0x38;
	[tilespmem:$0x1C200] =	vst v63  }
0x1c1: {  	_ =	swait.ge [sflag:s17], $0x6400  }
0x1c2: {  	[sflag:s17] =	ssyncset.done $0x0  }
0x1c3: {  	[sflag:s17] =	ssyncadd.s32 $0xFFFF9C00  }
0x1c4: {  	[tilespmem:s5], [sflag:$0x7] =	stream.indirect.gather.add.f32 [hbm:s2], $0x40, s23, s4, $0xb8;
	[tilespmem:$0x1C200] =	vst v63  }
0x1c5: {  	_ =	swait.ge [sflag:s14], $0x6400  }
0x1c6: {  	[sflag:s14] =	ssyncset.done $0x0  }
0x1c7: {  	s21 =	rddreg [dreg:$0x14];
	[sflag:s14] =	ssyncadd.s32 $0xFFFF9C00  }
0x1c8: {  	[hbm4b:s21+s3] =	stream.linear.scatter [tilespmem:s5], [sflag:$0xB], $0x6400, $0x38;
	[tilespmem:$0x1C200] =	vst v63  }
0x1c9: {  	_ =	swait.ge [sflag:s18], $0x6400  }
0x1ca: {  	[sflag:s18] =	ssyncset.done $0x0  }
0x1cb: {  	[sflag:s18] =	ssyncadd.s32 $0xFFFF9C00  }
0x1cc: {  	[tilespmem:s6], [sflag:$0x8] =	stream.indirect.gather.add.f32 [hbm:s2], $0x40, s22, s4, $0xb8;
	[tilespmem:$0x1C200] =	vst v63  }
0x1cd: {  	_ =	swait.ge [sflag:s15], $0x6400  }
0x1ce: {  	[sflag:s15] =	ssyncset.done $0x0  }
0x1cf: {  	s21 =	rddreg [dreg:$0x15];
	[sflag:s15] =	ssyncadd.s32 $0xFFFF9C00  }
0x1d0: {  	[hbm4b:s21+s3] =	stream.linear.scatter [tilespmem:s6], [sflag:$0xC], $0x6400, $0x38;
	[tilespmem:$0x1C200] =	vst v63  }
0x1d1: {  	_ =	swait.ge [sflag:s8], $0x6400  }
0x1d2: {  	[sflag:s8] =	ssyncset.done $0x0  }
0x1d3: {  	[sflag:s8] =	ssyncadd.s32 $0xFFFF9C00  }
0x1d4: {  	_ =	swait.ge [sflag:s9], $0x6400  }
0x1d5: {  	[sflag:s9] =	ssyncset.done $0x0  }
0x1d6: {  	p1 =	sne.s32 s1, $0x1;
	[sflag:s9] =	ssyncadd.s32 $0xFFFF9C00  }
.Ltmp2:
0x1d7: {  	_ =	swait.ge [sflag:s12], $0x6400;
	(pc) =	sbr.rel @p1 .LBB2_4-.Ltmp2, $4  }
0x1d8: {  	[sflag:s12] =	ssyncset.done $0x0  }
0x1d9: {  	[sflag:s12] =	ssyncadd.s32 $0xFFFF9C00  }
0x1da: {  	_ =	swait.ge [sflag:s11], $0x6400  }
0x1db: {  	s1 =	sadd.s32 $0xFFFFFFFF, s1;
	s0 =	rddreg [dreg:$0x4];
	[sflag:s11] =	ssyncset.done $0x0  }
0x1dc: {  	s22 =	simm.s32 $0x1450;
	s29 =	simm.s32 $0x2A30  }
0x1dd: {  	s28 =	simm.s32 $0x15E0;
	s26 =	simm.s32 $0x2BC0;
	s25 =	simm.s32 $0x1770  }
0x1de: {  	s24 =	simm.s32 $0x2D50;
	s23 =	simm.s32 $0x2EE0;
	s21 =	stileid.u32  }
.LBB2_6:
0x1df: {  	[sflag:s11] =	ssyncadd.s32 @p0 $0xFFFF9C00  }
0x1e0: {  	[tilespmem:s3], [sflag:$0xD] =	stream.linear.gather [hbm4b:s0+s3], $0x1900, $0x38;
	[tilespmem:$0x1C200] =	vst v63  }
0x1e1: {  	_ =	swait.ge [sflag:s31], $0x1900  }
0x1e2: {  	[sflag:s31] =	ssyncset.done $0x0  }
0x1e3: {  	s1 =	rddreg [dreg:$0x5];
	[sflag:s31] =	ssyncadd.s32 $0xFFFFE700  }
0x1e4: {  	[tilespmem:s30], [sflag:$0xD] =	stream.linear.gather [hbm4b:s1+s3], $0x1900, $0x38;
	[tilespmem:$0x1C200] =	vst v63  }
0x1e5: {  	_ =	swait.ge [sflag:s31], $0x1900  }
0x1e6: {  	[sflag:s31] =	ssyncset.done $0x0  }
0x1e7: {  	[sflag:s31] =	ssyncadd.s32 $0xFFFFE700  }
0x1e8: {  	[tilespmem:s10], [sflag:$0x1] =	stream.indirect.gather [hbm4b:s2+s4], $0x40, s3, s4, $0xb8;
	[tilespmem:$0x1C200] =	vst v63  }
0x1e9: {  	_ = 	snop  }
0x1ea: {  	[tilespmem:s7], [sflag:$0x2] =	stream.indirect.gather [hbm4b:s2+s4], $0x40, s4, s4, $0xb8;
	[tilespmem:$0x1C200] =	vst v63  }
0x1eb: {  	s1 =	rddreg [dreg:$0x16]  }
0x1ec: {  	[tilespmem:s5], [sflag:$0x3] =	stream.indirect.gather [hbm4b:s2+s4], $0x40, s1, s4, $0xb8;
	[tilespmem:$0x1C200] =	vst v63  }
0x1ed: {  	_ =	swait.ge [sflag:s20], $0x6400  }
0x1ee: {  	[sflag:s20] =	ssyncset.done $0x0  }
0x1ef: {  	[sflag:s20] =	ssyncadd.s32 $0xFFFF9C00  }
0x1f0: {  	[tilespmem:s10], [sflag:$0x5] =	stream.indirect.gather.add.f32 [hbm:s2], $0x40, s30, s4, $0xb8;
	[tilespmem:$0x1C200] =	vst v63  }
0x1f1: {  	_ =	swait.ge [sflag:s19], $0x6400  }
0x1f2: {  	[sflag:s19] =	ssyncset.done $0x0  }
0x1f3: {  	s30 =	rddreg [dreg:$0x6];
	[sflag:s19] =	ssyncadd.s32 $0xFFFF9C00  }
0x1f4: {  	[hbm4b:s30+s3] =	stream.linear.scatter [tilespmem:s10], [sflag:$0x9], $0x6400, $0x38;
	[tilespmem:$0x1C200] =	vst v63  }
0x1f5: {  	s1 =	rddreg [dreg:$0x17]  }
0x1f6: {  	[tilespmem:s6], [sflag:$0x4] =	stream.indirect.gather [hbm4b:s2+s4], $0x40, s1, s4, $0xb8;
	[tilespmem:$0x1C200] =	vst v63  }
0x1f7: {  	_ =	swait.ge [sflag:s16], $0x6400  }
0x1f8: {  	[sflag:s16] =	ssyncset.done $0x0  }
0x1f9: {  	s31 =	rddreg [dreg:$0x18];
	[sflag:s16] =	ssyncadd.s32 $0xFFFF9C00  }
0x1fa: {  	[tilespmem:s7], [sflag:$0x6] =	stream.indirect.gather.add.f32 [hbm:s2], $0x40, s31, s4, $0xb8;
	[tilespmem:$0x1C200] =	vst v63  }
0x1fb: {  	_ =	swait.ge [sflag:s13], $0x6400  }
0x1fc: {  	[sflag:s13] =	ssyncset.done $0x0  }
0x1fd: {  	s1 =	rddreg [dreg:$0x7];
	[sflag:s13] =	ssyncadd.s32 $0xFFFF9C00  }
0x1fe: {  	[hbm4b:s1+s3] =	stream.linear.scatter [tilespmem:s7], [sflag:$0xA], $0x6400, $0x38;
	[tilespmem:$0x1C200] =	vst v63  }
0x1ff: {  	_ =	swait.ge [sflag:s8], $0x6400  }
0x200: {  	[sflag:s8] =	ssyncset.done $0x0  }
0x201: {  	s30 =	rddreg [dreg:$0x19];
	[sflag:s8] =	ssyncadd.s32 $0xFFFF9C00  }
0x202: {  	[tilespmem:s10], [sflag:$0x1] =	stream.indirect.gather [hbm4b:s2+s4], $0x40, s30, s4, $0xb8;
	[tilespmem:$0x1C200] =	vst v63  }
0x203: {  	_ =	swait.ge [sflag:s17], $0x6400  }
0x204: {  	[sflag:s17] =	ssyncset.done $0x0  }
0x205: {  	s31 =	rddreg [dreg:$0x1a];
	[sflag:s17] =	ssyncadd.s32 $0xFFFF9C00  }
0x206: {  	[tilespmem:s5], [sflag:$0x7] =	stream.indirect.gather.add.f32 [hbm:s2], $0x40, s31, s4, $0xb8;
	[tilespmem:$0x1C200] =	vst v63  }
0x207: {  	_ =	swait.ge [sflag:s14], $0x6400  }
0x208: {  	[sflag:s14] =	ssyncset.done $0x0  }
0x209: {  	s1 =	rddreg [dreg:$0x8];
	[sflag:s14] =	ssyncadd.s32 $0xFFFF9C00  }
0x20a: {  	[hbm4b:s1+s3] =	stream.linear.scatter [tilespmem:s5], [sflag:$0xB], $0x6400, $0x38;
	[tilespmem:$0x1C200] =	vst v63  }
0x20b: {  	_ =	swait.ge [sflag:s9], $0x6400  }
0x20c: {  	[sflag:s9] =	ssyncset.done $0x0  }
0x20d: {  	s30 =	rddreg [dreg:$0x1b];
	[sflag:s9] =	ssyncadd.s32 $0xFFFF9C00  }
0x20e: {  	[tilespmem:s7], [sflag:$0x2] =	stream.indirect.gather [hbm4b:s2+s4], $0x40, s30, s4, $0xb8;
	[tilespmem:$0x1C200] =	vst v63  }
0x20f: {  	_ =	swait.ge [sflag:s18], $0x6400  }
0x210: {  	[sflag:s18] =	ssyncset.done $0x0  }
0x211: {  	s31 =	rddreg [dreg:$0x1c];
	[sflag:s18] =	ssyncadd.s32 $0xFFFF9C00  }
0x212: {  	[tilespmem:s6], [sflag:$0x8] =	stream.indirect.gather.add.f32 [hbm:s2], $0x40, s31, s4, $0xb8;
	[tilespmem:$0x1C200] =	vst v63  }
0x213: {  	_ =	swait.ge [sflag:s15], $0x6400  }
0x214: {  	[sflag:s15] =	ssyncset.done $0x0  }
0x215: {  	s1 =	rddreg [dreg:$0x9];
	[sflag:s15] =	ssyncadd.s32 $0xFFFF9C00  }
0x216: {  	[hbm4b:s1+s3] =	stream.linear.scatter [tilespmem:s6], [sflag:$0xC], $0x6400, $0x38;
	[tilespmem:$0x1C200] =	vst v63  }
0x217: {  	_ =	swait.ge [sflag:s12], $0x6400  }
0x218: {  	[sflag:s12] =	ssyncset.done $0x0  }
0x219: {  	s30 =	rddreg [dreg:$0x1d];
	[sflag:s12] =	ssyncadd.s32 $0xFFFF9C00  }
0x21a: {  	[tilespmem:s5], [sflag:$0x3] =	stream.indirect.gather [hbm4b:s2+s4], $0x40, s30, s4, $0xb8;
	[tilespmem:$0x1C200] =	vst v63  }
0x21b: {  	_ =	swait.ge [sflag:s20], $0x6400  }
0x21c: {  	[sflag:s20] =	ssyncset.done $0x0  }
0x21d: {  	s31 =	rddreg [dreg:$0x1e];
	[sflag:s20] =	ssyncadd.s32 $0xFFFF9C00  }
0x21e: {  	[tilespmem:s10], [sflag:$0x5] =	stream.indirect.gather.add.f32 [hbm:s2], $0x40, s31, s4, $0xb8;
	[tilespmem:$0x1C200] =	vst v63  }
0x21f: {  	_ =	swait.ge [sflag:s19], $0x6400  }
0x220: {  	[sflag:s19] =	ssyncset.done $0x0  }
0x221: {  	s1 =	rddreg [dreg:$0xa];
	[sflag:s19] =	ssyncadd.s32 $0xFFFF9C00  }
0x222: {  	[hbm4b:s1+s3] =	stream.linear.scatter [tilespmem:s10], [sflag:$0x9], $0x6400, $0x38;
	[tilespmem:$0x1C200] =	vst v63  }
0x223: {  	_ =	swait.ge [sflag:s11], $0x6400  }
0x224: {  	[sflag:s11] =	ssyncset.done $0x0  }
0x225: {  	s30 =	rddreg [dreg:$0x1f];
	[sflag:s11] =	ssyncadd.s32 $0xFFFF9C00  }
0x226: {  	[tilespmem:s6], [sflag:$0x4] =	stream.indirect.gather [hbm4b:s2+s4], $0x40, s30, s4, $0xb8;
	[tilespmem:$0x1C200] =	vst v63  }
0x227: {  	_ =	swait.ge [sflag:s16], $0x6400  }
0x228: {  	s31 =	sld [smem:$0x7F3]  }
0x229: {  	[sflag:s16] =	ssyncset.done $0x0  }
0x22a: {  	[sflag:s16] =	ssyncadd.s32 $0xFFFF9C00  }
0x22b: {  	[tilespmem:s7], [sflag:$0x6] =	stream.indirect.gather.add.f32 [hbm:s2], $0x40, s31, s4, $0xb8;
	[tilespmem:$0x1C200] =	vst v63  }
0x22c: {  	_ =	swait.ge [sflag:s13], $0x6400  }
0x22d: {  	[sflag:s13] =	ssyncset.done $0x0  }
0x22e: {  	s1 =	rddreg [dreg:$0xb];
	[sflag:s13] =	ssyncadd.s32 $0xFFFF9C00  }
0x22f: {  	[hbm4b:s1+s3] =	stream.linear.scatter [tilespmem:s7], [sflag:$0xA], $0x6400, $0x38;
	[tilespmem:$0x1C200] =	vst v63  }
0x230: {  	_ =	swait.ge [sflag:s8], $0x6400  }
0x231: {  	s30 =	sld [smem:$0x7F4]  }
0x232: {  	[sflag:s8] =	ssyncset.done $0x0  }
0x233: {  	[sflag:s8] =	ssyncadd.s32 $0xFFFF9C00  }
0x234: {  	[tilespmem:s10], [sflag:$0x1] =	stream.indirect.gather [hbm4b:s2+s4], $0x40, s30, s4, $0xb8;
	[tilespmem:$0x1C200] =	vst v63  }
0x235: {  	_ =	swait.ge [sflag:s17], $0x6400  }
0x236: {  	s31 =	sld [smem:$0x7F5]  }
0x237: {  	[sflag:s17] =	ssyncset.done $0x0  }
0x238: {  	[sflag:s17] =	ssyncadd.s32 $0xFFFF9C00  }
0x239: {  	[tilespmem:s5], [sflag:$0x7] =	stream.indirect.gather.add.f32 [hbm:s2], $0x40, s31, s4, $0xb8;
	[tilespmem:$0x1C200] =	vst v63  }
0x23a: {  	_ =	swait.ge [sflag:s14], $0x6400  }
0x23b: {  	[sflag:s14] =	ssyncset.done $0x0  }
0x23c: {  	s1 =	rddreg [dreg:$0xc];
	[sflag:s14] =	ssyncadd.s32 $0xFFFF9C00  }
0x23d: {  	[hbm4b:s1+s3] =	stream.linear.scatter [tilespmem:s5], [sflag:$0xB], $0x6400, $0x38;
	[tilespmem:$0x1C200] =	vst v63  }
0x23e: {  	_ =	swait.ge [sflag:s9], $0x6400  }
0x23f: {  	s30 =	sld [smem:$0x7F6]  }
0x240: {  	[sflag:s9] =	ssyncset.done $0x0  }
0x241: {  	[sflag:s9] =	ssyncadd.s32 $0xFFFF9C00  }
0x242: {  	[tilespmem:s7], [sflag:$0x2] =	stream.indirect.gather [hbm4b:s2+s4], $0x40, s30, s4, $0xb8;
	[tilespmem:$0x1C200] =	vst v63  }
0x243: {  	_ =	swait.ge [sflag:s18], $0x6400  }
0x244: {  	s31 =	sld [smem:$0x7F7]  }
0x245: {  	[sflag:s18] =	ssyncset.done $0x0  }
0x246: {  	[sflag:s18] =	ssyncadd.s32 $0xFFFF9C00  }
0x247: {  	[tilespmem:s6], [sflag:$0x8] =	stream.indirect.gather.add.f32 [hbm:s2], $0x40, s31, s4, $0xb8;
	[tilespmem:$0x1C200] =	vst v63  }
0x248: {  	_ =	swait.ge [sflag:s15], $0x6400  }
0x249: {  	[sflag:s15] =	ssyncset.done $0x0  }
0x24a: {  	s1 =	rddreg [dreg:$0xd];
	[sflag:s15] =	ssyncadd.s32 $0xFFFF9C00  }
0x24b: {  	[hbm4b:s1+s3] =	stream.linear.scatter [tilespmem:s6], [sflag:$0xC], $0x6400, $0x38;
	[tilespmem:$0x1C200] =	vst v63  }
0x24c: {  	_ =	swait.ge [sflag:s12], $0x6400  }
0x24d: {  	s30 =	sld [smem:$0x7F8]  }
0x24e: {  	[sflag:s12] =	ssyncset.done $0x0  }
0x24f: {  	[sflag:s12] =	ssyncadd.s32 $0xFFFF9C00  }
0x250: {  	[tilespmem:s5], [sflag:$0x3] =	stream.indirect.gather [hbm4b:s2+s4], $0x40, s30, s4, $0xb8;
	[tilespmem:$0x1C200] =	vst v63  }
0x251: {  	_ =	swait.ge [sflag:s20], $0x6400  }
0x252: {  	s31 =	sld [smem:$0x7F9]  }
0x253: {  	[sflag:s20] =	ssyncset.done $0x0  }
0x254: {  	[sflag:s20] =	ssyncadd.s32 $0xFFFF9C00  }
0x255: {  	[tilespmem:s10], [sflag:$0x5] =	stream.indirect.gather.add.f32 [hbm:s2], $0x40, s31, s4, $0xb8;
	[tilespmem:$0x1C200] =	vst v63  }
0x256: {  	_ =	swait.ge [sflag:s19], $0x6400  }
0x257: {  	[sflag:s19] =	ssyncset.done $0x0  }
0x258: {  	s1 =	rddreg [dreg:$0xe];
	[sflag:s19] =	ssyncadd.s32 $0xFFFF9C00  }
0x259: {  	[hbm4b:s1+s3] =	stream.linear.scatter [tilespmem:s10], [sflag:$0x9], $0x6400, $0x38;
	[tilespmem:$0x1C200] =	vst v63  }
0x25a: {  	_ =	swait.ge [sflag:s11], $0x6400  }
0x25b: {  	s30 =	sld [smem:$0x7FA]  }
0x25c: {  	[sflag:s11] =	ssyncset.done $0x0  }
0x25d: {  	[sflag:s11] =	ssyncadd.s32 $0xFFFF9C00  }
0x25e: {  	[tilespmem:s6], [sflag:$0x4] =	stream.indirect.gather [hbm4b:s2+s4], $0x40, s30, s4, $0xb8;
	[tilespmem:$0x1C200] =	vst v63  }
0x25f: {  	_ =	swait.ge [sflag:s16], $0x6400  }
0x260: {  	s31 =	sld [smem:$0x7FB]  }
0x261: {  	[sflag:s16] =	ssyncset.done $0x0  }
0x262: {  	[sflag:s16] =	ssyncadd.s32 $0xFFFF9C00  }
0x263: {  	[tilespmem:s7], [sflag:$0x6] =	stream.indirect.gather.add.f32 [hbm:s2], $0x40, s31, s4, $0xb8;
	[tilespmem:$0x1C200] =	vst v63  }
0x264: {  	_ =	swait.ge [sflag:s13], $0x6400  }
0x265: {  	[sflag:s13] =	ssyncset.done $0x0  }
0x266: {  	s1 =	rddreg [dreg:$0xf];
	[sflag:s13] =	ssyncadd.s32 $0xFFFF9C00  }
0x267: {  	[hbm4b:s1+s3] =	stream.linear.scatter [tilespmem:s7], [sflag:$0xA], $0x6400, $0x38;
	[tilespmem:$0x1C200] =	vst v63  }
0x268: {  	_ =	swait.ge [sflag:s8], $0x6400  }
0x269: {  	s30 =	sld [smem:$0x7FC]  }
0x26a: {  	[sflag:s8] =	ssyncset.done $0x0  }
0x26b: {  	[sflag:s8] =	ssyncadd.s32 $0xFFFF9C00  }
0x26c: {  	[tilespmem:s10], [sflag:$0x1] =	stream.indirect.gather [hbm4b:s2+s4], $0x40, s30, s4, $0xb8;
	[tilespmem:$0x1C200] =	vst v63  }
0x26d: {  	_ =	swait.ge [sflag:s17], $0x6400  }
0x26e: {  	s31 =	sld [smem:$0x7FD]  }
0x26f: {  	[sflag:s17] =	ssyncset.done $0x0  }
0x270: {  	[sflag:s17] =	ssyncadd.s32 $0xFFFF9C00  }
0x271: {  	[tilespmem:s5], [sflag:$0x7] =	stream.indirect.gather.add.f32 [hbm:s2], $0x40, s31, s4, $0xb8;
	[tilespmem:$0x1C200] =	vst v63  }
0x272: {  	_ =	swait.ge [sflag:s14], $0x6400  }
0x273: {  	[sflag:s14] =	ssyncset.done $0x0  }
0x274: {  	s1 =	rddreg [dreg:$0x10];
	[sflag:s14] =	ssyncadd.s32 $0xFFFF9C00  }
0x275: {  	[hbm4b:s1+s3] =	stream.linear.scatter [tilespmem:s5], [sflag:$0xB], $0x6400, $0x38;
	[tilespmem:$0x1C200] =	vst v63  }
0x276: {  	_ =	swait.ge [sflag:s9], $0x6400  }
0x277: {  	[sflag:s9] =	ssyncset.done $0x0  }
0x278: {  	[sflag:s9] =	ssyncadd.s32 $0xFFFF9C00  }
0x279: {  	[tilespmem:s7], [sflag:$0x2] =	stream.indirect.gather [hbm4b:s2+s4], $0x40, s22, s4, $0xb8;
	[tilespmem:$0x1C200] =	vst v63  }
0x27a: {  	_ =	swait.ge [sflag:s18], $0x6400  }
0x27b: {  	[sflag:s18] =	ssyncset.done $0x0  }
0x27c: {  	[sflag:s18] =	ssyncadd.s32 $0xFFFF9C00  }
0x27d: {  	[tilespmem:s6], [sflag:$0x8] =	stream.indirect.gather.add.f32 [hbm:s2], $0x40, s29, s4, $0xb8;
	[tilespmem:$0x1C200] =	vst v63  }
0x27e: {  	_ =	swait.ge [sflag:s15], $0x6400  }
0x27f: {  	[sflag:s15] =	ssyncset.done $0x0  }
0x280: {  	s22 =	rddreg [dreg:$0x11];
	[sflag:s15] =	ssyncadd.s32 $0xFFFF9C00  }
0x281: {  	[hbm4b:s22+s3] =	stream.linear.scatter [tilespmem:s6], [sflag:$0xC], $0x6400, $0x38;
	[tilespmem:$0x1C200] =	vst v63  }
0x282: {  	_ =	swait.ge [sflag:s12], $0x6400  }
0x283: {  	[sflag:s12] =	ssyncset.done $0x0  }
0x284: {  	[sflag:s12] =	ssyncadd.s32 $0xFFFF9C00  }
0x285: {  	[tilespmem:s5], [sflag:$0x3] =	stream.indirect.gather [hbm4b:s2+s4], $0x40, s28, s4, $0xb8;
	[tilespmem:$0x1C200] =	vst v63  }
0x286: {  	_ =	swait.ge [sflag:s20], $0x6400  }
0x287: {  	[sflag:s20] =	ssyncset.done $0x0  }
0x288: {  	[sflag:s20] =	ssyncadd.s32 $0xFFFF9C00  }
0x289: {  	[tilespmem:s10], [sflag:$0x5] =	stream.indirect.gather.add.f32 [hbm:s2], $0x40, s26, s4, $0xb8;
	[tilespmem:$0x1C200] =	vst v63  }
0x28a: {  	_ =	swait.ge [sflag:s19], $0x6400  }
0x28b: {  	[sflag:s19] =	ssyncset.done $0x0  }
0x28c: {  	s26 =	rddreg [dreg:$0x12];
	[sflag:s19] =	ssyncadd.s32 $0xFFFF9C00  }
0x28d: {  	[hbm4b:s26+s3] =	stream.linear.scatter [tilespmem:s10], [sflag:$0x9], $0x6400, $0x38;
	[tilespmem:$0x1C200] =	vst v63  }
0x28e: {  	_ =	swait.ge [sflag:s11], $0x6400  }
0x28f: {  	[sflag:s11] =	ssyncset.done $0x0  }
0x290: {  	[sflag:s11] =	ssyncadd.s32 $0xFFFF9C00  }
0x291: {  	[tilespmem:s6], [sflag:$0x4] =	stream.indirect.gather [hbm4b:s2+s4], $0x40, s25, s4, $0xb8;
	[tilespmem:$0x1C200] =	vst v63  }
0x292: {  	_ =	swait.ge [sflag:s16], $0x6400  }
0x293: {  	[sflag:s16] =	ssyncset.done $0x0  }
0x294: {  	[sflag:s16] =	ssyncadd.s32 $0xFFFF9C00  }
0x295: {  	[tilespmem:s7], [sflag:$0x6] =	stream.indirect.gather.add.f32 [hbm:s2], $0x40, s24, s4, $0xb8;
	[tilespmem:$0x1C200] =	vst v63  }
0x296: {  	_ =	swait.ge [sflag:s13], $0x6400  }
0x297: {  	[sflag:s13] =	ssyncset.done $0x0  }
0x298: {  	s28 =	rddreg [dreg:$0x13];
	[sflag:s13] =	ssyncadd.s32 $0xFFFF9C00  }
0x299: {  	[hbm4b:s28+s3] =	stream.linear.scatter [tilespmem:s7], [sflag:$0xA], $0x6400, $0x38;
	[tilespmem:$0x1C200] =	vst v63  }
0x29a: {  	_ =	swait.ge [sflag:s17], $0x6400  }
0x29b: {  	[sflag:s17] =	ssyncset.done $0x0  }
0x29c: {  	[sflag:s17] =	ssyncadd.s32 $0xFFFF9C00  }
0x29d: {  	[tilespmem:s5], [sflag:$0x7] =	stream.indirect.gather.add.f32 [hbm:s2], $0x40, s23, s4, $0xb8;
	[tilespmem:$0x1C200] =	vst v63  }
0x29e: {  	_ =	swait.ge [sflag:s14], $0x6400  }
0x29f: {  	[sflag:s14] =	ssyncset.done $0x0  }
0x2a0: {  	s29 =	rddreg [dreg:$0x14];
	[sflag:s14] =	ssyncadd.s32 $0xFFFF9C00  }
0x2a1: {  	[hbm4b:s29+s3] =	stream.linear.scatter [tilespmem:s5], [sflag:$0xB], $0x6400, $0x38;
	[tilespmem:$0x1C200] =	vst v63  }
0x2a2: {  	_ =	swait.ge [sflag:s18], $0x6400  }
0x2a3: {  	[sflag:s18] =	ssyncset.done $0x0  }
0x2a4: {  	s30 =	simm.s32 $0x3070;
	[sflag:s18] =	ssyncadd.s32 $0xFFFF9C00  }
0x2a5: {  	[tilespmem:s6], [sflag:$0x8] =	stream.indirect.gather.add.f32 [hbm:s2], $0x40, s30, s4, $0xb8;
	[tilespmem:$0x1C200] =	vst v63  }
0x2a6: {  	_ =	swait.ge [sflag:s15], $0x6400  }
0x2a7: {  	[sflag:s15] =	ssyncset.done $0x0  }
0x2a8: {  	s31 =	rddreg [dreg:$0x15];
	[sflag:s15] =	ssyncadd.s32 $0xFFFF9C00  }
0x2a9: {  	[hbm4b:s31+s3] =	stream.linear.scatter [tilespmem:s6], [sflag:$0xC], $0x6400, $0x38;
	[tilespmem:$0x1C200] =	vst v63  }
0x2aa: {  	_ =	swait.ge [sflag:s8], $0x6400  }
0x2ab: {  	[sflag:s8] =	ssyncset.done $0x0  }
0x2ac: {  	[sflag:s8] =	ssyncadd.s32 $0xFFFF9C00  }
0x2ad: {  	_ =	swait.ge [sflag:s9], $0x6400  }
0x2ae: {  	[sflag:s9] =	ssyncset.done $0x0  }
0x2af: {  	[sflag:s9] =	ssyncadd.s32 $0xFFFF9C00  }
0x2b0: {  	_ =	swait.ge [sflag:s12], $0x6400  }
0x2b1: {  	[sflag:s12] =	ssyncset.done $0x0  }
0x2b2: {  	[sflag:s12] =	ssyncadd.s32 $0xFFFF9C00  }
0x2b3: {  	_ =	swait.ge [sflag:s11], $0x6400  }
0x2b4: {  	[sflag:s11] =	ssyncset.done $0x0  }
0x2b5: {  	[sflag:s11] =	ssyncadd.s32 $0xFFFF9C00  }
0x2b6: {  	_ =	sfence.sel $0x180000  }
0x2b7: {  	[bflag:$0x0] =	sbarrier.arrive $0xFFFF  }
0x2b8: {  	_ =	strace $0x90000047  }
0x2b9: {  	[bflag:$0x2] =	sbarrier.arrive $0xFFFF  }
0x2ba: {  	p0 =	sne.s32 s21, $0x0;
	s0 =	rddreg [dreg:$0x3]  }
0x2bb: {  	s0 =	sadd.s32 @!p0 $0x100000, s0  }
0x2bc: {  	[sflag:s0] =	ssyncadd.tile.s32 @!p0 $0x1;
	_ =	shalt  }
.LBB2_1:
.Ltmp3:
0x2bd: {  	(pc) =	sbr.rel .LBB2_6-.Ltmp3, $4  }
0x2be: {  	_ = 	snop  }
0x2bf: {  	s22 =	simm.s32 $0x1450  }
0x2c0: {  	s29 =	simm.s32 $0x2A30;
	s28 =	simm.s32 $0x15E0;
	s26 =	simm.s32 $0x2BC0  }
0x2c1: {  	s25 =	simm.s32 $0x1770;
	s24 =	simm.s32 $0x2D50;
	s23 =	simm.s32 $0x2EE0  }
.LBB2_3:
.Ltmp4:
0x2c2: {  	(pc) =	sbr.rel .LBB2_6-.Ltmp4, $4  }
0x2c3: {  	_ = 	snop  }
0x2c4: {  	s22 =	simm.s32 $0x1450;
	s29 =	simm.s32 $0x2A30  }
0x2c5: {  	s28 =	simm.s32 $0x15E0;
	s26 =	simm.s32 $0x2BC0;
	s25 =	simm.s32 $0x1770  }
0x2c6: {  	s24 =	simm.s32 $0x2D50;
	s23 =	simm.s32 $0x2EE0;
	s21 =	stileid.u32  }
.Lfunc_end2:
_tile_overlayer_lowered:
.L_overlay_start_2:
0x2c7: {  	(tag) =	ssettag $0x2  }
0x2c8: {  	s0 =	rddreg [dreg:$0x0];
	s2 =	stileid.u32  }
0x2c9: {  	s1 =	rddreg [dreg:$0x1];
	p0 =	sne.s32 s2, $0x0  }
0x2ca: {  	s3 =	rddreg [dreg:$0x2];
	[bflag:$0x3] =	sbarrier.arrive $0xFFFF;
	s2 =	simm.s32 @!p0 $0x1C0D  }
0x2cb: {  	[timem:s3], [sflag:s2] =	dma.local @!p0 [hbm:s0], s1  }
0x2cc: {  	s0 =	simm.s32 @!p0 $0xD  }
0x2cd: {  	_ =	swait.ge @!p0 [sflag:s0], s1  }
0x2ce: {  	s1 =	ssub.s32 @!p0 $0x0, s1;
	[sflag:s0] =	ssyncset.done @!p0 $0x0  }
0x2cf: {  	[sflag:s0] =	ssyncadd.s32 @!p0 s1  }
0x2d0: {  	[bflag:$0x3] =	sbarrier.arrive $0xFFFF  }
0x2d1: {  	_ =	shalt  }

// kernel: sparse-core-data-format-call.cloned.1.call-start
scs
called_computation_lowered:
.L_overlay_start_0:
0x0: {  	s2 =	sld [smem:$0x3FD9]  }
0x1: {  	s3 =	sld [smem:$0x3FFE];
	_ =	sdelay $0x1  }
0x2: {  	s1 =	srdreg.scid  }
0x3: {  	s0 =	sand.u32 $0x1, s1  }
0x4: {  	s15 =	sshll.u32 s0, $0xA;
	s2 =	sadd.s32 s3, s2  }
0x5: {  	s2 =	sadd.s32 s2, s15  }
0x6: {  	[smem:$0x3FC6] =	sst s2  }
0x7: {  	_ = 	snop  }
0x8: {  	s2 =	sld [smem:$0x3FD0];
	_ =	sdelay $0x2  }
0x9: {  	s16 =	simm.s32 $0xA;
	s4 =	simm.s32 $0x10  }
0xa: {  	[smem:s4], [sflag:s16] =	dma.local [hbm:s2], $0x1  }
0xb: {  	_ =	swait.eq [sflag:s16], $0x1  }
0xc: {  	[sflag:s16] =	ssyncset.done $0x0  }
0xd: {  	[sflag:s16] =	ssyncadd.s32 $0xFFFFFFFF  }
0xe: {  	s17 =	sld [smem:$0x10];
	(tm) =	ssettm $0x1  }
0xf: {  	s18 =	sld [smem:$0x3FFB];
	_ =	sdelay $0x3  }
0x10: {  	_ =	strace s18  }
0x11: {  	s3 =	sld [smem:$0x3FFC];
	_ =	sdelay $0x3  }
0x12: {  	_ =	strace s3  }
0x13: {  	s3 =	sld [smem:$0x3FFD];
	_ =	sdelay $0x3  }
0x14: {  	_ =	strace s3  }
0x15: {  	_ =	strace $0x8FFFFFFF  }
0x16: {  	s19 =	sld [smem:$0x3FDB];
	_ =	sdelay $0x1  }
0x17: {  	s20 =	simm.s32 $_scs_section_size  }
0x18: {  	s5 =	simm.s32 $_size__tile_overlayer_lowered;
	s6 =	simm.s32 $_tile_overlayer_lowered  }
0x19: {  	s23 =	simm.s32 $0x1BFF;
	s22 =	sshll.u32 s6, $0x1;
	s3 =	sadd.s32 s20, s19  }
0x1a: {  	s7 =	simm.s32 $0x0;
	s21 =	sshll.u32 s5, $0x1;
	s5 =	sadd.s32 s22, s3  }
0x1b: {  	[timem:s7], [sflag:s23] =	dma.local [hbm:s5], s21  }
0x1c: {  	_ =	swait.ge [sflag:s23], s21  }
0x1d: {  	s4 =	ssub.s32 $0x0, s21;
	[sflag:s23] =	ssyncset.done $0x0  }
0x1e: {  	[sflag:s23] =	ssyncadd.s32 s4;
	_ =	sdelay $0x1  }
0x1f: {  	s24 =	simm.s32 $0x1B8B  }
0x20: {  	_ =	swait.ge [sflag:s24], $0x1  }
0x21: {  	[sflag:s24] =	ssyncset.done $0x0  }
0x22: {  	s26 =	simm.s32 $0x1B8E;
	s25 =	sld [smem:$0x3FFE];
	[sflag:s24] =	ssyncadd.s32 $0xFFFFFFFF  }
0x23: {  	s27 =	simm.s32 $execute0_lowered;
	[smem:$0x3FD2] =	sst s26  }
0x24: {  	s5 =	sshll.u32 s27, $0x1;
	_ =	strace $0x80000049;
	[dreg:$0x1] =	wrdreg $0xFFFFFFFF  }
0x25: {  	s28 =	simm.s32 $_size_execute0_lowered;
	s3 =	sadd.s32 s3, s5;
	[dreg:$0x0] =	wrdreg $0x0  }
0x26: {  	s5 =	sshll.u32 s28, $0x1;
	[dreg:$0x2] =	wrdreg s3  }
0x27: {  	[dreg:$0x3] =	wrdreg s5  }
0x28: {  	[dreg:$0x4] =	wrdreg $0xC0  }
0x29: {  	_ =	task [dreg:s7], $0x5FFFF  }
0x2a: {  	[dreg:$0x1] =	wrdreg $0xFFFFFFFF  }
0x2b: {  	[dreg:$0x0] =	wrdreg $0x60  }
0x2c: {  	[dreg:$0x2] =	wrdreg s25  }
0x2d: {  	[dreg:$0x3] =	wrdreg s17  }
0x2e: {  	[dreg:$0x4] =	wrdreg $0x9  }
0x2f: {  	_ =	task.clear_ibuf [dreg:s7], $0x5FFFF;
	_ =	strace $0x90000049  }
0x30: {  	s29 =	simm.s32 $0x9;
	_ =	strace $0x8000004B  }
0x31: {  	_ =	swait.ge [sflag:s29], $0x1  }
0x32: {  	[sflag:s29] =	ssyncadd.s32 $0xFFFFFFFF  }
0x33: {  	_ =	strace $0x9000004B  }
0x34: {  	_ =	sfence  }
0x35: {  	s30 =	sld [smem:$0x0];
	_ =	sdelay $0x2  }
0x36: {  	s31 =	sshll.u32 s1, $0xD;
	s1 =	sshrl.u32 s1, $0x2  }
0x37: {  	s3 =	sand.u32 $0x4000, s31;
	s1 =	sadd.s32 s1, s30  }
0x38: {  	s0 =	sor.u32 s3, s0;
	s1 =	sshll.u32 s1, $0x11  }
0x39: {  	s0 =	sor.u32 s1, s0  }
0x3a: {  	s0 =	sadd.s32 $0x8F2B, s0  }
0x3b: {  	[sflag:s0] =	ssyncadd.remote.s32 $0x1  }
0x3c: {  	_ =	sfence.sel $0xFFFF  }
0x3d: {  	[dreg:$0x0] =	wrdreg $0xFFFFFFFF;
	(pc) =	sbr.abs _section_cstart, $3  }
0x3e: {  	[dreg:$0x1] =	wrdreg $0xFFFFFFFF  }
0x3f: {  	_ =	task.clear_ibuf [dreg:s7], $0x2FFFF;
	_ =	strace $0x9FFFFFFF  }
0x40: {  	(tm) =	ssettm $0x7FFFFFFF  }
0x41: {  	_ =	shalt  }
tec
execute0_lowered:
.L_overlay_start_1:
0x0: {  	(tag) =	ssettag $0x1  }
0x1: {  	s0 =	stileid.u32;
	s6 =	rddreg [dreg:$0x0]  }
0x2: {  	s2 =	rddreg [dreg:$0x1];
	s5 =	srdreg.scid  }
0x3: {  	s31 =	simm.s32 $0x2;
	s13 =	simm.s32 $0x0;
	s1 =	sshll.u32 s0, $0x7  }
0x4: {  	s14 =	simm.s32 $0x0;
	s12 =	simm.s32 $0x0;
	s3 =	sand.u32 $0x380, s1  }
0x5: {  	s5 =	sshll.u32 s5, $0x4;
	s6 =	sadd.s32 $0xC00, s6;
	s4 =	ssub.s32 $0x400, s3  }
0x6: {  	s1 =	rddreg [dreg:$0x2];
	_ =	strace $0x8000004A;
	s7 =	sand.u32 $0x380, s4  }
0x7: {  	s5 =	sand.u32 $0x10, s5;
	p0 =	sne.s32 s7, $0x0;
	s7 =	simm.s32 $0x1  }
.Ltmp0:
0x8: {  	s8 =	sshrl.u32 s4, $0xA;
	s7 =	simm.s32 @!p0 $0x0;
	(pc) =	sbr.rel .LBB1_1-.Ltmp0, $4  }
0x9: {  	s9 =	sor.u32 s0, s5;
	s4 =	simm.s32 $0x1;
	s30 =	sadd.s32 s7, s8  }
0xa: {  	s11 =	smov.u32 s3;
	[sflag:s4] =	ssyncpa.u1 $0x0;
	s5 =	smul.u32 $0x32, s30  }
0xb: {  	[sflag:s31] =	ssyncpa.u1 $0x0;
	p0 =	por $0x0, $0x0;
	s7 =	sshrl.u32 s9, $0x3  }
0xc: {  	s9 =	simm.s32 $0x2000;
	s10 =	smov.u32 s7;
	s8 =	sor.u32 $0x1, s5  }
.LBB1_4:
0xd: {  	s17 =	sand.u32 $0x1F80, s14;
	s13 =	sshll.u32 s13, $0xD  }
0xe: {  	[tilespmem:s16+$0x810 ss:$0x81] =	vst.msk $0xffff, v2;
	s18 =	sshrl.u32 s14, $0x3;
	s31 =	sand.u32 $0x7, s14;
	s17 =	sadd.s32 s2, s17  }
0xf: {  	[tilespmem:s16+$0x1020 ss:$0x81] =	vst.msk $0xffff, v0;
	s18 =	sand.u32 $0xF, s18;
	s14 =	sshll.u32 s31, $0x12;
	s13 =	sadd.s32 s13, s17  }
0x10: {  	[tilespmem:s16+$0x0 ss:$0x81] =	vst.msk $0xffff, v1;
	s14 =	sor.u32 $0x400, s14;
	s13 =	sadd.s32 s18, s13  }
0x11: {  	[hbm4b:s13+s14] =	stream.strided.scatter [tilespmem:s15], [sflag:$0x2], $0x2000, s9, s14, $0x20;
	[tilespmem:$0x8080] =	vst v63  }
.LBB1_5:
0x12: {  	s15 =	sadd.s32 $0x4, s10  }
0x13: {  	s13 =	sadd.s32 $0x400, s11;
	s17 =	smov.u32 s11;
	p2 =	sgt.s32 s15, $0xC7  }
0x14: {  	s17 =	smov.u32 @p2 s13  }
0x15: {  	s15 =	smov.u32 @p2 s7;
	p2 =	sgt.s32 s17, $0x3FF  }
0x16: {  	s17 =	smov.u32 @p2 s3;
	p2 =	sne.s32 s12, s8  }
.Ltmp1:
0x17: {  	p1 =	slt.u32 s12, $0x2;
	(pc) =	sbr.rel @!p2 .LBB1_6-.Ltmp1, $4  }
0x18: {  	s16 =	simm.s32 @!p1 $0x2  }
0x19: {  	s14 =	smov.u32 s11;
	p0 =	por !p0, !p0;
	_ =	swait.ge @!p1 [sflag:s16], $0x2000  }
0x1a: {  	s13 =	smov.u32 s10;
	[sflag:s16] =	ssyncset.done @!p1 $0x0;
	s10 =	smov.u32 s15  }
0x1b: {  	s12 =	sadd.s32 $0x1, s12;
	[sflag:s16] =	ssyncadd.s32 @!p1 $0xFFFFE000;
	s11 =	smov.u32 s17  }
.LBB1_1:
0x1c: {  	p1 =	sge.u32 s12, s5  }
0x1d: {  	s15 =	sand.u32 @!p1 $0x1FFFFFF, s10  }
0x1e: {  	s16 =	smulhi.u32 @!p1 $0x147AE15, s15;
	_ =	sdelay $0x1  }
0x1f: {  	s16 =	smul.u32 @!p1 $0xC8, s16  }
0x20: {  	s17 =	sxor.u32 @!p1 $0xFFFFFFFF, s12;
	s18 =	smul.u32 @!p1 $0xC80, s11  }
0x21: {  	s31 =	sadd.s32 $0xFFFFFFFF, s12;
	s17 =	sshll.u32 @!p1 s17, $0xD;
	s15 =	ssub.s32 @!p1 s15, s16  }
0x22: {  	s16 =	sand.u32 @!p1 $0x2000, s17;
	s17 =	sadd.s32 @!p1 s6, s18;
	s15 =	sshll.u32 @!p1 s15, $0x4  }
0x23: {  	s18 =	simm.s32 @!p1 $0x6400;
	s15 =	sadd.s32 @!p1 s15, s17;
	s17 =	simm.s32 @!p1 $0x40  }
0x24: {  	[tilespmem:s16], [sflag:$0x1] =	stream.strided.gather @!p1 [hbm4b:s15+s17], $0x2000, s18, s17, $0x38;
	[tilespmem:$0x8080] =	vst v63  }
0x25: {  	p1 =	sge.u32 s31, s5  }
.Ltmp2:
0x26: {  	_ = 	snop;
	(pc) =	sbr.rel @p1 .LBB1_5-.Ltmp2, $1  }
0x27: {  	_ =	sdelay $0x3  }
0x28: {  	s15 =	simm.s32 $0x1  }
0x29: {  	_ =	swait.ge [sflag:s4], $0x2000;
	s15 =	simm.s32 @!p0 $0x0  }
0x2a: {  	[sflag:s4] =	ssyncset.done $0x0;
	s16 =	sshll.u32 s15, $0xD  }
0x2b: {  	[sflag:s4] =	ssyncadd.s32 $0xFFFFE000;
	s19 =	sor.u32 $0x20, s16  }
0x2c: {  	s15 =	smul.u32 $0x8100, s15;
	v3 =	vld [tilespmem:s19+$0x10]  }
0x2d: {  	s30 =	sand.u32 $0x1, s12;
	v2 =	vld [tilespmem:s19+$0xFFFFFFF0]  }
0x2e: {  	s16 =	smul.u32 $0x8100, s30;
	s15 =	sshrl.u32 s15, $0x2;
	v0 =	vld [tilespmem:s19+$0x0]  }
0x2f: {  	v1 =	vld [tilespmem:s19+$0xFFFFFFE0];
	s17 =	sor.u32 $0x4000, s15  }
0x30: {  	s31 =	sshrl.u32 s16, $0x2;
	s16 =	sadd.s32 $0x0, s17  }
0x31: {  	s18 =	simm.s32 $0x4;
	s19 =	sadd.s32 $0x40, s19;
	s15 =	sor.u32 $0x4000, s31;
	[tilespmem:s16+$0x1830 ss:$0x81] =	vst.msk $0xffff, v3  }
.LBB1_3:
0x32: {  	v3 =	vld [tilespmem:s19+$0x10];
	p1 =	sne.s32 s18, $0x1FC;
	[tilespmem:s16+$0x810 ss:$0x81] =	vst.msk $0xffff, v2;
	s20 =	smov.u32 s18;
	s18 =	sadd.s32 $0x4, s18  }
.Ltmp3:
0x33: {  	v2 =	vld [tilespmem:s19+$0xFFFFFFF0];
	[tilespmem:s16+$0x1020 ss:$0x81] =	vst.msk $0xffff, v0;
	(pc) =	sbr.rel @p1 .LBB1_3-.Ltmp3, $4  }
0x34: {  	v0 =	vld [tilespmem:s19+$0x0];
	[tilespmem:s16+$0x0 ss:$0x81] =	vst.msk $0xffff, v1  }
0x35: {  	s16 =	sshra.s32 s20, $0x2;
	v1 =	vld [tilespmem:s19+$0xFFFFFFE0]  }
0x36: {  	s16 =	sadd.s32 s16, s17  }
0x37: {  	s19 =	sadd.s32 $0x40, s19;
	[tilespmem:s16+$0x1830 ss:$0x81] =	vst.msk $0xffff, v3  }
.Ltmp4:
0x38: {  	_ = 	snop;
	(pc) =	sbr.rel .LBB1_4-.Ltmp4, $1  }
0x39: {  	_ =	sdelay $0x3  }
.LBB1_6:
0x3a: {  	_ =	sfence.sel $0x180000  }
0x3b: {  	s2 =	simm.s32 $0x1;
	[bflag:$0x0] =	sbarrier.arrive $0xFFFF  }
0x3c: {  	s31 =	simm.s32 $0x2;
	[sflag:s2] =	ssyncpa.u1 $0x1  }
0x3d: {  	[sflag:s31] =	ssyncpa.u1 $0x1  }
0x3e: {  	p0 =	sne.s32 s0, $0x0;
	_ =	strace $0x9000004A  }
0x3f: {  	s0 =	sadd.s32 @!p0 $0x100000, s1;
	[bflag:$0x2] =	sbarrier.arrive $0xFFFF  }
0x40: {  	[sflag:s0] =	ssyncadd.tile.s32 @!p0 $0x1;
	_ =	shalt  }
.Lfunc_end1:
_tile_overlayer_lowered:
.L_overlay_start_2:
0x41: {  	(tag) =	ssettag $0x2  }
0x42: {  	s0 =	rddreg [dreg:$0x0];
	s2 =	stileid.u32  }
0x43: {  	s1 =	rddreg [dreg:$0x1];
	p0 =	sne.s32 s2, $0x0  }
0x44: {  	s3 =	rddreg [dreg:$0x2];
	[bflag:$0x3] =	sbarrier.arrive $0xFFFF;
	s2 =	simm.s32 @!p0 $0x1C01  }
0x45: {  	[timem:s3], [sflag:s2] =	dma.local @!p0 [hbm:s0], s1  }
0x46: {  	s0 =	simm.s32 @!p0 $0x1  }
0x47: {  	_ =	swait.ge @!p0 [sflag:s0], s1  }
0x48: {  	s1 =	ssub.s32 @!p0 $0x0, s1;
	[sflag:s0] =	ssyncset.done @!p0 $0x0  }
0x49: {  	[sflag:s0] =	ssyncadd.s32 @!p0 s1  }
0x4a: {  	[bflag:$0x3] =	sbarrier.arrive $0xFFFF  }
0x4b: {  	_ =	shalt  }

</sc_bundles>
